<compile_context>
chip_gen: v7x
topology: tpu7x:2x2x1
jax: 0.10.2.dev20260603
libtpu: 0.0.44.dev20260713+nightly
codegen_flags: <defaults>
</compile_context>

<pallas_src>
import functools

import jax
import jax.numpy as jnp
import numpy as np
from jax import lax
from jax.experimental import pallas as pl
from jax.experimental.pallas import tpu as pltpu
from jax.experimental.pallas import tpu_sc as plsc

N_NODES = 10000
HEADS = 8
CH = 16
DIM = HEADS * CH
HHALF = HEADS // 2
HW = HHALF * CH

NC, NS = 2, 16
CHUNK = 32
TROWS = 10400
PAYW = HW + CH
ROWS_PAD = 10240
ROWS_PER_SUB = ROWS_PAD // NS
DUMMY_ROW = N_NODES + 16

_mesh = plsc.VectorSubcoreMesh(
    core_axis_name="c", subcore_axis_name="s", num_cores=NC, num_subcores=NS)


def _make_edge_pass(n_chunks):
  @functools.partial(
      pl.kernel,
      out_type=jax.ShapeDtypeStruct((NC, ROWS_PAD, PAYW), jnp.float32),
      mesh=_mesh,
      compiler_params=pltpu.CompilerParams(needs_layout_passes=False),
      scratch_types=[
          pltpu.VMEM((CHUNK, DIM), jnp.float32),
          pltpu.VMEM((CHUNK, DIM), jnp.float32),
          pltpu.VMEM((CHUNK, PAYW), jnp.float32),
          pltpu.VMEM((CHUNK, DIM), jnp.float32),
          pltpu.VMEM((CHUNK, DIM), jnp.float32),
          pltpu.VMEM((CHUNK, PAYW), jnp.float32),
          pltpu.VMEM((HEADS, CH), jnp.float32),
          pltpu.VMEM((CHUNK,), jnp.int32),
          pltpu.VMEM((CHUNK,), jnp.int32),
          pltpu.VMEM((CHUNK,), jnp.int32),
          pltpu.VMEM((CHUNK,), jnp.int32),
          pltpu.VMEM_SHARED((ROWS_PAD, PAYW), jnp.float32),
          pltpu.SemaphoreType.DMA,
          pltpu.SemaphoreType.DMA,
          pltpu.SemaphoreType.DMA,
          pltpu.SemaphoreType.DMA,
      ],
  )
  def edge_pass(xl_hbm, xr_hbm, src_hbm, dst_hbm, att_hbm, out_hbm,
                xl_v0, xr_v0, pay_v0, xl_v1, xr_v1, pay_v1, att_v,
                src_v0, dst_v0, src_v1, dst_v1,
                accum, sl0, sr0, sl1, sr1):
    xl_b = [xl_v0, xl_v1]
    xr_b = [xr_v0, xr_v1]
    pay_b = [pay_v0, pay_v1]
    src_b = [src_v0, src_v1]
    dst_b = [dst_v0, dst_v1]
    sl_b = [sl0, sl1]
    sr_b = [sr0, sr1]
    cid = lax.axis_index("c")
    sid = lax.axis_index("s")
    zero16 = jnp.zeros((CH,), jnp.float32)

    def zrow(r, _):
      for j in range(PAYW // CH):
        pay_v0[r, pl.ds(j * CH, CH)] = zero16
      return 0
    lax.fori_loop(0, CHUNK, zrow, 0)
    for j in range(ROWS_PER_SUB // CHUNK):
      pltpu.sync_copy(
          pay_v0, accum.at[pl.ds(sid * ROWS_PER_SUB + j * CHUNK, CHUNK)])
    plsc.subcore_barrier()

    pltpu.sync_copy(att_hbm, att_v)
    head0 = cid * HHALF

    def compute(b):
      xl_v, xr_v, pay_v = xl_b[b], xr_b[b], pay_b[b]

      def edge_body(e, _):
        den = jnp.zeros((CH,), jnp.float32)
        lanes = lax.broadcasted_iota(jnp.int32, (CH,), 0)
        for hh in range(HHALF):
          a = xl_v[e, pl.ds((head0 + hh) * CH, CH)]
          t = a + xr_v[e, pl.ds((head0 + hh) * CH, CH)]
          t = jnp.where(t > 0, t, 0.2 * t)
          logit = jnp.sum(t * att_v[head0 + hh, :])
          ex = jnp.exp(jnp.broadcast_to(logit, (CH,)))
          pay_v[e, pl.ds(hh * CH, CH)] = ex * a
          den = den + ex * (lanes == hh).astype(jnp.float32)
        pay_v[e, pl.ds(HW, CH)] = den
        return 0

      lax.fori_loop(0, CHUNK, edge_body, 0)

    def load_idx(k, b):
      base = (sid * n_chunks + k) * CHUNK
      pltpu.sync_copy(src_hbm.at[pl.ds(base, CHUNK)], src_b[b])
      pltpu.sync_copy(dst_hbm.at[pl.ds(base, CHUNK)], dst_b[b])

    def gather(b):
      c1 = pltpu.async_copy(xl_hbm.at[src_b[b]], xl_b[b], sl_b[b])
      c2 = pltpu.async_copy(xr_hbm.at[dst_b[b]], xr_b[b], sr_b[b])
      return c1, c2

    def pair_body(j2, _):
      load_idx(2 * j2, 0)
      ca1, ca2 = gather(0)
      ca1.wait()
      ca2.wait()
      load_idx(2 * j2 + 1, 1)
      cb1, cb2 = gather(1)
      compute(0)
      pltpu.sync_copy(pay_b[0], accum.at[dst_b[0]], add=True)
      cb1.wait()
      cb2.wait()
      compute(1)
      pltpu.sync_copy(pay_b[1], accum.at[dst_b[1]], add=True)
      return 0

    lax.fori_loop(0, n_chunks // 2, pair_body, 0)
    plsc.subcore_barrier()
    pltpu.sync_copy(
        accum.at[pl.ds(sid * ROWS_PER_SUB, ROWS_PER_SUB)],
        out_hbm.at[cid, pl.ds(sid * ROWS_PER_SUB, ROWS_PER_SUB)])

  return edge_pass


_ROW_BLK = 400


def _mm_pair_body(x_ref, wl_ref, wr_ref, xl_ref, xr_ref):
  xb = x_ref[...]
  xl_ref[...] = jnp.dot(xb, wl_ref[...], preferred_element_type=jnp.float32)
  xr_ref[...] = jnp.dot(xb, wr_ref[...], preferred_element_type=jnp.float32)


def _mm_pair(x, wl, wr):
  grid = (TROWS // _ROW_BLK,)
  return pl.pallas_call(
      _mm_pair_body,
      grid=grid,
      in_specs=[
          pl.BlockSpec((_ROW_BLK, DIM),
                       lambda i: (jnp.minimum(i, N_NODES // _ROW_BLK - 1), 0)),
          pl.BlockSpec((DIM, DIM), lambda i: (0, 0)),
          pl.BlockSpec((DIM, DIM), lambda i: (0, 0)),
      ],
      out_specs=[
          pl.BlockSpec((_ROW_BLK, DIM), lambda i: (i, 0)),
          pl.BlockSpec((_ROW_BLK, DIM), lambda i: (i, 0)),
      ],
      out_shape=[
          jax.ShapeDtypeStruct((TROWS, DIM), jnp.float32),
          jax.ShapeDtypeStruct((TROWS, DIM), jnp.float32),
      ],
  )(x, wl, wr)


def _mid_body(acc_ref, b_ref, nm_ref, dm_ref, wl_ref, wr_ref,
              xl_ref, xr_ref):
  num = (jnp.dot(acc_ref[0], nm_ref[0], preferred_element_type=jnp.float32)
         + jnp.dot(acc_ref[1], nm_ref[1], preferred_element_type=jnp.float32))
  den = (jnp.dot(acc_ref[0], dm_ref[0], preferred_element_type=jnp.float32)
         + jnp.dot(acc_ref[1], dm_ref[1], preferred_element_type=jnp.float32))
  h = num / den + b_ref[...]
  h = jnp.where(h > 0, h, jnp.exp(h) - 1.0)
  xl_ref[...] = jnp.dot(h, wl_ref[...], preferred_element_type=jnp.float32)
  xr_ref[...] = jnp.dot(h, wr_ref[...], preferred_element_type=jnp.float32)


def _mid(acc, b, nmat, dmat, wl, wr):
  grid = (TROWS // _ROW_BLK,)
  return pl.pallas_call(
      _mid_body,
      grid=grid,
      in_specs=[
          pl.BlockSpec((NC, _ROW_BLK, PAYW),
                       lambda i: (0, jnp.minimum(i, N_NODES // _ROW_BLK - 1),
                                  0)),
          pl.BlockSpec((1, DIM), lambda i: (0, 0)),
          pl.BlockSpec((NC, PAYW, DIM), lambda i: (0, 0, 0)),
          pl.BlockSpec((NC, PAYW, DIM), lambda i: (0, 0, 0)),
          pl.BlockSpec((DIM, DIM), lambda i: (0, 0)),
          pl.BlockSpec((DIM, DIM), lambda i: (0, 0)),
      ],
      out_specs=[
          pl.BlockSpec((_ROW_BLK, DIM), lambda i: (i, 0)),
          pl.BlockSpec((_ROW_BLK, DIM), lambda i: (i, 0)),
      ],
      out_shape=[
          jax.ShapeDtypeStruct((TROWS, DIM), jnp.float32),
          jax.ShapeDtypeStruct((TROWS, DIM), jnp.float32),
      ],
  )(acc, b, nmat, dmat, wl, wr)


def _final_body(acc_ref, b_ref, nm_ref, dm_ref, out_ref):
  num = (jnp.dot(acc_ref[0], nm_ref[0], preferred_element_type=jnp.float32)
         + jnp.dot(acc_ref[1], nm_ref[1], preferred_element_type=jnp.float32))
  den = (jnp.dot(acc_ref[0], dm_ref[0], preferred_element_type=jnp.float32)
         + jnp.dot(acc_ref[1], dm_ref[1], preferred_element_type=jnp.float32))
  v = num / den + b_ref[...]
  m = jnp.max(v, axis=1, keepdims=True)
  e = jnp.exp(v - m)
  out_ref[...] = (v - m) - jnp.log(jnp.sum(e, axis=1, keepdims=True))


def _final(acc, b, nmat, dmat):
  grid = (N_NODES // _ROW_BLK,)
  return pl.pallas_call(
      _final_body,
      grid=grid,
      in_specs=[
          pl.BlockSpec((NC, _ROW_BLK, PAYW), lambda i: (0, i, 0)),
          pl.BlockSpec((1, DIM), lambda i: (0, 0)),
          pl.BlockSpec((NC, PAYW, DIM), lambda i: (0, 0, 0)),
          pl.BlockSpec((NC, PAYW, DIM), lambda i: (0, 0, 0)),
      ],
      out_specs=pl.BlockSpec((_ROW_BLK, DIM), lambda i: (i, 0)),
      out_shape=jax.ShapeDtypeStruct((N_NODES, DIM), jnp.float32),
  )(acc, b, nmat, dmat)


_NMAT = np.zeros((NC, PAYW, DIM), np.float32)
_DMAT = np.zeros((NC, PAYW, DIM), np.float32)
for _c in range(NC):
  for _j in range(HW):
    _NMAT[_c, _j, _c * HW + _j] = 1.0
  for _hh in range(HHALF):
    _g = _c * HHALF + _hh
    _DMAT[_c, HW + _hh, _g * CH:(_g + 1) * CH] = 1.0
_NMAT.setflags(write=False)
_DMAT.setflags(write=False)


def kernel(x, edge_index, W1l, W1r, att1, b1, W2l, W2r, att2, b2):
  e_in = edge_index.shape[1]
  e_tot = e_in + N_NODES
  n_chunks = -(-e_tot // (NS * CHUNK))
  n_chunks += n_chunks % 2
  e_pad = NS * n_chunks * CHUNK - e_tot

  loop = jnp.arange(N_NODES, dtype=jnp.int32)
  src = jnp.concatenate([edge_index[0].astype(jnp.int32), loop,
                         jnp.zeros((e_pad,), jnp.int32)])
  dst = jnp.concatenate([edge_index[1].astype(jnp.int32), loop,
                         jnp.full((e_pad,), DUMMY_ROW, jnp.int32)])

  nmat = jnp.asarray(_NMAT)
  dmat = jnp.asarray(_DMAT)
  edge_pass = _make_edge_pass(n_chunks)

  xl1, xr1 = _mm_pair(x, W1l, W1r)
  acc1 = edge_pass(xl1, xr1, src, dst, att1)
  xl2, xr2 = _mid(acc1, b1.reshape(1, DIM), nmat, dmat, W2l, W2r)
  acc2 = edge_pass(xl2, xr2, src, dst, att2)
  return _final(acc2, b2.reshape(1, DIM), nmat, dmat)

# --- scband reference (transcript-rebuilt; emitter-appended) ---
"""Pipeline reference for scband-gatv2-18433999635058 (READ-ONLY COPY).

The authoritative reference and input builder live on the scoring server;
editing this copy changes nothing except your own understanding.
"""

import jax, jax.numpy as jnp
import numpy as np

N = 10000
E = 320000
DIM_IN = 128
DIM_H = 16
DIM_OUT = 16
HEADS = 8


def segment_softmax(logits, seg, num_segments):
    m = jax.ops.segment_max(logits, seg, num_segments=num_segments)
    m = jnp.where(jnp.isfinite(m), m, 0.0)
    ex = jnp.exp(logits - m[seg])
    den = jax.ops.segment_sum(ex, seg, num_segments=num_segments)
    return ex / (den[seg] + 1e-16)


def gatv2_conv(x, src, dst, Wl, Wr, att, bias, num_nodes, heads, out_ch):
    # GATv2Conv (PyG semantics, concat=True, negative_slope=0.2, self-loops already in src/dst)
    xl = (x @ Wl).reshape(num_nodes, heads, out_ch)
    xr = (x @ Wr).reshape(num_nodes, heads, out_ch)
    e = xl[src] + xr[dst]
    e = jnp.where(e > 0, e, 0.2 * e)  # LeakyReLU(0.2)
    logits = jnp.einsum('ehc,hc->eh', e, att)
    alpha = segment_softmax(logits, dst, num_nodes)
    out = jax.ops.segment_sum(xl[src] * alpha[:, :, None], dst, num_segments=num_nodes)
    return out.reshape(num_nodes, heads * out_ch) + bias


def setup_inputs(seed: int = 0) -> dict:
    key = jax.random.key(seed)
    ks = jax.random.split(key, 10)
    x = jax.random.normal(ks[0], (N, DIM_IN), dtype=jnp.float32)
    edge_index = jax.random.randint(ks[1], (2, E), 0, N)
    s1 = 1.0 / np.sqrt(DIM_IN)
    s2 = 1.0 / np.sqrt(HEADS * DIM_H)
    sh1 = 1.0 / np.sqrt(DIM_H)
    sh2 = 1.0 / np.sqrt(DIM_OUT)
    W1l = jax.random.normal(ks[2], (DIM_IN, HEADS * DIM_H), dtype=jnp.float32) * s1
    W1r = jax.random.normal(ks[3], (DIM_IN, HEADS * DIM_H), dtype=jnp.float32) * s1
    att1 = jax.random.normal(ks[4], (HEADS, DIM_H), dtype=jnp.float32) * sh1
    b1 = jnp.zeros((HEADS * DIM_H,), dtype=jnp.float32)
    W2l = jax.random.normal(ks[5], (HEADS * DIM_H, HEADS * DIM_OUT), dtype=jnp.float32) * s2
    W2r = jax.random.normal(ks[6], (HEADS * DIM_H, HEADS * DIM_OUT), dtype=jnp.float32) * s2
    att2 = jax.random.normal(ks[7], (HEADS, DIM_OUT), dtype=jnp.float32) * sh2
    b2 = jnp.zeros((HEADS * DIM_OUT,), dtype=jnp.float32)
    return {"x": x, "edge_index": edge_index, "W1l": W1l, "W1r": W1r, "att1": att1,
            "b1": b1, "W2l": W2l, "W2r": W2r, "att2": att2, "b2": b2}


def reference(x, edge_index, W1l, W1r, att1, b1, W2l, W2r, att2, b2):
    # F.dropout in eval mode -> identity
    loop = jnp.arange(N, dtype=edge_index.dtype)
    src = jnp.concatenate([edge_index[0], loop])  # add_self_loops=True (PyG default)
    dst = jnp.concatenate([edge_index[1], loop])
    h = gatv2_conv(x, src, dst, W1l, W1r, att1, b1, N, HEADS, DIM_H)
    h = jax.nn.elu(h)
    h = gatv2_conv(h, src, dst, W2l, W2r, att2, b2, N, HEADS, DIM_OUT)
    return jax.nn.log_softmax(h, axis=1)

if __name__ == "__main__":
    import jax
    _d = setup_inputs()
    print(jax.jit(kernel)(*tuple(_d.values())))

</pallas_src>

<mosaic_0001>
#map = affine_map<(d0, d1) -> (0, 0)>
#map1 = affine_map<(d0, d1) -> (0)>
#map2 = affine_map<(d0, d1) -> (0, 0, 0)>
module attributes {stable_mosaic.version = 14 : i64} {
  func.func @edge_pass(%arg0: i32, %arg1: i32, %arg2: memref<10400x128xf32, #tpu.memory_space<hbm>>, %arg3: memref<10400x128xf32, #tpu.memory_space<hbm>>, %arg4: memref<330752xi32, #tpu.memory_space<hbm>>, %arg5: memref<330752xi32, #tpu.memory_space<hbm>>, %arg6: memref<8x16xf32, #tpu.memory_space<hbm>>, %arg7: memref<2x10240x80xf32, #tpu.memory_space<hbm>>, %arg8: memref<32x128xf32, #tpu.memory_space<vmem>>, %arg9: memref<32x128xf32, #tpu.memory_space<vmem>>, %arg10: memref<32x80xf32, #tpu.memory_space<vmem>>, %arg11: memref<32x128xf32, #tpu.memory_space<vmem>>, %arg12: memref<32x128xf32, #tpu.memory_space<vmem>>, %arg13: memref<32x80xf32, #tpu.memory_space<vmem>>, %arg14: memref<8x16xf32, #tpu.memory_space<vmem>>, %arg15: memref<32xi32, #tpu.memory_space<vmem>>, %arg16: memref<32xi32, #tpu.memory_space<vmem>>, %arg17: memref<32xi32, #tpu.memory_space<vmem>>, %arg18: memref<32xi32, #tpu.memory_space<vmem>>, %arg19: memref<10240x80xf32, #tpu.memory_space<vmem_shared>>, %arg20: memref<!tpu.dma_semaphore, #tpu.memory_space<semaphore_mem>>, %arg21: memref<!tpu.dma_semaphore, #tpu.memory_space<semaphore_mem>>, %arg22: memref<!tpu.dma_semaphore, #tpu.memory_space<semaphore_mem>>, %arg23: memref<!tpu.dma_semaphore, #tpu.memory_space<semaphore_mem>>) attributes {dimension_semantics = [#tpu.dimension_semantics<core_parallel>, #tpu.dimension_semantics<subcore_parallel>], iteration_bounds = array<i64: 2, 16>, scalar_prefetch = 0 : i64, scratch_operands = 16 : i64, tpu.core_type = #tpu.core_type<sc_vector_subcore>, window_params = [{transform_indices = #map}, {transform_indices = #map}, {transform_indices = #map1}, {transform_indices = #map1}, {transform_indices = #map}, {transform_indices = #map2}]} {
    %broadcast_in_dim3A = arith.constant 0.000000e+00 : f32
    %broadcast_in_dim3A_0 = vector.broadcast %broadcast_in_dim3A : f32 to vector<16xf32>
    %scan3A = arith.constant 0 : i32
    %scan3A_1 = arith.constant 0 : i32
    %scan3A_2 = arith.constant 32 : i32
    %scan3A_3 = arith.addi %scan3A_1, %scan3A_2 : i32
    %scan3A_4 = arith.constant 1 : i32
    %scan3A_5 = scf.for %scan3A_99 = %scan3A_1 to %scan3A_3 step %scan3A_4 iter_args(%scan3A_100 = %scan3A) -> (i32)  : i32 {
      %swap3A = arith.index_cast %scan3A_99 : i32 to index
      %swap3A_101 = arith.constant 0 : index
      %swap3A_102 = tpu.vector_load %arg10[%swap3A, %swap3A_101] {strides = array<i32>} : memref<32x80xf32, #tpu.memory_space<vmem>>, vector<16xf32>,
      tpu.vector_store %arg10[%swap3A, %swap3A_101], %broadcast_in_dim3A_0 {strides = array<i32>} : memref<32x80xf32, #tpu.memory_space<vmem>>, vector<16xf32>,
      %swap3A_103 = arith.index_cast %scan3A_99 : i32 to index
      %swap3A_104 = arith.constant 16 : index
      %swap3A_105 = tpu.vector_load %arg10[%swap3A_103, %swap3A_104] {strides = array<i32>} : memref<32x80xf32, #tpu.memory_space<vmem>>, vector<16xf32>,
      tpu.vector_store %arg10[%swap3A_103, %swap3A_104], %broadcast_in_dim3A_0 {strides = array<i32>} : memref<32x80xf32, #tpu.memory_space<vmem>>, vector<16xf32>,
      %swap3A_106 = arith.index_cast %scan3A_99 : i32 to index
      %swap3A_107 = arith.constant 32 : index
      %swap3A_108 = tpu.vector_load %arg10[%swap3A_106, %swap3A_107] {strides = array<i32>} : memref<32x80xf32, #tpu.memory_space<vmem>>, vector<16xf32>,
      tpu.vector_store %arg10[%swap3A_106, %swap3A_107], %broadcast_in_dim3A_0 {strides = array<i32>} : memref<32x80xf32, #tpu.memory_space<vmem>>, vector<16xf32>,
      %swap3A_109 = arith.index_cast %scan3A_99 : i32 to index
      %swap3A_110 = arith.constant 48 : index
      %swap3A_111 = tpu.vector_load %arg10[%swap3A_109, %swap3A_110] {strides = array<i32>} : memref<32x80xf32, #tpu.memory_space<vmem>>, vector<16xf32>,
      tpu.vector_store %arg10[%swap3A_109, %swap3A_110], %broadcast_in_dim3A_0 {strides = array<i32>} : memref<32x80xf32, #tpu.memory_space<vmem>>, vector<16xf32>,
      %swap3A_112 = arith.index_cast %scan3A_99 : i32 to index
      %swap3A_113 = arith.constant 64 : index
      %swap3A_114 = tpu.vector_load %arg10[%swap3A_112, %swap3A_113] {strides = array<i32>} : memref<32x80xf32, #tpu.memory_space<vmem>>, vector<16xf32>,
      tpu.vector_store %arg10[%swap3A_112, %swap3A_113], %broadcast_in_dim3A_0 {strides = array<i32>} : memref<32x80xf32, #tpu.memory_space<vmem>>, vector<16xf32>,
      %scan3A_115 = arith.constant 0 : i32
      scf.yield %scan3A_115 : i32
    }
    %scan3A_6 = arith.constant 32 : i32
    %mul3A = arith.constant 640 : i32
    %mul3A_7 = arith.muli %arg1, %mul3A : i32
    %add3A = arith.constant 0 : i32
    %add3A_8 = arith.addi %mul3A_7, %add3A : i32
    "tpu.region"() ({
      %run_scoped3A = tpu.sem_alloc : memref<!tpu.dma_semaphore, #tpu.memory_space<semaphore_mem>>
      %dma_start3A = arith.constant 0 : i32
      %dma_start3A_99 = tpu.memref_slice %arg19[%add3A_8, %dma_start3A] : memref<10240x80xf32, #tpu.memory_space<vmem_shared>> -> memref<32x80xf32, #tpu.memory_space<vmem_shared>>
      %dma_start3A_100 = arith.constant 0 : i32
      %dma_start3A_101 = tpu.memref_slice %arg19[%add3A_8, %dma_start3A_100] : memref<10240x80xf32, #tpu.memory_space<vmem_shared>> -> memref<32x80xf32, #tpu.memory_space<vmem_shared>>
      tpu.enqueue_dma source(%arg10 : memref<32x80xf32, #tpu.memory_space<vmem>>) target(%dma_start3A_101 : memref<32x80xf32, #tpu.memory_space<vmem_shared>>) target_semaphore(%run_scoped3A : memref<!tpu.dma_semaphore, #tpu.memory_space<semaphore_mem>>)
      %dma_wait3A = arith.constant 0 : i32
      %dma_wait3A_102 = tpu.memref_slice %arg19[%add3A_8, %dma_wait3A] : memref<10240x80xf32, #tpu.memory_space<vmem_shared>> -> memref<32x80xf32, #tpu.memory_space<vmem_shared>>
      %dma_wait3A_103 = arith.constant 0 : i32
      %dma_wait3A_104 = tpu.memref_slice %arg19[%add3A_8, %dma_wait3A_103] : memref<10240x80xf32, #tpu.memory_space<vmem_shared>> -> memref<32x80xf32, #tpu.memory_space<vmem_shared>>
      tpu.wait_dma2 semaphore(%run_scoped3A : memref<!tpu.dma_semaphore, #tpu.memory_space<semaphore_mem>>) src(%arg10 : memref<32x80xf32, #tpu.memory_space<vmem>>) dst(%dma_wait3A_104 : memref<32x80xf32, #tpu.memory_space<vmem_shared>>)
      tpu.yield
    }) : () -> ()
    %mul3A_9 = arith.constant 640 : i32
    %mul3A_10 = arith.muli %arg1, %mul3A_9 : i32
    %add3A_11 = arith.constant 32 : i32
    %add3A_12 = arith.addi %mul3A_10, %add3A_11 : i32
    "tpu.region"() ({
      %run_scoped3A = tpu.sem_alloc : memref<!tpu.dma_semaphore, #tpu.memory_space<semaphore_mem>>
      %dma_start3A = arith.constant 0 : i32
      %dma_start3A_99 = tpu.memref_slice %arg19[%add3A_12, %dma_start3A] : memref<10240x80xf32, #tpu.memory_space<vmem_shared>> -> memref<32x80xf32, #tpu.memory_space<vmem_shared>>
      %dma_start3A_100 = arith.constant 0 : i32
      %dma_start3A_101 = tpu.memref_slice %arg19[%add3A_12, %dma_start3A_100] : memref<10240x80xf32, #tpu.memory_space<vmem_shared>> -> memref<32x80xf32, #tpu.memory_space<vmem_shared>>
      tpu.enqueue_dma source(%arg10 : memref<32x80xf32, #tpu.memory_space<vmem>>) target(%dma_start3A_101 : memref<32x80xf32, #tpu.memory_space<vmem_shared>>) target_semaphore(%run_scoped3A : memref<!tpu.dma_semaphore, #tpu.memory_space<semaphore_mem>>)
      %dma_wait3A = arith.constant 0 : i32
      %dma_wait3A_102 = tpu.memref_slice %arg19[%add3A_12, %dma_wait3A] : memref<10240x80xf32, #tpu.memory_space<vmem_shared>> -> memref<32x80xf32, #tpu.memory_space<vmem_shared>>
      %dma_wait3A_103 = arith.constant 0 : i32
      %dma_wait3A_104 = tpu.memref_slice %arg19[%add3A_12, %dma_wait3A_103] : memref<10240x80xf32, #tpu.memory_space<vmem_shared>> -> memref<32x80xf32, #tpu.memory_space<vmem_shared>>
      tpu.wait_dma2 semaphore(%run_scoped3A : memref<!tpu.dma_semaphore, #tpu.memory_space<semaphore_mem>>) src(%arg10 : memref<32x80xf32, #tpu.memory_space<vmem>>) dst(%dma_wait3A_104 : memref<32x80xf32, #tpu.memory_space<vmem_shared>>)
      tpu.yield
    }) : () -> ()
    %mul3A_13 = arith.constant 640 : i32
    %mul3A_14 = arith.muli %arg1, %mul3A_13 : i32
    %add3A_15 = arith.constant 64 : i32
    %add3A_16 = arith.addi %mul3A_14, %add3A_15 : i32
    "tpu.region"() ({
      %run_scoped3A = tpu.sem_alloc : memref<!tpu.dma_semaphore, #tpu.memory_space<semaphore_mem>>
      %dma_start3A = arith.constant 0 : i32
      %dma_start3A_99 = tpu.memref_slice %arg19[%add3A_16, %dma_start3A] : memref<10240x80xf32, #tpu.memory_space<vmem_shared>> -> memref<32x80xf32, #tpu.memory_space<vmem_shared>>
      %dma_start3A_100 = arith.constant 0 : i32
      %dma_start3A_101 = tpu.memref_slice %arg19[%add3A_16, %dma_start3A_100] : memref<10240x80xf32, #tpu.memory_space<vmem_shared>> -> memref<32x80xf32, #tpu.memory_space<vmem_shared>>
      tpu.enqueue_dma source(%arg10 : memref<32x80xf32, #tpu.memory_space<vmem>>) target(%dma_start3A_101 : memref<32x80xf32, #tpu.memory_space<vmem_shared>>) target_semaphore(%run_scoped3A : memref<!tpu.dma_semaphore, #tpu.memory_space<semaphore_mem>>)
      %dma_wait3A = arith.constant 0 : i32
      %dma_wait3A_102 = tpu.memref_slice %arg19[%add3A_16, %dma_wait3A] : memref<10240x80xf32, #tpu.memory_space<vmem_shared>> -> memref<32x80xf32, #tpu.memory_space<vmem_shared>>
      %dma_wait3A_103 = arith.constant 0 : i32
      %dma_wait3A_104 = tpu.memref_slice %arg19[%add3A_16, %dma_wait3A_103] : memref<10240x80xf32, #tpu.memory_space<vmem_shared>> -> memref<32x80xf32, #tpu.memory_space<vmem_shared>>
      tpu.wait_dma2 semaphore(%run_scoped3A : memref<!tpu.dma_semaphore, #tpu.memory_space<semaphore_mem>>) src(%arg10 : memref<32x80xf32, #tpu.memory_space<vmem>>) dst(%dma_wait3A_104 : memref<32x80xf32, #tpu.memory_space<vmem_shared>>)
      tpu.yield
    }) : () -> ()
    %mul3A_17 = arith.constant 640 : i32
    %mul3A_18 = arith.muli %arg1, %mul3A_17 : i32
    %add3A_19 = arith.constant 96 : i32
    %add3A_20 = arith.addi %mul3A_18, %add3A_19 : i32
    "tpu.region"() ({
      %run_scoped3A = tpu.sem_alloc : memref<!tpu.dma_semaphore, #tpu.memory_space<semaphore_mem>>
      %dma_start3A = arith.constant 0 : i32
      %dma_start3A_99 = tpu.memref_slice %arg19[%add3A_20, %dma_start3A] : memref<10240x80xf32, #tpu.memory_space<vmem_shared>> -> memref<32x80xf32, #tpu.memory_space<vmem_shared>>
      %dma_start3A_100 = arith.constant 0 : i32
      %dma_start3A_101 = tpu.memref_slice %arg19[%add3A_20, %dma_start3A_100] : memref<10240x80xf32, #tpu.memory_space<vmem_shared>> -> memref<32x80xf32, #tpu.memory_space<vmem_shared>>
      tpu.enqueue_dma source(%arg10 : memref<32x80xf32, #tpu.memory_space<vmem>>) target(%dma_start3A_101 : memref<32x80xf32, #tpu.memory_space<vmem_shared>>) target_semaphore(%run_scoped3A : memref<!tpu.dma_semaphore, #tpu.memory_space<semaphore_mem>>)
      %dma_wait3A = arith.constant 0 : i32
      %dma_wait3A_102 = tpu.memref_slice %arg19[%add3A_20, %dma_wait3A] : memref<10240x80xf32, #tpu.memory_space<vmem_shared>> -> memref<32x80xf32, #tpu.memory_space<vmem_shared>>
      %dma_wait3A_103 = arith.constant 0 : i32
      %dma_wait3A_104 = tpu.memref_slice %arg19[%add3A_20, %dma_wait3A_103] : memref<10240x80xf32, #tpu.memory_space<vmem_shared>> -> memref<32x80xf32, #tpu.memory_space<vmem_shared>>
      tpu.wait_dma2 semaphore(%run_scoped3A : memref<!tpu.dma_semaphore, #tpu.memory_space<semaphore_mem>>) src(%arg10 : memref<32x80xf32, #tpu.memory_space<vmem>>) dst(%dma_wait3A_104 : memref<32x80xf32, #tpu.memory_space<vmem_shared>>)
      tpu.yield
    }) : () -> ()
    %mul3A_21 = arith.constant 640 : i32
    %mul3A_22 = arith.muli %arg1, %mul3A_21 : i32
    %add3A_23 = arith.constant 128 : i32
    %add3A_24 = arith.addi %mul3A_22, %add3A_23 : i32
    "tpu.region"() ({
      %run_scoped3A = tpu.sem_alloc : memref<!tpu.dma_semaphore, #tpu.memory_space<semaphore_mem>>
      %dma_start3A = arith.constant 0 : i32
      %dma_start3A_99 = tpu.memref_slice %arg19[%add3A_24, %dma_start3A] : memref<10240x80xf32, #tpu.memory_space<vmem_shared>> -> memref<32x80xf32, #tpu.memory_space<vmem_shared>>
      %dma_start3A_100 = arith.constant 0 : i32
      %dma_start3A_101 = tpu.memref_slice %arg19[%add3A_24, %dma_start3A_100] : memref<10240x80xf32, #tpu.memory_space<vmem_shared>> -> memref<32x80xf32, #tpu.memory_space<vmem_shared>>
      tpu.enqueue_dma source(%arg10 : memref<32x80xf32, #tpu.memory_space<vmem>>) target(%dma_start3A_101 : memref<32x80xf32, #tpu.memory_space<vmem_shared>>) target_semaphore(%run_scoped3A : memref<!tpu.dma_semaphore, #tpu.memory_space<semaphore_mem>>)
      %dma_wait3A = arith.constant 0 : i32
      %dma_wait3A_102 = tpu.memref_slice %arg19[%add3A_24, %dma_wait3A] : memref<10240x80xf32, #tpu.memory_space<vmem_shared>> -> memref<32x80xf32, #tpu.memory_space<vmem_shared>>
      %dma_wait3A_103 = arith.constant 0 : i32
      %dma_wait3A_104 = tpu.memref_slice %arg19[%add3A_24, %dma_wait3A_103] : memref<10240x80xf32, #tpu.memory_space<vmem_shared>> -> memref<32x80xf32, #tpu.memory_space<vmem_shared>>
      tpu.wait_dma2 semaphore(%run_scoped3A : memref<!tpu.dma_semaphore, #tpu.memory_space<semaphore_mem>>) src(%arg10 : memref<32x80xf32, #tpu.memory_space<vmem>>) dst(%dma_wait3A_104 : memref<32x80xf32, #tpu.memory_space<vmem_shared>>)
      tpu.yield
    }) : () -> ()
    %mul3A_25 = arith.constant 640 : i32
    %mul3A_26 = arith.muli %arg1, %mul3A_25 : i32
    %add3A_27 = arith.constant 160 : i32
    %add3A_28 = arith.addi %mul3A_26, %add3A_27 : i32
    "tpu.region"() ({
      %run_scoped3A = tpu.sem_alloc : memref<!tpu.dma_semaphore, #tpu.memory_space<semaphore_mem>>
      %dma_start3A = arith.constant 0 : i32
      %dma_start3A_99 = tpu.memref_slice %arg19[%add3A_28, %dma_start3A] : memref<10240x80xf32, #tpu.memory_space<vmem_shared>> -> memref<32x80xf32, #tpu.memory_space<vmem_shared>>
      %dma_start3A_100 = arith.constant 0 : i32
      %dma_start3A_101 = tpu.memref_slice %arg19[%add3A_28, %dma_start3A_100] : memref<10240x80xf32, #tpu.memory_space<vmem_shared>> -> memref<32x80xf32, #tpu.memory_space<vmem_shared>>
      tpu.enqueue_dma source(%arg10 : memref<32x80xf32, #tpu.memory_space<vmem>>) target(%dma_start3A_101 : memref<32x80xf32, #tpu.memory_space<vmem_shared>>) target_semaphore(%run_scoped3A : memref<!tpu.dma_semaphore, #tpu.memory_space<semaphore_mem>>)
      %dma_wait3A = arith.constant 0 : i32
      %dma_wait3A_102 = tpu.memref_slice %arg19[%add3A_28, %dma_wait3A] : memref<10240x80xf32, #tpu.memory_space<vmem_shared>> -> memref<32x80xf32, #tpu.memory_space<vmem_shared>>
      %dma_wait3A_103 = arith.constant 0 : i32
      %dma_wait3A_104 = tpu.memref_slice %arg19[%add3A_28, %dma_wait3A_103] : memref<10240x80xf32, #tpu.memory_space<vmem_shared>> -> memref<32x80xf32, #tpu.memory_space<vmem_shared>>
      tpu.wait_dma2 semaphore(%run_scoped3A : memref<!tpu.dma_semaphore, #tpu.memory_space<semaphore_mem>>) src(%arg10 : memref<32x80xf32, #tpu.memory_space<vmem>>) dst(%dma_wait3A_104 : memref<32x80xf32, #tpu.memory_space<vmem_shared>>)
      tpu.yield
    }) : () -> ()
    %mul3A_29 = arith.constant 640 : i32
    %mul3A_30 = arith.muli %arg1, %mul3A_29 : i32
    %add3A_31 = arith.constant 192 : i32
    %add3A_32 = arith.addi %mul3A_30, %add3A_31 : i32
    "tpu.region"() ({
      %run_scoped3A = tpu.sem_alloc : memref<!tpu.dma_semaphore, #tpu.memory_space<semaphore_mem>>
      %dma_start3A = arith.constant 0 : i32
      %dma_start3A_99 = tpu.memref_slice %arg19[%add3A_32, %dma_start3A] : memref<10240x80xf32, #tpu.memory_space<vmem_shared>> -> memref<32x80xf32, #tpu.memory_space<vmem_shared>>
      %dma_start3A_100 = arith.constant 0 : i32
      %dma_start3A_101 = tpu.memref_slice %arg19[%add3A_32, %dma_start3A_100] : memref<10240x80xf32, #tpu.memory_space<vmem_shared>> -> memref<32x80xf32, #tpu.memory_space<vmem_shared>>
      tpu.enqueue_dma source(%arg10 : memref<32x80xf32, #tpu.memory_space<vmem>>) target(%dma_start3A_101 : memref<32x80xf32, #tpu.memory_space<vmem_shared>>) target_semaphore(%run_scoped3A : memref<!tpu.dma_semaphore, #tpu.memory_space<semaphore_mem>>)
      %dma_wait3A = arith.constant 0 : i32
      %dma_wait3A_102 = tpu.memref_slice %arg19[%add3A_32, %dma_wait3A] : memref<10240x80xf32, #tpu.memory_space<vmem_shared>> -> memref<32x80xf32, #tpu.memory_space<vmem_shared>>
      %dma_wait3A_103 = arith.constant 0 : i32
      %dma_wait3A_104 = tpu.memref_slice %arg19[%add3A_32, %dma_wait3A_103] : memref<10240x80xf32, #tpu.memory_space<vmem_shared>> -> memref<32x80xf32, #tpu.memory_space<vmem_shared>>
      tpu.wait_dma2 semaphore(%run_scoped3A : memref<!tpu.dma_semaphore, #tpu.memory_space<semaphore_mem>>) src(%arg10 : memref<32x80xf32, #tpu.memory_space<vmem>>) dst(%dma_wait3A_104 : memref<32x80xf32, #tpu.memory_space<vmem_shared>>)
      tpu.yield
    }) : () -> ()
    %mul3A_33 = arith.constant 640 : i32
    %mul3A_34 = arith.muli %arg1, %mul3A_33 : i32
    %add3A_35 = arith.constant 224 : i32
    %add3A_36 = arith.addi %mul3A_34, %add3A_35 : i32
    "tpu.region"() ({
      %run_scoped3A = tpu.sem_alloc : memref<!tpu.dma_semaphore, #tpu.memory_space<semaphore_mem>>
      %dma_start3A = arith.constant 0 : i32
      %dma_start3A_99 = tpu.memref_slice %arg19[%add3A_36, %dma_start3A] : memref<10240x80xf32, #tpu.memory_space<vmem_shared>> -> memref<32x80xf32, #tpu.memory_space<vmem_shared>>
      %dma_start3A_100 = arith.constant 0 : i32
      %dma_start3A_101 = tpu.memref_slice %arg19[%add3A_36, %dma_start3A_100] : memref<10240x80xf32, #tpu.memory_space<vmem_shared>> -> memref<32x80xf32, #tpu.memory_space<vmem_shared>>
      tpu.enqueue_dma source(%arg10 : memref<32x80xf32, #tpu.memory_space<vmem>>) target(%dma_start3A_101 : memref<32x80xf32, #tpu.memory_space<vmem_shared>>) target_semaphore(%run_scoped3A : memref<!tpu.dma_semaphore, #tpu.memory_space<semaphore_mem>>)
      %dma_wait3A = arith.constant 0 : i32
      %dma_wait3A_102 = tpu.memref_slice %arg19[%add3A_36, %dma_wait3A] : memref<10240x80xf32, #tpu.memory_space<vmem_shared>> -> memref<32x80xf32, #tpu.memory_space<vmem_shared>>
      %dma_wait3A_103 = arith.constant 0 : i32
      %dma_wait3A_104 = tpu.memref_slice %arg19[%add3A_36, %dma_wait3A_103] : memref<10240x80xf32, #tpu.memory_space<vmem_shared>> -> memref<32x80xf32, #tpu.memory_space<vmem_shared>>
      tpu.wait_dma2 semaphore(%run_scoped3A : memref<!tpu.dma_semaphore, #tpu.memory_space<semaphore_mem>>) src(%arg10 : memref<32x80xf32, #tpu.memory_space<vmem>>) dst(%dma_wait3A_104 : memref<32x80xf32, #tpu.memory_space<vmem_shared>>)
      tpu.yield
    }) : () -> ()
    %mul3A_37 = arith.constant 640 : i32
    %mul3A_38 = arith.muli %arg1, %mul3A_37 : i32
    %add3A_39 = arith.constant 256 : i32
    %add3A_40 = arith.addi %mul3A_38, %add3A_39 : i32
    "tpu.region"() ({
      %run_scoped3A = tpu.sem_alloc : memref<!tpu.dma_semaphore, #tpu.memory_space<semaphore_mem>>
      %dma_start3A = arith.constant 0 : i32
      %dma_start3A_99 = tpu.memref_slice %arg19[%add3A_40, %dma_start3A] : memref<10240x80xf32, #tpu.memory_space<vmem_shared>> -> memref<32x80xf32, #tpu.memory_space<vmem_shared>>
      %dma_start3A_100 = arith.constant 0 : i32
      %dma_start3A_101 = tpu.memref_slice %arg19[%add3A_40, %dma_start3A_100] : memref<10240x80xf32, #tpu.memory_space<vmem_shared>> -> memref<32x80xf32, #tpu.memory_space<vmem_shared>>
      tpu.enqueue_dma source(%arg10 : memref<32x80xf32, #tpu.memory_space<vmem>>) target(%dma_start3A_101 : memref<32x80xf32, #tpu.memory_space<vmem_shared>>) target_semaphore(%run_scoped3A : memref<!tpu.dma_semaphore, #tpu.memory_space<semaphore_mem>>)
      %dma_wait3A = arith.constant 0 : i32
      %dma_wait3A_102 = tpu.memref_slice %arg19[%add3A_40, %dma_wait3A] : memref<10240x80xf32, #tpu.memory_space<vmem_shared>> -> memref<32x80xf32, #tpu.memory_space<vmem_shared>>
      %dma_wait3A_103 = arith.constant 0 : i32
      %dma_wait3A_104 = tpu.memref_slice %arg19[%add3A_40, %dma_wait3A_103] : memref<10240x80xf32, #tpu.memory_space<vmem_shared>> -> memref<32x80xf32, #tpu.memory_space<vmem_shared>>
      tpu.wait_dma2 semaphore(%run_scoped3A : memref<!tpu.dma_semaphore, #tpu.memory_space<semaphore_mem>>) src(%arg10 : memref<32x80xf32, #tpu.memory_space<vmem>>) dst(%dma_wait3A_104 : memref<32x80xf32, #tpu.memory_space<vmem_shared>>)
      tpu.yield
    }) : () -> ()
    %mul3A_41 = arith.constant 640 : i32
    %mul3A_42 = arith.muli %arg1, %mul3A_41 : i32
    %add3A_43 = arith.constant 288 : i32
    %add3A_44 = arith.addi %mul3A_42, %add3A_43 : i32
    "tpu.region"() ({
      %run_scoped3A = tpu.sem_alloc : memref<!tpu.dma_semaphore, #tpu.memory_space<semaphore_mem>>
      %dma_start3A = arith.constant 0 : i32
      %dma_start3A_99 = tpu.memref_slice %arg19[%add3A_44, %dma_start3A] : memref<10240x80xf32, #tpu.memory_space<vmem_shared>> -> memref<32x80xf32, #tpu.memory_space<vmem_shared>>
      %dma_start3A_100 = arith.constant 0 : i32
      %dma_start3A_101 = tpu.memref_slice %arg19[%add3A_44, %dma_start3A_100] : memref<10240x80xf32, #tpu.memory_space<vmem_shared>> -> memref<32x80xf32, #tpu.memory_space<vmem_shared>>
      tpu.enqueue_dma source(%arg10 : memref<32x80xf32, #tpu.memory_space<vmem>>) target(%dma_start3A_101 : memref<32x80xf32, #tpu.memory_space<vmem_shared>>) target_semaphore(%run_scoped3A : memref<!tpu.dma_semaphore, #tpu.memory_space<semaphore_mem>>)
      %dma_wait3A = arith.constant 0 : i32
      %dma_wait3A_102 = tpu.memref_slice %arg19[%add3A_44, %dma_wait3A] : memref<10240x80xf32, #tpu.memory_space<vmem_shared>> -> memref<32x80xf32, #tpu.memory_space<vmem_shared>>
      %dma_wait3A_103 = arith.constant 0 : i32
      %dma_wait3A_104 = tpu.memref_slice %arg19[%add3A_44, %dma_wait3A_103] : memref<10240x80xf32, #tpu.memory_space<vmem_shared>> -> memref<32x80xf32, #tpu.memory_space<vmem_shared>>
      tpu.wait_dma2 semaphore(%run_scoped3A : memref<!tpu.dma_semaphore, #tpu.memory_space<semaphore_mem>>) src(%arg10 : memref<32x80xf32, #tpu.memory_space<vmem>>) dst(%dma_wait3A_104 : memref<32x80xf32, #tpu.memory_space<vmem_shared>>)
      tpu.yield
    }) : () -> ()
    %mul3A_45 = arith.constant 640 : i32
    %mul3A_46 = arith.muli %arg1, %mul3A_45 : i32
    %add3A_47 = arith.constant 320 : i32
    %add3A_48 = arith.addi %mul3A_46, %add3A_47 : i32
    "tpu.region"() ({
      %run_scoped3A = tpu.sem_alloc : memref<!tpu.dma_semaphore, #tpu.memory_space<semaphore_mem>>
      %dma_start3A = arith.constant 0 : i32
      %dma_start3A_99 = tpu.memref_slice %arg19[%add3A_48, %dma_start3A] : memref<10240x80xf32, #tpu.memory_space<vmem_shared>> -> memref<32x80xf32, #tpu.memory_space<vmem_shared>>
      %dma_start3A_100 = arith.constant 0 : i32
      %dma_start3A_101 = tpu.memref_slice %arg19[%add3A_48, %dma_start3A_100] : memref<10240x80xf32, #tpu.memory_space<vmem_shared>> -> memref<32x80xf32, #tpu.memory_space<vmem_shared>>
      tpu.enqueue_dma source(%arg10 : memref<32x80xf32, #tpu.memory_space<vmem>>) target(%dma_start3A_101 : memref<32x80xf32, #tpu.memory_space<vmem_shared>>) target_semaphore(%run_scoped3A : memref<!tpu.dma_semaphore, #tpu.memory_space<semaphore_mem>>)
      %dma_wait3A = arith.constant 0 : i32
      %dma_wait3A_102 = tpu.memref_slice %arg19[%add3A_48, %dma_wait3A] : memref<10240x80xf32, #tpu.memory_space<vmem_shared>> -> memref<32x80xf32, #tpu.memory_space<vmem_shared>>
      %dma_wait3A_103 = arith.constant 0 : i32
      %dma_wait3A_104 = tpu.memref_slice %arg19[%add3A_48, %dma_wait3A_103] : memref<10240x80xf32, #tpu.memory_space<vmem_shared>> -> memref<32x80xf32, #tpu.memory_space<vmem_shared>>
      tpu.wait_dma2 semaphore(%run_scoped3A : memref<!tpu.dma_semaphore, #tpu.memory_space<semaphore_mem>>) src(%arg10 : memref<32x80xf32, #tpu.memory_space<vmem>>) dst(%dma_wait3A_104 : memref<32x80xf32, #tpu.memory_space<vmem_shared>>)
      tpu.yield
    }) : () -> ()
    %mul3A_49 = arith.constant 640 : i32
    %mul3A_50 = arith.muli %arg1, %mul3A_49 : i32
    %add3A_51 = arith.constant 352 : i32
    %add3A_52 = arith.addi %mul3A_50, %add3A_51 : i32
    "tpu.region"() ({
      %run_scoped3A = tpu.sem_alloc : memref<!tpu.dma_semaphore, #tpu.memory_space<semaphore_mem>>
      %dma_start3A = arith.constant 0 : i32
      %dma_start3A_99 = tpu.memref_slice %arg19[%add3A_52, %dma_start3A] : memref<10240x80xf32, #tpu.memory_space<vmem_shared>> -> memref<32x80xf32, #tpu.memory_space<vmem_shared>>
      %dma_start3A_100 = arith.constant 0 : i32
      %dma_start3A_101 = tpu.memref_slice %arg19[%add3A_52, %dma_start3A_100] : memref<10240x80xf32, #tpu.memory_space<vmem_shared>> -> memref<32x80xf32, #tpu.memory_space<vmem_shared>>
      tpu.enqueue_dma source(%arg10 : memref<32x80xf32, #tpu.memory_space<vmem>>) target(%dma_start3A_101 : memref<32x80xf32, #tpu.memory_space<vmem_shared>>) target_semaphore(%run_scoped3A : memref<!tpu.dma_semaphore, #tpu.memory_space<semaphore_mem>>)
      %dma_wait3A = arith.constant 0 : i32
      %dma_wait3A_102 = tpu.memref_slice %arg19[%add3A_52, %dma_wait3A] : memref<10240x80xf32, #tpu.memory_space<vmem_shared>> -> memref<32x80xf32, #tpu.memory_space<vmem_shared>>
      %dma_wait3A_103 = arith.constant 0 : i32
      %dma_wait3A_104 = tpu.memref_slice %arg19[%add3A_52, %dma_wait3A_103] : memref<10240x80xf32, #tpu.memory_space<vmem_shared>> -> memref<32x80xf32, #tpu.memory_space<vmem_shared>>
      tpu.wait_dma2 semaphore(%run_scoped3A : memref<!tpu.dma_semaphore, #tpu.memory_space<semaphore_mem>>) src(%arg10 : memref<32x80xf32, #tpu.memory_space<vmem>>) dst(%dma_wait3A_104 : memref<32x80xf32, #tpu.memory_space<vmem_shared>>)
      tpu.yield
    }) : () -> ()
    %mul3A_53 = arith.constant 640 : i32
    %mul3A_54 = arith.muli %arg1, %mul3A_53 : i32
    %add3A_55 = arith.constant 384 : i32
    %add3A_56 = arith.addi %mul3A_54, %add3A_55 : i32
    "tpu.region"() ({
      %run_scoped3A = tpu.sem_alloc : memref<!tpu.dma_semaphore, #tpu.memory_space<semaphore_mem>>
      %dma_start3A = arith.constant 0 : i32
      %dma_start3A_99 = tpu.memref_slice %arg19[%add3A_56, %dma_start3A] : memref<10240x80xf32, #tpu.memory_space<vmem_shared>> -> memref<32x80xf32, #tpu.memory_space<vmem_shared>>
      %dma_start3A_100 = arith.constant 0 : i32
      %dma_start3A_101 = tpu.memref_slice %arg19[%add3A_56, %dma_start3A_100] : memref<10240x80xf32, #tpu.memory_space<vmem_shared>> -> memref<32x80xf32, #tpu.memory_space<vmem_shared>>
      tpu.enqueue_dma source(%arg10 : memref<32x80xf32, #tpu.memory_space<vmem>>) target(%dma_start3A_101 : memref<32x80xf32, #tpu.memory_space<vmem_shared>>) target_semaphore(%run_scoped3A : memref<!tpu.dma_semaphore, #tpu.memory_space<semaphore_mem>>)
      %dma_wait3A = arith.constant 0 : i32
      %dma_wait3A_102 = tpu.memref_slice %arg19[%add3A_56, %dma_wait3A] : memref<10240x80xf32, #tpu.memory_space<vmem_shared>> -> memref<32x80xf32, #tpu.memory_space<vmem_shared>>
      %dma_wait3A_103 = arith.constant 0 : i32
      %dma_wait3A_104 = tpu.memref_slice %arg19[%add3A_56, %dma_wait3A_103] : memref<10240x80xf32, #tpu.memory_space<vmem_shared>> -> memref<32x80xf32, #tpu.memory_space<vmem_shared>>
      tpu.wait_dma2 semaphore(%run_scoped3A : memref<!tpu.dma_semaphore, #tpu.memory_space<semaphore_mem>>) src(%arg10 : memref<32x80xf32, #tpu.memory_space<vmem>>) dst(%dma_wait3A_104 : memref<32x80xf32, #tpu.memory_space<vmem_shared>>)
      tpu.yield
    }) : () -> ()
    %mul3A_57 = arith.constant 640 : i32
    %mul3A_58 = arith.muli %arg1, %mul3A_57 : i32
    %add3A_59 = arith.constant 416 : i32
    %add3A_60 = arith.addi %mul3A_58, %add3A_59 : i32
    "tpu.region"() ({
      %run_scoped3A = tpu.sem_alloc : memref<!tpu.dma_semaphore, #tpu.memory_space<semaphore_mem>>
      %dma_start3A = arith.constant 0 : i32
      %dma_start3A_99 = tpu.memref_slice %arg19[%add3A_60, %dma_start3A] : memref<10240x80xf32, #tpu.memory_space<vmem_shared>> -> memref<32x80xf32, #tpu.memory_space<vmem_shared>>
      %dma_start3A_100 = arith.constant 0 : i32
      %dma_start3A_101 = tpu.memref_slice %arg19[%add3A_60, %dma_start3A_100] : memref<10240x80xf32, #tpu.memory_space<vmem_shared>> -> memref<32x80xf32, #tpu.memory_space<vmem_shared>>
      tpu.enqueue_dma source(%arg10 : memref<32x80xf32, #tpu.memory_space<vmem>>) target(%dma_start3A_101 : memref<32x80xf32, #tpu.memory_space<vmem_shared>>) target_semaphore(%run_scoped3A : memref<!tpu.dma_semaphore, #tpu.memory_space<semaphore_mem>>)
      %dma_wait3A = arith.constant 0 : i32
      %dma_wait3A_102 = tpu.memref_slice %arg19[%add3A_60, %dma_wait3A] : memref<10240x80xf32, #tpu.memory_space<vmem_shared>> -> memref<32x80xf32, #tpu.memory_space<vmem_shared>>
      %dma_wait3A_103 = arith.constant 0 : i32
      %dma_wait3A_104 = tpu.memref_slice %arg19[%add3A_60, %dma_wait3A_103] : memref<10240x80xf32, #tpu.memory_space<vmem_shared>> -> memref<32x80xf32, #tpu.memory_space<vmem_shared>>
      tpu.wait_dma2 semaphore(%run_scoped3A : memref<!tpu.dma_semaphore, #tpu.memory_space<semaphore_mem>>) src(%arg10 : memref<32x80xf32, #tpu.memory_space<vmem>>) dst(%dma_wait3A_104 : memref<32x80xf32, #tpu.memory_space<vmem_shared>>)
      tpu.yield
    }) : () -> ()
    %mul3A_61 = arith.constant 640 : i32
    %mul3A_62 = arith.muli %arg1, %mul3A_61 : i32
    %add3A_63 = arith.constant 448 : i32
    %add3A_64 = arith.addi %mul3A_62, %add3A_63 : i32
    "tpu.region"() ({
      %run_scoped3A = tpu.sem_alloc : memref<!tpu.dma_semaphore, #tpu.memory_space<semaphore_mem>>
      %dma_start3A = arith.constant 0 : i32
      %dma_start3A_99 = tpu.memref_slice %arg19[%add3A_64, %dma_start3A] : memref<10240x80xf32, #tpu.memory_space<vmem_shared>> -> memref<32x80xf32, #tpu.memory_space<vmem_shared>>
      %dma_start3A_100 = arith.constant 0 : i32
      %dma_start3A_101 = tpu.memref_slice %arg19[%add3A_64, %dma_start3A_100] : memref<10240x80xf32, #tpu.memory_space<vmem_shared>> -> memref<32x80xf32, #tpu.memory_space<vmem_shared>>
      tpu.enqueue_dma source(%arg10 : memref<32x80xf32, #tpu.memory_space<vmem>>) target(%dma_start3A_101 : memref<32x80xf32, #tpu.memory_space<vmem_shared>>) target_semaphore(%run_scoped3A : memref<!tpu.dma_semaphore, #tpu.memory_space<semaphore_mem>>)
      %dma_wait3A = arith.constant 0 : i32
      %dma_wait3A_102 = tpu.memref_slice %arg19[%add3A_64, %dma_wait3A] : memref<10240x80xf32, #tpu.memory_space<vmem_shared>> -> memref<32x80xf32, #tpu.memory_space<vmem_shared>>
      %dma_wait3A_103 = arith.constant 0 : i32
      %dma_wait3A_104 = tpu.memref_slice %arg19[%add3A_64, %dma_wait3A_103] : memref<10240x80xf32, #tpu.memory_space<vmem_shared>> -> memref<32x80xf32, #tpu.memory_space<vmem_shared>>
      tpu.wait_dma2 semaphore(%run_scoped3A : memref<!tpu.dma_semaphore, #tpu.memory_space<semaphore_mem>>) src(%arg10 : memref<32x80xf32, #tpu.memory_space<vmem>>) dst(%dma_wait3A_104 : memref<32x80xf32, #tpu.memory_space<vmem_shared>>)
      tpu.yield
    }) : () -> ()
    %mul3A_65 = arith.constant 640 : i32
    %mul3A_66 = arith.muli %arg1, %mul3A_65 : i32
    %add3A_67 = arith.constant 480 : i32
    %add3A_68 = arith.addi %mul3A_66, %add3A_67 : i32
    "tpu.region"() ({
      %run_scoped3A = tpu.sem_alloc : memref<!tpu.dma_semaphore, #tpu.memory_space<semaphore_mem>>
      %dma_start3A = arith.constant 0 : i32
      %dma_start3A_99 = tpu.memref_slice %arg19[%add3A_68, %dma_start3A] : memref<10240x80xf32, #tpu.memory_space<vmem_shared>> -> memref<32x80xf32, #tpu.memory_space<vmem_shared>>
      %dma_start3A_100 = arith.constant 0 : i32
      %dma_start3A_101 = tpu.memref_slice %arg19[%add3A_68, %dma_start3A_100] : memref<10240x80xf32, #tpu.memory_space<vmem_shared>> -> memref<32x80xf32, #tpu.memory_space<vmem_shared>>
      tpu.enqueue_dma source(%arg10 : memref<32x80xf32, #tpu.memory_space<vmem>>) target(%dma_start3A_101 : memref<32x80xf32, #tpu.memory_space<vmem_shared>>) target_semaphore(%run_scoped3A : memref<!tpu.dma_semaphore, #tpu.memory_space<semaphore_mem>>)
      %dma_wait3A = arith.constant 0 : i32
      %dma_wait3A_102 = tpu.memref_slice %arg19[%add3A_68, %dma_wait3A] : memref<10240x80xf32, #tpu.memory_space<vmem_shared>> -> memref<32x80xf32, #tpu.memory_space<vmem_shared>>
      %dma_wait3A_103 = arith.constant 0 : i32
      %dma_wait3A_104 = tpu.memref_slice %arg19[%add3A_68, %dma_wait3A_103] : memref<10240x80xf32, #tpu.memory_space<vmem_shared>> -> memref<32x80xf32, #tpu.memory_space<vmem_shared>>
      tpu.wait_dma2 semaphore(%run_scoped3A : memref<!tpu.dma_semaphore, #tpu.memory_space<semaphore_mem>>) src(%arg10 : memref<32x80xf32, #tpu.memory_space<vmem>>) dst(%dma_wait3A_104 : memref<32x80xf32, #tpu.memory_space<vmem_shared>>)
      tpu.yield
    }) : () -> ()
    %mul3A_69 = arith.constant 640 : i32
    %mul3A_70 = arith.muli %arg1, %mul3A_69 : i32
    %add3A_71 = arith.constant 512 : i32
    %add3A_72 = arith.addi %mul3A_70, %add3A_71 : i32
    "tpu.region"() ({
      %run_scoped3A = tpu.sem_alloc : memref<!tpu.dma_semaphore, #tpu.memory_space<semaphore_mem>>
      %dma_start3A = arith.constant 0 : i32
      %dma_start3A_99 = tpu.memref_slice %arg19[%add3A_72, %dma_start3A] : memref<10240x80xf32, #tpu.memory_space<vmem_shared>> -> memref<32x80xf32, #tpu.memory_space<vmem_shared>>
      %dma_start3A_100 = arith.constant 0 : i32
      %dma_start3A_101 = tpu.memref_slice %arg19[%add3A_72, %dma_start3A_100] : memref<10240x80xf32, #tpu.memory_space<vmem_shared>> -> memref<32x80xf32, #tpu.memory_space<vmem_shared>>
      tpu.enqueue_dma source(%arg10 : memref<32x80xf32, #tpu.memory_space<vmem>>) target(%dma_start3A_101 : memref<32x80xf32, #tpu.memory_space<vmem_shared>>) target_semaphore(%run_scoped3A : memref<!tpu.dma_semaphore, #tpu.memory_space<semaphore_mem>>)
      %dma_wait3A = arith.constant 0 : i32
      %dma_wait3A_102 = tpu.memref_slice %arg19[%add3A_72, %dma_wait3A] : memref<10240x80xf32, #tpu.memory_space<vmem_shared>> -> memref<32x80xf32, #tpu.memory_space<vmem_shared>>
      %dma_wait3A_103 = arith.constant 0 : i32
      %dma_wait3A_104 = tpu.memref_slice %arg19[%add3A_72, %dma_wait3A_103] : memref<10240x80xf32, #tpu.memory_space<vmem_shared>> -> memref<32x80xf32, #tpu.memory_space<vmem_shared>>
      tpu.wait_dma2 semaphore(%run_scoped3A : memref<!tpu.dma_semaphore, #tpu.memory_space<semaphore_mem>>) src(%arg10 : memref<32x80xf32, #tpu.memory_space<vmem>>) dst(%dma_wait3A_104 : memref<32x80xf32, #tpu.memory_space<vmem_shared>>)
      tpu.yield
    }) : () -> ()
    %mul3A_73 = arith.constant 640 : i32
    %mul3A_74 = arith.muli %arg1, %mul3A_73 : i32
    %add3A_75 = arith.constant 544 : i32
    %add3A_76 = arith.addi %mul3A_74, %add3A_75 : i32
    "tpu.region"() ({
      %run_scoped3A = tpu.sem_alloc : memref<!tpu.dma_semaphore, #tpu.memory_space<semaphore_mem>>
      %dma_start3A = arith.constant 0 : i32
      %dma_start3A_99 = tpu.memref_slice %arg19[%add3A_76, %dma_start3A] : memref<10240x80xf32, #tpu.memory_space<vmem_shared>> -> memref<32x80xf32, #tpu.memory_space<vmem_shared>>
      %dma_start3A_100 = arith.constant 0 : i32
      %dma_start3A_101 = tpu.memref_slice %arg19[%add3A_76, %dma_start3A_100] : memref<10240x80xf32, #tpu.memory_space<vmem_shared>> -> memref<32x80xf32, #tpu.memory_space<vmem_shared>>
      tpu.enqueue_dma source(%arg10 : memref<32x80xf32, #tpu.memory_space<vmem>>) target(%dma_start3A_101 : memref<32x80xf32, #tpu.memory_space<vmem_shared>>) target_semaphore(%run_scoped3A : memref<!tpu.dma_semaphore, #tpu.memory_space<semaphore_mem>>)
      %dma_wait3A = arith.constant 0 : i32
      %dma_wait3A_102 = tpu.memref_slice %arg19[%add3A_76, %dma_wait3A] : memref<10240x80xf32, #tpu.memory_space<vmem_shared>> -> memref<32x80xf32, #tpu.memory_space<vmem_shared>>
      %dma_wait3A_103 = arith.constant 0 : i32
      %dma_wait3A_104 = tpu.memref_slice %arg19[%add3A_76, %dma_wait3A_103] : memref<10240x80xf32, #tpu.memory_space<vmem_shared>> -> memref<32x80xf32, #tpu.memory_space<vmem_shared>>
      tpu.wait_dma2 semaphore(%run_scoped3A : memref<!tpu.dma_semaphore, #tpu.memory_space<semaphore_mem>>) src(%arg10 : memref<32x80xf32, #tpu.memory_space<vmem>>) dst(%dma_wait3A_104 : memref<32x80xf32, #tpu.memory_space<vmem_shared>>)
      tpu.yield
    }) : () -> ()
    %mul3A_77 = arith.constant 640 : i32
    %mul3A_78 = arith.muli %arg1, %mul3A_77 : i32
    %add3A_79 = arith.constant 576 : i32
    %add3A_80 = arith.addi %mul3A_78, %add3A_79 : i32
    "tpu.region"() ({
      %run_scoped3A = tpu.sem_alloc : memref<!tpu.dma_semaphore, #tpu.memory_space<semaphore_mem>>
      %dma_start3A = arith.constant 0 : i32
      %dma_start3A_99 = tpu.memref_slice %arg19[%add3A_80, %dma_start3A] : memref<10240x80xf32, #tpu.memory_space<vmem_shared>> -> memref<32x80xf32, #tpu.memory_space<vmem_shared>>
      %dma_start3A_100 = arith.constant 0 : i32
      %dma_start3A_101 = tpu.memref_slice %arg19[%add3A_80, %dma_start3A_100] : memref<10240x80xf32, #tpu.memory_space<vmem_shared>> -> memref<32x80xf32, #tpu.memory_space<vmem_shared>>
      tpu.enqueue_dma source(%arg10 : memref<32x80xf32, #tpu.memory_space<vmem>>) target(%dma_start3A_101 : memref<32x80xf32, #tpu.memory_space<vmem_shared>>) target_semaphore(%run_scoped3A : memref<!tpu.dma_semaphore, #tpu.memory_space<semaphore_mem>>)
      %dma_wait3A = arith.constant 0 : i32
      %dma_wait3A_102 = tpu.memref_slice %arg19[%add3A_80, %dma_wait3A] : memref<10240x80xf32, #tpu.memory_space<vmem_shared>> -> memref<32x80xf32, #tpu.memory_space<vmem_shared>>
      %dma_wait3A_103 = arith.constant 0 : i32
      %dma_wait3A_104 = tpu.memref_slice %arg19[%add3A_80, %dma_wait3A_103] : memref<10240x80xf32, #tpu.memory_space<vmem_shared>> -> memref<32x80xf32, #tpu.memory_space<vmem_shared>>
      tpu.wait_dma2 semaphore(%run_scoped3A : memref<!tpu.dma_semaphore, #tpu.memory_space<semaphore_mem>>) src(%arg10 : memref<32x80xf32, #tpu.memory_space<vmem>>) dst(%dma_wait3A_104 : memref<32x80xf32, #tpu.memory_space<vmem_shared>>)
      tpu.yield
    }) : () -> ()
    %mul3A_81 = arith.constant 640 : i32
    %mul3A_82 = arith.muli %arg1, %mul3A_81 : i32
    %add3A_83 = arith.constant 608 : i32
    %add3A_84 = arith.addi %mul3A_82, %add3A_83 : i32
    "tpu.region"() ({
      %run_scoped3A = tpu.sem_alloc : memref<!tpu.dma_semaphore, #tpu.memory_space<semaphore_mem>>
      %dma_start3A = arith.constant 0 : i32
      %dma_start3A_99 = tpu.memref_slice %arg19[%add3A_84, %dma_start3A] : memref<10240x80xf32, #tpu.memory_space<vmem_shared>> -> memref<32x80xf32, #tpu.memory_space<vmem_shared>>
      %dma_start3A_100 = arith.constant 0 : i32
      %dma_start3A_101 = tpu.memref_slice %arg19[%add3A_84, %dma_start3A_100] : memref<10240x80xf32, #tpu.memory_space<vmem_shared>> -> memref<32x80xf32, #tpu.memory_space<vmem_shared>>
      tpu.enqueue_dma source(%arg10 : memref<32x80xf32, #tpu.memory_space<vmem>>) target(%dma_start3A_101 : memref<32x80xf32, #tpu.memory_space<vmem_shared>>) target_semaphore(%run_scoped3A : memref<!tpu.dma_semaphore, #tpu.memory_space<semaphore_mem>>)
      %dma_wait3A = arith.constant 0 : i32
      %dma_wait3A_102 = tpu.memref_slice %arg19[%add3A_84, %dma_wait3A] : memref<10240x80xf32, #tpu.memory_space<vmem_shared>> -> memref<32x80xf32, #tpu.memory_space<vmem_shared>>
      %dma_wait3A_103 = arith.constant 0 : i32
      %dma_wait3A_104 = tpu.memref_slice %arg19[%add3A_84, %dma_wait3A_103] : memref<10240x80xf32, #tpu.memory_space<vmem_shared>> -> memref<32x80xf32, #tpu.memory_space<vmem_shared>>
      tpu.wait_dma2 semaphore(%run_scoped3A : memref<!tpu.dma_semaphore, #tpu.memory_space<semaphore_mem>>) src(%arg10 : memref<32x80xf32, #tpu.memory_space<vmem>>) dst(%dma_wait3A_104 : memref<32x80xf32, #tpu.memory_space<vmem_shared>>)
      tpu.yield
    }) : () -> ()
    %barrier3A = arith.constant 0 : index
    tpu.barrier barrier_id(%barrier3A)
    "tpu.region"() ({
      %run_scoped3A = tpu.sem_alloc : memref<!tpu.dma_semaphore, #tpu.memory_space<semaphore_mem>>
      tpu.enqueue_dma source(%arg6 : memref<8x16xf32, #tpu.memory_space<hbm>>) target(%arg14 : memref<8x16xf32, #tpu.memory_space<vmem>>) target_semaphore(%run_scoped3A : memref<!tpu.dma_semaphore, #tpu.memory_space<semaphore_mem>>)
      tpu.wait_dma2 semaphore(%run_scoped3A : memref<!tpu.dma_semaphore, #tpu.memory_space<semaphore_mem>>) src(%arg6 : memref<8x16xf32, #tpu.memory_space<hbm>>) dst(%arg14 : memref<8x16xf32, #tpu.memory_space<vmem>>)
      tpu.yield
    }) : () -> ()
    %mul3A_85 = arith.constant 4 : i32
    %mul3A_86 = arith.muli %arg0, %mul3A_85 : i32
    %scan3A_87 = arith.constant 0 : i32
    %scan3A_88 = arith.constant 0 : i32
    %scan3A_89 = arith.constant 323 : i32
    %scan3A_90 = arith.addi %scan3A_88, %scan3A_89 : i32
    %scan3A_91 = arith.constant 1 : i32
    %scan3A_92 = scf.for %scan3A_99 = %scan3A_88 to %scan3A_90 step %scan3A_91 iter_args(%scan3A_100 = %scan3A_87) -> (i32)  : i32 {
      %mul3A_101 = arith.constant 2 : i32
      %mul3A_102 = arith.muli %mul3A_101, %scan3A_99 : i32
      %mul3A_103 = arith.constant 646 : i32
      %mul3A_104 = arith.muli %arg1, %mul3A_103 : i32
      %add3A_105 = arith.addi %mul3A_104, %mul3A_102 : i32
      %mul3A_106 = arith.constant 32 : i32
      %mul3A_107 = arith.muli %add3A_105, %mul3A_106 : i32
      "tpu.region"() ({
        %run_scoped3A = tpu.sem_alloc : memref<!tpu.dma_semaphore, #tpu.memory_space<semaphore_mem>>
        %dma_start3A_154 = tpu.memref_slice %arg4[%mul3A_107] : memref<330752xi32, #tpu.memory_space<hbm>> -> memref<32xi32, #tpu.memory_space<hbm>>
        %dma_start3A_155 = tpu.memref_slice %arg4[%mul3A_107] : memref<330752xi32, #tpu.memory_space<hbm>> -> memref<32xi32, #tpu.memory_space<hbm>>
        tpu.enqueue_dma source(%dma_start3A_155 : memref<32xi32, #tpu.memory_space<hbm>>) target(%arg15 : memref<32xi32, #tpu.memory_space<vmem>>) target_semaphore(%run_scoped3A : memref<!tpu.dma_semaphore, #tpu.memory_space<semaphore_mem>>)
        %dma_wait3A_156 = tpu.memref_slice %arg4[%mul3A_107] : memref<330752xi32, #tpu.memory_space<hbm>> -> memref<32xi32, #tpu.memory_space<hbm>>
        %dma_wait3A_157 = tpu.memref_slice %arg4[%mul3A_107] : memref<330752xi32, #tpu.memory_space<hbm>> -> memref<32xi32, #tpu.memory_space<hbm>>
        tpu.wait_dma2 semaphore(%run_scoped3A : memref<!tpu.dma_semaphore, #tpu.memory_space<semaphore_mem>>) src(%dma_wait3A_157 : memref<32xi32, #tpu.memory_space<hbm>>) dst(%arg15 : memref<32xi32, #tpu.memory_space<vmem>>)
        tpu.yield
      }) : () -> ()
      "tpu.region"() ({
        %run_scoped3A = tpu.sem_alloc : memref<!tpu.dma_semaphore, #tpu.memory_space<semaphore_mem>>
        %dma_start3A_154 = tpu.memref_slice %arg5[%mul3A_107] : memref<330752xi32, #tpu.memory_space<hbm>> -> memref<32xi32, #tpu.memory_space<hbm>>
        %dma_start3A_155 = tpu.memref_slice %arg5[%mul3A_107] : memref<330752xi32, #tpu.memory_space<hbm>> -> memref<32xi32, #tpu.memory_space<hbm>>
        tpu.enqueue_dma source(%dma_start3A_155 : memref<32xi32, #tpu.memory_space<hbm>>) target(%arg16 : memref<32xi32, #tpu.memory_space<vmem>>) target_semaphore(%run_scoped3A : memref<!tpu.dma_semaphore, #tpu.memory_space<semaphore_mem>>)
        %dma_wait3A_156 = tpu.memref_slice %arg5[%mul3A_107] : memref<330752xi32, #tpu.memory_space<hbm>> -> memref<32xi32, #tpu.memory_space<hbm>>
        %dma_wait3A_157 = tpu.memref_slice %arg5[%mul3A_107] : memref<330752xi32, #tpu.memory_space<hbm>> -> memref<32xi32, #tpu.memory_space<hbm>>
        tpu.wait_dma2 semaphore(%run_scoped3A : memref<!tpu.dma_semaphore, #tpu.memory_space<semaphore_mem>>) src(%dma_wait3A_157 : memref<32xi32, #tpu.memory_space<hbm>>) dst(%arg16 : memref<32xi32, #tpu.memory_space<vmem>>)
        tpu.yield
      }) : () -> ()
      %dma_start3A = arith.constant 0 : i32
      %dma_start3A_108 = arith.constant 0 : i32
      %dma_start3A_109 = tpu.memref_slice %arg2[%dma_start3A, %dma_start3A_108] : memref<10400x128xf32, #tpu.memory_space<hbm>> -> memref<10400x128xf32, #tpu.memory_space<hbm>>
      tpu.enqueue_indirect_dma source(%dma_start3A_109 : memref<10400x128xf32, #tpu.memory_space<hbm>>) target(%arg8 : memref<32x128xf32, #tpu.memory_space<vmem>>) offsets(%arg15 : memref<32xi32, #tpu.memory_space<vmem>>) semaphore(%arg20 : memref<!tpu.dma_semaphore, #tpu.memory_space<semaphore_mem>>)
      %dma_start3A_110 = arith.constant 0 : i32
      %dma_start3A_111 = arith.constant 0 : i32
      %dma_start3A_112 = tpu.memref_slice %arg3[%dma_start3A_110, %dma_start3A_111] : memref<10400x128xf32, #tpu.memory_space<hbm>> -> memref<10400x128xf32, #tpu.memory_space<hbm>>
      tpu.enqueue_indirect_dma source(%dma_start3A_112 : memref<10400x128xf32, #tpu.memory_space<hbm>>) target(%arg9 : memref<32x128xf32, #tpu.memory_space<vmem>>) offsets(%arg16 : memref<32xi32, #tpu.memory_space<vmem>>) semaphore(%arg21 : memref<!tpu.dma_semaphore, #tpu.memory_space<semaphore_mem>>)
      %dma_wait3A = arith.constant 0 : i32
      %dma_wait3A_113 = arith.constant 0 : i32
      %dma_wait3A_114 = tpu.memref_slice %arg2[%dma_wait3A, %dma_wait3A_113] : memref<10400x128xf32, #tpu.memory_space<hbm>> -> memref<10400x128xf32, #tpu.memory_space<hbm>>
      tpu.wait_indirect_dma semaphore(%arg20 : memref<!tpu.dma_semaphore, #tpu.memory_space<semaphore_mem>>) src(%dma_wait3A_114 : memref<10400x128xf32, #tpu.memory_space<hbm>>) dst(%arg8 : memref<32x128xf32, #tpu.memory_space<vmem>>)
      %dma_wait3A_115 = arith.constant 0 : i32
      %dma_wait3A_116 = arith.constant 0 : i32
      %dma_wait3A_117 = tpu.memref_slice %arg3[%dma_wait3A_115, %dma_wait3A_116] : memref<10400x128xf32, #tpu.memory_space<hbm>> -> memref<10400x128xf32, #tpu.memory_space<hbm>>
      tpu.wait_indirect_dma semaphore(%arg21 : memref<!tpu.dma_semaphore, #tpu.memory_space<semaphore_mem>>) src(%dma_wait3A_117 : memref<10400x128xf32, #tpu.memory_space<hbm>>) dst(%arg9 : memref<32x128xf32, #tpu.memory_space<vmem>>)
      %mul3A_118 = arith.constant 2 : i32
      %mul3A_119 = arith.muli %mul3A_118, %scan3A_99 : i32
      %add3A_120 = arith.constant 1 : i32
      %add3A_121 = arith.addi %mul3A_119, %add3A_120 : i32
      %mul3A_122 = arith.constant 646 : i32
      %mul3A_123 = arith.muli %arg1, %mul3A_122 : i32
      %add3A_124 = arith.addi %mul3A_123, %add3A_121 : i32
      %mul3A_125 = arith.constant 32 : i32
      %mul3A_126 = arith.muli %add3A_124, %mul3A_125 : i32
      "tpu.region"() ({
        %run_scoped3A = tpu.sem_alloc : memref<!tpu.dma_semaphore, #tpu.memory_space<semaphore_mem>>
        %dma_start3A_154 = tpu.memref_slice %arg4[%mul3A_126] : memref<330752xi32, #tpu.memory_space<hbm>> -> memref<32xi32, #tpu.memory_space<hbm>>
        %dma_start3A_155 = tpu.memref_slice %arg4[%mul3A_126] : memref<330752xi32, #tpu.memory_space<hbm>> -> memref<32xi32, #tpu.memory_space<hbm>>
        tpu.enqueue_dma source(%dma_start3A_155 : memref<32xi32, #tpu.memory_space<hbm>>) target(%arg17 : memref<32xi32, #tpu.memory_space<vmem>>) target_semaphore(%run_scoped3A : memref<!tpu.dma_semaphore, #tpu.memory_space<semaphore_mem>>)
        %dma_wait3A_156 = tpu.memref_slice %arg4[%mul3A_126] : memref<330752xi32, #tpu.memory_space<hbm>> -> memref<32xi32, #tpu.memory_space<hbm>>
        %dma_wait3A_157 = tpu.memref_slice %arg4[%mul3A_126] : memref<330752xi32, #tpu.memory_space<hbm>> -> memref<32xi32, #tpu.memory_space<hbm>>
        tpu.wait_dma2 semaphore(%run_scoped3A : memref<!tpu.dma_semaphore, #tpu.memory_space<semaphore_mem>>) src(%dma_wait3A_157 : memref<32xi32, #tpu.memory_space<hbm>>) dst(%arg17 : memref<32xi32, #tpu.memory_space<vmem>>)
        tpu.yield
      }) : () -> ()
      "tpu.region"() ({
        %run_scoped3A = tpu.sem_alloc : memref<!tpu.dma_semaphore, #tpu.memory_space<semaphore_mem>>
        %dma_start3A_154 = tpu.memref_slice %arg5[%mul3A_126] : memref<330752xi32, #tpu.memory_space<hbm>> -> memref<32xi32, #tpu.memory_space<hbm>>
        %dma_start3A_155 = tpu.memref_slice %arg5[%mul3A_126] : memref<330752xi32, #tpu.memory_space<hbm>> -> memref<32xi32, #tpu.memory_space<hbm>>
        tpu.enqueue_dma source(%dma_start3A_155 : memref<32xi32, #tpu.memory_space<hbm>>) target(%arg18 : memref<32xi32, #tpu.memory_space<vmem>>) target_semaphore(%run_scoped3A : memref<!tpu.dma_semaphore, #tpu.memory_space<semaphore_mem>>)
        %dma_wait3A_156 = tpu.memref_slice %arg5[%mul3A_126] : memref<330752xi32, #tpu.memory_space<hbm>> -> memref<32xi32, #tpu.memory_space<hbm>>
        %dma_wait3A_157 = tpu.memref_slice %arg5[%mul3A_126] : memref<330752xi32, #tpu.memory_space<hbm>> -> memref<32xi32, #tpu.memory_space<hbm>>
        tpu.wait_dma2 semaphore(%run_scoped3A : memref<!tpu.dma_semaphore, #tpu.memory_space<semaphore_mem>>) src(%dma_wait3A_157 : memref<32xi32, #tpu.memory_space<hbm>>) dst(%arg18 : memref<32xi32, #tpu.memory_space<vmem>>)
        tpu.yield
      }) : () -> ()
      %dma_start3A_127 = arith.constant 0 : i32
      %dma_start3A_128 = arith.constant 0 : i32
      %dma_start3A_129 = tpu.memref_slice %arg2[%dma_start3A_127, %dma_start3A_128] : memref<10400x128xf32, #tpu.memory_space<hbm>> -> memref<10400x128xf32, #tpu.memory_space<hbm>>
      tpu.enqueue_indirect_dma source(%dma_start3A_129 : memref<10400x128xf32, #tpu.memory_space<hbm>>) target(%arg11 : memref<32x128xf32, #tpu.memory_space<vmem>>) offsets(%arg17 : memref<32xi32, #tpu.memory_space<vmem>>) semaphore(%arg22 : memref<!tpu.dma_semaphore, #tpu.memory_space<semaphore_mem>>)
      %dma_start3A_130 = arith.constant 0 : i32
      %dma_start3A_131 = arith.constant 0 : i32
      %dma_start3A_132 = tpu.memref_slice %arg3[%dma_start3A_130, %dma_start3A_131] : memref<10400x128xf32, #tpu.memory_space<hbm>> -> memref<10400x128xf32, #tpu.memory_space<hbm>>
      tpu.enqueue_indirect_dma source(%dma_start3A_132 : memref<10400x128xf32, #tpu.memory_space<hbm>>) target(%arg12 : memref<32x128xf32, #tpu.memory_space<vmem>>) offsets(%arg18 : memref<32xi32, #tpu.memory_space<vmem>>) semaphore(%arg23 : memref<!tpu.dma_semaphore, #tpu.memory_space<semaphore_mem>>)
      %scan3A_133 = arith.constant 0 : i32
      %scan3A_134 = arith.constant 0 : i32
      %scan3A_135 = arith.constant 32 : i32
      %scan3A_136 = arith.addi %scan3A_134, %scan3A_135 : i32
      %scan3A_137 = arith.constant 1 : i32
      %scan3A_138 = scf.for %scan3A_154 = %scan3A_134 to %scan3A_136 step %scan3A_137 iter_args(%scan3A_155 = %scan3A_133) -> (i32)  : i32 {
        %broadcast_in_dim3A_156 = arith.constant 0.000000e+00 : f32
        %broadcast_in_dim3A_157 = vector.broadcast %broadcast_in_dim3A_156 : f32 to vector<16xf32>
        %iota3A = tpu.iota {dimensions = array<i32: 0>} : vector<16xi32>
        %add3A_158 = arith.constant 0 : i32
        %add3A_159 = arith.addi %mul3A_86, %add3A_158 : i32
        %mul3A_160 = arith.constant 16 : i32
        %mul3A_161 = arith.muli %add3A_159, %mul3A_160 : i32
        %get3A = arith.index_cast %scan3A_154 : i32 to index
        %get3A_162 = arith.index_cast %mul3A_161 : i32 to index
        %get3A_163 = tpu.vector_load %arg8[%get3A, %get3A_162] {strides = array<i32>} : memref<32x128xf32, #tpu.memory_space<vmem>>, vector<16xf32>,
        %add3A_164 = arith.constant 0 : i32
        %add3A_165 = arith.addi %mul3A_86, %add3A_164 : i32
        %mul3A_166 = arith.constant 16 : i32
        %mul3A_167 = arith.muli %add3A_165, %mul3A_166 : i32
        %get3A_168 = arith.index_cast %scan3A_154 : i32 to index
        %get3A_169 = arith.index_cast %mul3A_167 : i32 to index
        %get3A_170 = tpu.vector_load %arg9[%get3A_168, %get3A_169] {strides = array<i32>} : memref<32x128xf32, #tpu.memory_space<vmem>>, vector<16xf32>,
        %add3A_171 = arith.addf %get3A_163, %get3A_170 : vector<16xf32>
        %gt3A = arith.constant 0.000000e+00 : f32
        %gt3A_172 = vector.broadcast %gt3A : f32 to vector<16xf32>
        %gt3A_173 = arith.cmpf ogt, %add3A_171, %gt3A_172 : vector<16xf32>
        %mul3A_174 = arith.constant 2.000000e-01 : f32
        %mul3A_175 = vector.broadcast %mul3A_174 : f32 to vector<16xf32>
        %mul3A_176 = arith.mulf %mul3A_175, %add3A_171 : vector<16xf32>
        %select_n3A = arith.select %gt3A_173, %add3A_171, %mul3A_176 : vector<16xi1>, vector<16xf32>
        %add3A_177 = arith.constant 0 : i32
        %add3A_178 = arith.addi %mul3A_86, %add3A_177 : i32
        %get3A_179 = arith.index_cast %add3A_178 : i32 to index
        %get3A_180 = arith.constant 0 : index
        %get3A_181 = tpu.vector_load %arg14[%get3A_179, %get3A_180] {strides = array<i32>} : memref<8x16xf32, #tpu.memory_space<vmem>>, vector<16xf32>,
        %mul3A_182 = arith.mulf %select_n3A, %get3A_181 : vector<16xf32>
        %reduce_sum3A = arith.constant true
        %reduce_sum3A_183 = vector.broadcast %reduce_sum3A : i1 to vector<16xi1>
        %reduce_sum3A_184 = tpu.scan <sum>, %mul3A_182 masked %reduce_sum3A_183 : vector<16xf32>, vector<16xi1> -> vector<16xf32>
        %reduce_sum3A_185 = vector.extract %reduce_sum3A_184[15] : f32 from vector<16xf32>
        %broadcast_in_dim3A_186 = vector.broadcast %reduce_sum3A_185 : f32 to vector<16xf32>
        %exp3A = math.exp %broadcast_in_dim3A_186 : vector<16xf32>
        %mul3A_187 = arith.mulf %exp3A, %get3A_163 : vector<16xf32>
        %swap3A = arith.index_cast %scan3A_154 : i32 to index
        %swap3A_188 = arith.constant 0 : index
        %swap3A_189 = tpu.vector_load %arg10[%swap3A, %swap3A_188] {strides = array<i32>} : memref<32x80xf32, #tpu.memory_space<vmem>>, vector<16xf32>,
        tpu.vector_store %arg10[%swap3A, %swap3A_188], %mul3A_187 {strides = array<i32>} : memref<32x80xf32, #tpu.memory_space<vmem>>, vector<16xf32>,
        %eq3A = arith.constant 0 : i32
        %eq3A_190 = vector.broadcast %eq3A : i32 to vector<16xi32>
        %eq3A_191 = arith.cmpi eq, %iota3A, %eq3A_190 : vector<16xi32>
        %convert_element_type3A = arith.extui %eq3A_191 : vector<16xi1> to vector<16xi32>
        %convert_element_type3A_192 = arith.sitofp %convert_element_type3A : vector<16xi32> to vector<16xf32>
        %mul3A_193 = arith.mulf %exp3A, %convert_element_type3A_192 : vector<16xf32>
        %add3A_194 = arith.addf %broadcast_in_dim3A_157, %mul3A_193 : vector<16xf32>
        %add3A_195 = arith.constant 1 : i32
        %add3A_196 = arith.addi %mul3A_86, %add3A_195 : i32
        %mul3A_197 = arith.constant 16 : i32
        %mul3A_198 = arith.muli %add3A_196, %mul3A_197 : i32
        %get3A_199 = arith.index_cast %scan3A_154 : i32 to index
        %get3A_200 = arith.index_cast %mul3A_198 : i32 to index
        %get3A_201 = tpu.vector_load %arg8[%get3A_199, %get3A_200] {strides = array<i32>} : memref<32x128xf32, #tpu.memory_space<vmem>>, vector<16xf32>,
        %add3A_202 = arith.constant 1 : i32
        %add3A_203 = arith.addi %mul3A_86, %add3A_202 : i32
        %mul3A_204 = arith.constant 16 : i32
        %mul3A_205 = arith.muli %add3A_203, %mul3A_204 : i32
        %get3A_206 = arith.index_cast %scan3A_154 : i32 to index
        %get3A_207 = arith.index_cast %mul3A_205 : i32 to index
        %get3A_208 = tpu.vector_load %arg9[%get3A_206, %get3A_207] {strides = array<i32>} : memref<32x128xf32, #tpu.memory_space<vmem>>, vector<16xf32>,
        %add3A_209 = arith.addf %get3A_201, %get3A_208 : vector<16xf32>
        %gt3A_210 = arith.constant 0.000000e+00 : f32
        %gt3A_211 = vector.broadcast %gt3A_210 : f32 to vector<16xf32>
        %gt3A_212 = arith.cmpf ogt, %add3A_209, %gt3A_211 : vector<16xf32>
        %mul3A_213 = arith.constant 2.000000e-01 : f32
        %mul3A_214 = vector.broadcast %mul3A_213 : f32 to vector<16xf32>
        %mul3A_215 = arith.mulf %mul3A_214, %add3A_209 : vector<16xf32>
        %select_n3A_216 = arith.select %gt3A_212, %add3A_209, %mul3A_215 : vector<16xi1>, vector<16xf32>
        %add3A_217 = arith.constant 1 : i32
        %add3A_218 = arith.addi %mul3A_86, %add3A_217 : i32
        %get3A_219 = arith.index_cast %add3A_218 : i32 to index
        %get3A_220 = arith.constant 0 : index
        %get3A_221 = tpu.vector_load %arg14[%get3A_219, %get3A_220] {strides = array<i32>} : memref<8x16xf32, #tpu.memory_space<vmem>>, vector<16xf32>,
        %mul3A_222 = arith.mulf %select_n3A_216, %get3A_221 : vector<16xf32>
        %reduce_sum3A_223 = arith.constant true
        %reduce_sum3A_224 = vector.broadcast %reduce_sum3A_223 : i1 to vector<16xi1>
        %reduce_sum3A_225 = tpu.scan <sum>, %mul3A_222 masked %reduce_sum3A_224 : vector<16xf32>, vector<16xi1> -> vector<16xf32>
        %reduce_sum3A_226 = vector.extract %reduce_sum3A_225[15] : f32 from vector<16xf32>
        %broadcast_in_dim3A_227 = vector.broadcast %reduce_sum3A_226 : f32 to vector<16xf32>
        %exp3A_228 = math.exp %broadcast_in_dim3A_227 : vector<16xf32>
        %mul3A_229 = arith.mulf %exp3A_228, %get3A_201 : vector<16xf32>
        %swap3A_230 = arith.index_cast %scan3A_154 : i32 to index
        %swap3A_231 = arith.constant 16 : index
        %swap3A_232 = tpu.vector_load %arg10[%swap3A_230, %swap3A_231] {strides = array<i32>} : memref<32x80xf32, #tpu.memory_space<vmem>>, vector<16xf32>,
        tpu.vector_store %arg10[%swap3A_230, %swap3A_231], %mul3A_229 {strides = array<i32>} : memref<32x80xf32, #tpu.memory_space<vmem>>, vector<16xf32>,
        %eq3A_233 = arith.constant 1 : i32
        %eq3A_234 = vector.broadcast %eq3A_233 : i32 to vector<16xi32>
        %eq3A_235 = arith.cmpi eq, %iota3A, %eq3A_234 : vector<16xi32>
        %convert_element_type3A_236 = arith.extui %eq3A_235 : vector<16xi1> to vector<16xi32>
        %convert_element_type3A_237 = arith.sitofp %convert_element_type3A_236 : vector<16xi32> to vector<16xf32>
        %mul3A_238 = arith.mulf %exp3A_228, %convert_element_type3A_237 : vector<16xf32>
        %add3A_239 = arith.addf %add3A_194, %mul3A_238 : vector<16xf32>
        %add3A_240 = arith.constant 2 : i32
        %add3A_241 = arith.addi %mul3A_86, %add3A_240 : i32
        %mul3A_242 = arith.constant 16 : i32
        %mul3A_243 = arith.muli %add3A_241, %mul3A_242 : i32
        %get3A_244 = arith.index_cast %scan3A_154 : i32 to index
        %get3A_245 = arith.index_cast %mul3A_243 : i32 to index
        %get3A_246 = tpu.vector_load %arg8[%get3A_244, %get3A_245] {strides = array<i32>} : memref<32x128xf32, #tpu.memory_space<vmem>>, vector<16xf32>,
        %add3A_247 = arith.constant 2 : i32
        %add3A_248 = arith.addi %mul3A_86, %add3A_247 : i32
        %mul3A_249 = arith.constant 16 : i32
        %mul3A_250 = arith.muli %add3A_248, %mul3A_249 : i32
        %get3A_251 = arith.index_cast %scan3A_154 : i32 to index
        %get3A_252 = arith.index_cast %mul3A_250 : i32 to index
        %get3A_253 = tpu.vector_load %arg9[%get3A_251, %get3A_252] {strides = array<i32>} : memref<32x128xf32, #tpu.memory_space<vmem>>, vector<16xf32>,
        %add3A_254 = arith.addf %get3A_246, %get3A_253 : vector<16xf32>
        %gt3A_255 = arith.constant 0.000000e+00 : f32
        %gt3A_256 = vector.broadcast %gt3A_255 : f32 to vector<16xf32>
        %gt3A_257 = arith.cmpf ogt, %add3A_254, %gt3A_256 : vector<16xf32>
        %mul3A_258 = arith.constant 2.000000e-01 : f32
        %mul3A_259 = vector.broadcast %mul3A_258 : f32 to vector<16xf32>
        %mul3A_260 = arith.mulf %mul3A_259, %add3A_254 : vector<16xf32>
        %select_n3A_261 = arith.select %gt3A_257, %add3A_254, %mul3A_260 : vector<16xi1>, vector<16xf32>
        %add3A_262 = arith.constant 2 : i32
        %add3A_263 = arith.addi %mul3A_86, %add3A_262 : i32
        %get3A_264 = arith.index_cast %add3A_263 : i32 to index
        %get3A_265 = arith.constant 0 : index
        %get3A_266 = tpu.vector_load %arg14[%get3A_264, %get3A_265] {strides = array<i32>} : memref<8x16xf32, #tpu.memory_space<vmem>>, vector<16xf32>,
        %mul3A_267 = arith.mulf %select_n3A_261, %get3A_266 : vector<16xf32>
        %reduce_sum3A_268 = arith.constant true
        %reduce_sum3A_269 = vector.broadcast %reduce_sum3A_268 : i1 to vector<16xi1>
        %reduce_sum3A_270 = tpu.scan <sum>, %mul3A_267 masked %reduce_sum3A_269 : vector<16xf32>, vector<16xi1> -> vector<16xf32>
        %reduce_sum3A_271 = vector.extract %reduce_sum3A_270[15] : f32 from vector<16xf32>
        %broadcast_in_dim3A_272 = vector.broadcast %reduce_sum3A_271 : f32 to vector<16xf32>
        %exp3A_273 = math.exp %broadcast_in_dim3A_272 : vector<16xf32>
        %mul3A_274 = arith.mulf %exp3A_273, %get3A_246 : vector<16xf32>
        %swap3A_275 = arith.index_cast %scan3A_154 : i32 to index
        %swap3A_276 = arith.constant 32 : index
        %swap3A_277 = tpu.vector_load %arg10[%swap3A_275, %swap3A_276] {strides = array<i32>} : memref<32x80xf32, #tpu.memory_space<vmem>>, vector<16xf32>,
        tpu.vector_store %arg10[%swap3A_275, %swap3A_276], %mul3A_274 {strides = array<i32>} : memref<32x80xf32, #tpu.memory_space<vmem>>, vector<16xf32>,
        %eq3A_278 = arith.constant 2 : i32
        %eq3A_279 = vector.broadcast %eq3A_278 : i32 to vector<16xi32>
        %eq3A_280 = arith.cmpi eq, %iota3A, %eq3A_279 : vector<16xi32>
        %convert_element_type3A_281 = arith.extui %eq3A_280 : vector<16xi1> to vector<16xi32>
        %convert_element_type3A_282 = arith.sitofp %convert_element_type3A_281 : vector<16xi32> to vector<16xf32>
        %mul3A_283 = arith.mulf %exp3A_273, %convert_element_type3A_282 : vector<16xf32>
        %add3A_284 = arith.addf %add3A_239, %mul3A_283 : vector<16xf32>
        %add3A_285 = arith.constant 3 : i32
        %add3A_286 = arith.addi %mul3A_86, %add3A_285 : i32
        %mul3A_287 = arith.constant 16 : i32
        %mul3A_288 = arith.muli %add3A_286, %mul3A_287 : i32
        %get3A_289 = arith.index_cast %scan3A_154 : i32 to index
        %get3A_290 = arith.index_cast %mul3A_288 : i32 to index
        %get3A_291 = tpu.vector_load %arg8[%get3A_289, %get3A_290] {strides = array<i32>} : memref<32x128xf32, #tpu.memory_space<vmem>>, vector<16xf32>,
        %add3A_292 = arith.constant 3 : i32
        %add3A_293 = arith.addi %mul3A_86, %add3A_292 : i32
        %mul3A_294 = arith.constant 16 : i32
        %mul3A_295 = arith.muli %add3A_293, %mul3A_294 : i32
        %get3A_296 = arith.index_cast %scan3A_154 : i32 to index
        %get3A_297 = arith.index_cast %mul3A_295 : i32 to index
        %get3A_298 = tpu.vector_load %arg9[%get3A_296, %get3A_297] {strides = array<i32>} : memref<32x128xf32, #tpu.memory_space<vmem>>, vector<16xf32>,
        %add3A_299 = arith.addf %get3A_291, %get3A_298 : vector<16xf32>
        %gt3A_300 = arith.constant 0.000000e+00 : f32
        %gt3A_301 = vector.broadcast %gt3A_300 : f32 to vector<16xf32>
        %gt3A_302 = arith.cmpf ogt, %add3A_299, %gt3A_301 : vector<16xf32>
        %mul3A_303 = arith.constant 2.000000e-01 : f32
        %mul3A_304 = vector.broadcast %mul3A_303 : f32 to vector<16xf32>
        %mul3A_305 = arith.mulf %mul3A_304, %add3A_299 : vector<16xf32>
        %select_n3A_306 = arith.select %gt3A_302, %add3A_299, %mul3A_305 : vector<16xi1>, vector<16xf32>
        %add3A_307 = arith.constant 3 : i32
        %add3A_308 = arith.addi %mul3A_86, %add3A_307 : i32
        %get3A_309 = arith.index_cast %add3A_308 : i32 to index
        %get3A_310 = arith.constant 0 : index
        %get3A_311 = tpu.vector_load %arg14[%get3A_309, %get3A_310] {strides = array<i32>} : memref<8x16xf32, #tpu.memory_space<vmem>>, vector<16xf32>,
        %mul3A_312 = arith.mulf %select_n3A_306, %get3A_311 : vector<16xf32>
        %reduce_sum3A_313 = arith.constant true
        %reduce_sum3A_314 = vector.broadcast %reduce_sum3A_313 : i1 to vector<16xi1>
        %reduce_sum3A_315 = tpu.scan <sum>, %mul3A_312 masked %reduce_sum3A_314 : vector<16xf32>, vector<16xi1> -> vector<16xf32>
        %reduce_sum3A_316 = vector.extract %reduce_sum3A_315[15] : f32 from vector<16xf32>
        %broadcast_in_dim3A_317 = vector.broadcast %reduce_sum3A_316 : f32 to vector<16xf32>
        %exp3A_318 = math.exp %broadcast_in_dim3A_317 : vector<16xf32>
        %mul3A_319 = arith.mulf %exp3A_318, %get3A_291 : vector<16xf32>
        %swap3A_320 = arith.index_cast %scan3A_154 : i32 to index
        %swap3A_321 = arith.constant 48 : index
        %swap3A_322 = tpu.vector_load %arg10[%swap3A_320, %swap3A_321] {strides = array<i32>} : memref<32x80xf32, #tpu.memory_space<vmem>>, vector<16xf32>,
        tpu.vector_store %arg10[%swap3A_320, %swap3A_321], %mul3A_319 {strides = array<i32>} : memref<32x80xf32, #tpu.memory_space<vmem>>, vector<16xf32>,
        %eq3A_323 = arith.constant 3 : i32
        %eq3A_324 = vector.broadcast %eq3A_323 : i32 to vector<16xi32>
        %eq3A_325 = arith.cmpi eq, %iota3A, %eq3A_324 : vector<16xi32>
        %convert_element_type3A_326 = arith.extui %eq3A_325 : vector<16xi1> to vector<16xi32>
        %convert_element_type3A_327 = arith.sitofp %convert_element_type3A_326 : vector<16xi32> to vector<16xf32>
        %mul3A_328 = arith.mulf %exp3A_318, %convert_element_type3A_327 : vector<16xf32>
        %add3A_329 = arith.addf %add3A_284, %mul3A_328 : vector<16xf32>
        %swap3A_330 = arith.index_cast %scan3A_154 : i32 to index
        %swap3A_331 = arith.constant 64 : index
        %swap3A_332 = tpu.vector_load %arg10[%swap3A_330, %swap3A_331] {strides = array<i32>} : memref<32x80xf32, #tpu.memory_space<vmem>>, vector<16xf32>,
        tpu.vector_store %arg10[%swap3A_330, %swap3A_331], %add3A_329 {strides = array<i32>} : memref<32x80xf32, #tpu.memory_space<vmem>>, vector<16xf32>,
        %scan3A_333 = arith.constant 0 : i32
        scf.yield %scan3A_333 : i32
      }
      %scan3A_139 = arith.constant 32 : i32
      "tpu.region"() ({
        %run_scoped3A = tpu.sem_alloc : memref<!tpu.dma_semaphore, #tpu.memory_space<semaphore_mem>>
        %dma_start3A_154 = arith.constant 0 : i32
        %dma_start3A_155 = arith.constant 0 : i32
        %dma_start3A_156 = tpu.memref_slice %arg19[%dma_start3A_154, %dma_start3A_155] : memref<10240x80xf32, #tpu.memory_space<vmem_shared>> -> memref<10240x80xf32, #tpu.memory_space<vmem_shared>>
        tpu.enqueue_indirect_dma source(%arg10 : memref<32x80xf32, #tpu.memory_space<vmem>>) target(%dma_start3A_156 : memref<10240x80xf32, #tpu.memory_space<vmem_shared>>) offsets(%arg16 : memref<32xi32, #tpu.memory_space<vmem>>) semaphore(%run_scoped3A : memref<!tpu.dma_semaphore, #tpu.memory_space<semaphore_mem>>) {add = true}
        %dma_wait3A_157 = arith.constant 0 : i32
        %dma_wait3A_158 = arith.constant 0 : i32
        %dma_wait3A_159 = tpu.memref_slice %arg19[%dma_wait3A_157, %dma_wait3A_158] : memref<10240x80xf32, #tpu.memory_space<vmem_shared>> -> memref<10240x80xf32, #tpu.memory_space<vmem_shared>>
        tpu.wait_indirect_dma semaphore(%run_scoped3A : memref<!tpu.dma_semaphore, #tpu.memory_space<semaphore_mem>>) src(%arg10 : memref<32x80xf32, #tpu.memory_space<vmem>>) dst(%dma_wait3A_159 : memref<10240x80xf32, #tpu.memory_space<vmem_shared>>)
        tpu.yield
      }) : () -> ()
      %dma_wait3A_140 = arith.constant 0 : i32
      %dma_wait3A_141 = arith.constant 0 : i32
      %dma_wait3A_142 = tpu.memref_slice %arg2[%dma_wait3A_140, %dma_wait3A_141] : memref<10400x128xf32, #tpu.memory_space<hbm>> -> memref<10400x128xf32, #tpu.memory_space<hbm>>
      tpu.wait_indirect_dma semaphore(%arg22 : memref<!tpu.dma_semaphore, #tpu.memory_space<semaphore_mem>>) src(%dma_wait3A_142 : memref<10400x128xf32, #tpu.memory_space<hbm>>) dst(%arg11 : memref<32x128xf32, #tpu.memory_space<vmem>>)
      %dma_wait3A_143 = arith.constant 0 : i32
      %dma_wait3A_144 = arith.constant 0 : i32
      %dma_wait3A_145 = tpu.memref_slice %arg3[%dma_wait3A_143, %dma_wait3A_144] : memref<10400x128xf32, #tpu.memory_space<hbm>> -> memref<10400x128xf32, #tpu.memory_space<hbm>>
      tpu.wait_indirect_dma semaphore(%arg23 : memref<!tpu.dma_semaphore, #tpu.memory_space<semaphore_mem>>) src(%dma_wait3A_145 : memref<10400x128xf32, #tpu.memory_space<hbm>>) dst(%arg12 : memref<32x128xf32, #tpu.memory_space<vmem>>)
      %scan3A_146 = arith.constant 0 : i32
      %scan3A_147 = arith.constant 0 : i32
      %scan3A_148 = arith.constant 32 : i32
      %scan3A_149 = arith.addi %scan3A_147, %scan3A_148 : i32
      %scan3A_150 = arith.constant 1 : i32
      %scan3A_151 = scf.for %scan3A_154 = %scan3A_147 to %scan3A_149 step %scan3A_150 iter_args(%scan3A_155 = %scan3A_146) -> (i32)  : i32 {
        %broadcast_in_dim3A_156 = arith.constant 0.000000e+00 : f32
        %broadcast_in_dim3A_157 = vector.broadcast %broadcast_in_dim3A_156 : f32 to vector<16xf32>
        %iota3A = tpu.iota {dimensions = array<i32: 0>} : vector<16xi32>
        %add3A_158 = arith.constant 0 : i32
        %add3A_159 = arith.addi %mul3A_86, %add3A_158 : i32
        %mul3A_160 = arith.constant 16 : i32
        %mul3A_161 = arith.muli %add3A_159, %mul3A_160 : i32
        %get3A = arith.index_cast %scan3A_154 : i32 to index
        %get3A_162 = arith.index_cast %mul3A_161 : i32 to index
        %get3A_163 = tpu.vector_load %arg11[%get3A, %get3A_162] {strides = array<i32>} : memref<32x128xf32, #tpu.memory_space<vmem>>, vector<16xf32>,
        %add3A_164 = arith.constant 0 : i32
        %add3A_165 = arith.addi %mul3A_86, %add3A_164 : i32
        %mul3A_166 = arith.constant 16 : i32
        %mul3A_167 = arith.muli %add3A_165, %mul3A_166 : i32
        %get3A_168 = arith.index_cast %scan3A_154 : i32 to index
        %get3A_169 = arith.index_cast %mul3A_167 : i32 to index
        %get3A_170 = tpu.vector_load %arg12[%get3A_168, %get3A_169] {strides = array<i32>} : memref<32x128xf32, #tpu.memory_space<vmem>>, vector<16xf32>,
        %add3A_171 = arith.addf %get3A_163, %get3A_170 : vector<16xf32>
        %gt3A = arith.constant 0.000000e+00 : f32
        %gt3A_172 = vector.broadcast %gt3A : f32 to vector<16xf32>
        %gt3A_173 = arith.cmpf ogt, %add3A_171, %gt3A_172 : vector<16xf32>
        %mul3A_174 = arith.constant 2.000000e-01 : f32
        %mul3A_175 = vector.broadcast %mul3A_174 : f32 to vector<16xf32>
        %mul3A_176 = arith.mulf %mul3A_175, %add3A_171 : vector<16xf32>
        %select_n3A = arith.select %gt3A_173, %add3A_171, %mul3A_176 : vector<16xi1>, vector<16xf32>
        %add3A_177 = arith.constant 0 : i32
        %add3A_178 = arith.addi %mul3A_86, %add3A_177 : i32
        %get3A_179 = arith.index_cast %add3A_178 : i32 to index
        %get3A_180 = arith.constant 0 : index
        %get3A_181 = tpu.vector_load %arg14[%get3A_179, %get3A_180] {strides = array<i32>} : memref<8x16xf32, #tpu.memory_space<vmem>>, vector<16xf32>,
        %mul3A_182 = arith.mulf %select_n3A, %get3A_181 : vector<16xf32>
        %reduce_sum3A = arith.constant true
        %reduce_sum3A_183 = vector.broadcast %reduce_sum3A : i1 to vector<16xi1>
        %reduce_sum3A_184 = tpu.scan <sum>, %mul3A_182 masked %reduce_sum3A_183 : vector<16xf32>, vector<16xi1> -> vector<16xf32>
        %reduce_sum3A_185 = vector.extract %reduce_sum3A_184[15] : f32 from vector<16xf32>
        %broadcast_in_dim3A_186 = vector.broadcast %reduce_sum3A_185 : f32 to vector<16xf32>
        %exp3A = math.exp %broadcast_in_dim3A_186 : vector<16xf32>
        %mul3A_187 = arith.mulf %exp3A, %get3A_163 : vector<16xf32>
        %swap3A = arith.index_cast %scan3A_154 : i32 to index
        %swap3A_188 = arith.constant 0 : index
        %swap3A_189 = tpu.vector_load %arg13[%swap3A, %swap3A_188] {strides = array<i32>} : memref<32x80xf32, #tpu.memory_space<vmem>>, vector<16xf32>,
        tpu.vector_store %arg13[%swap3A, %swap3A_188], %mul3A_187 {strides = array<i32>} : memref<32x80xf32, #tpu.memory_space<vmem>>, vector<16xf32>,
        %eq3A = arith.constant 0 : i32
        %eq3A_190 = vector.broadcast %eq3A : i32 to vector<16xi32>
        %eq3A_191 = arith.cmpi eq, %iota3A, %eq3A_190 : vector<16xi32>
        %convert_element_type3A = arith.extui %eq3A_191 : vector<16xi1> to vector<16xi32>
        %convert_element_type3A_192 = arith.sitofp %convert_element_type3A : vector<16xi32> to vector<16xf32>
        %mul3A_193 = arith.mulf %exp3A, %convert_element_type3A_192 : vector<16xf32>
        %add3A_194 = arith.addf %broadcast_in_dim3A_157, %mul3A_193 : vector<16xf32>
        %add3A_195 = arith.constant 1 : i32
        %add3A_196 = arith.addi %mul3A_86, %add3A_195 : i32
        %mul3A_197 = arith.constant 16 : i32
        %mul3A_198 = arith.muli %add3A_196, %mul3A_197 : i32
        %get3A_199 = arith.index_cast %scan3A_154 : i32 to index
        %get3A_200 = arith.index_cast %mul3A_198 : i32 to index
        %get3A_201 = tpu.vector_load %arg11[%get3A_199, %get3A_200] {strides = array<i32>} : memref<32x128xf32, #tpu.memory_space<vmem>>, vector<16xf32>,
        %add3A_202 = arith.constant 1 : i32
        %add3A_203 = arith.addi %mul3A_86, %add3A_202 : i32
        %mul3A_204 = arith.constant 16 : i32
        %mul3A_205 = arith.muli %add3A_203, %mul3A_204 : i32
        %get3A_206 = arith.index_cast %scan3A_154 : i32 to index
        %get3A_207 = arith.index_cast %mul3A_205 : i32 to index
        %get3A_208 = tpu.vector_load %arg12[%get3A_206, %get3A_207] {strides = array<i32>} : memref<32x128xf32, #tpu.memory_space<vmem>>, vector<16xf32>,
        %add3A_209 = arith.addf %get3A_201, %get3A_208 : vector<16xf32>
        %gt3A_210 = arith.constant 0.000000e+00 : f32
        %gt3A_211 = vector.broadcast %gt3A_210 : f32 to vector<16xf32>
        %gt3A_212 = arith.cmpf ogt, %add3A_209, %gt3A_211 : vector<16xf32>
        %mul3A_213 = arith.constant 2.000000e-01 : f32
        %mul3A_214 = vector.broadcast %mul3A_213 : f32 to vector<16xf32>
        %mul3A_215 = arith.mulf %mul3A_214, %add3A_209 : vector<16xf32>
        %select_n3A_216 = arith.select %gt3A_212, %add3A_209, %mul3A_215 : vector<16xi1>, vector<16xf32>
        %add3A_217 = arith.constant 1 : i32
        %add3A_218 = arith.addi %mul3A_86, %add3A_217 : i32
        %get3A_219 = arith.index_cast %add3A_218 : i32 to index
        %get3A_220 = arith.constant 0 : index
        %get3A_221 = tpu.vector_load %arg14[%get3A_219, %get3A_220] {strides = array<i32>} : memref<8x16xf32, #tpu.memory_space<vmem>>, vector<16xf32>,
        %mul3A_222 = arith.mulf %select_n3A_216, %get3A_221 : vector<16xf32>
        %reduce_sum3A_223 = arith.constant true
        %reduce_sum3A_224 = vector.broadcast %reduce_sum3A_223 : i1 to vector<16xi1>
        %reduce_sum3A_225 = tpu.scan <sum>, %mul3A_222 masked %reduce_sum3A_224 : vector<16xf32>, vector<16xi1> -> vector<16xf32>
        %reduce_sum3A_226 = vector.extract %reduce_sum3A_225[15] : f32 from vector<16xf32>
        %broadcast_in_dim3A_227 = vector.broadcast %reduce_sum3A_226 : f32 to vector<16xf32>
        %exp3A_228 = math.exp %broadcast_in_dim3A_227 : vector<16xf32>
        %mul3A_229 = arith.mulf %exp3A_228, %get3A_201 : vector<16xf32>
        %swap3A_230 = arith.index_cast %scan3A_154 : i32 to index
        %swap3A_231 = arith.constant 16 : index
        %swap3A_232 = tpu.vector_load %arg13[%swap3A_230, %swap3A_231] {strides = array<i32>} : memref<32x80xf32, #tpu.memory_space<vmem>>, vector<16xf32>,
        tpu.vector_store %arg13[%swap3A_230, %swap3A_231], %mul3A_229 {strides = array<i32>} : memref<32x80xf32, #tpu.memory_space<vmem>>, vector<16xf32>,
        %eq3A_233 = arith.constant 1 : i32
        %eq3A_234 = vector.broadcast %eq3A_233 : i32 to vector<16xi32>
        %eq3A_235 = arith.cmpi eq, %iota3A, %eq3A_234 : vector<16xi32>
        %convert_element_type3A_236 = arith.extui %eq3A_235 : vector<16xi1> to vector<16xi32>
        %convert_element_type3A_237 = arith.sitofp %convert_element_type3A_236 : vector<16xi32> to vector<16xf32>
        %mul3A_238 = arith.mulf %exp3A_228, %convert_element_type3A_237 : vector<16xf32>
        %add3A_239 = arith.addf %add3A_194, %mul3A_238 : vector<16xf32>
        %add3A_240 = arith.constant 2 : i32
        %add3A_241 = arith.addi %mul3A_86, %add3A_240 : i32
        %mul3A_242 = arith.constant 16 : i32
        %mul3A_243 = arith.muli %add3A_241, %mul3A_242 : i32
        %get3A_244 = arith.index_cast %scan3A_154 : i32 to index
        %get3A_245 = arith.index_cast %mul3A_243 : i32 to index
        %get3A_246 = tpu.vector_load %arg11[%get3A_244, %get3A_245] {strides = array<i32>} : memref<32x128xf32, #tpu.memory_space<vmem>>, vector<16xf32>,
        %add3A_247 = arith.constant 2 : i32
        %add3A_248 = arith.addi %mul3A_86, %add3A_247 : i32
        %mul3A_249 = arith.constant 16 : i32
        %mul3A_250 = arith.muli %add3A_248, %mul3A_249 : i32
        %get3A_251 = arith.index_cast %scan3A_154 : i32 to index
        %get3A_252 = arith.index_cast %mul3A_250 : i32 to index
        %get3A_253 = tpu.vector_load %arg12[%get3A_251, %get3A_252] {strides = array<i32>} : memref<32x128xf32, #tpu.memory_space<vmem>>, vector<16xf32>,
        %add3A_254 = arith.addf %get3A_246, %get3A_253 : vector<16xf32>
        %gt3A_255 = arith.constant 0.000000e+00 : f32
        %gt3A_256 = vector.broadcast %gt3A_255 : f32 to vector<16xf32>
        %gt3A_257 = arith.cmpf ogt, %add3A_254, %gt3A_256 : vector<16xf32>
        %mul3A_258 = arith.constant 2.000000e-01 : f32
        %mul3A_259 = vector.broadcast %mul3A_258 : f32 to vector<16xf32>
        %mul3A_260 = arith.mulf %mul3A_259, %add3A_254 : vector<16xf32>
        %select_n3A_261 = arith.select %gt3A_257, %add3A_254, %mul3A_260 : vector<16xi1>, vector<16xf32>
        %add3A_262 = arith.constant 2 : i32
        %add3A_263 = arith.addi %mul3A_86, %add3A_262 : i32
        %get3A_264 = arith.index_cast %add3A_263 : i32 to index
        %get3A_265 = arith.constant 0 : index
        %get3A_266 = tpu.vector_load %arg14[%get3A_264, %get3A_265] {strides = array<i32>} : memref<8x16xf32, #tpu.memory_space<vmem>>, vector<16xf32>,
        %mul3A_267 = arith.mulf %select_n3A_261, %get3A_266 : vector<16xf32>
        %reduce_sum3A_268 = arith.constant true
        %reduce_sum3A_269 = vector.broadcast %reduce_sum3A_268 : i1 to vector<16xi1>
        %reduce_sum3A_270 = tpu.scan <sum>, %mul3A_267 masked %reduce_sum3A_269 : vector<16xf32>, vector<16xi1> -> vector<16xf32>
        %reduce_sum3A_271 = vector.extract %reduce_sum3A_270[15] : f32 from vector<16xf32>
        %broadcast_in_dim3A_272 = vector.broadcast %reduce_sum3A_271 : f32 to vector<16xf32>
        %exp3A_273 = math.exp %broadcast_in_dim3A_272 : vector<16xf32>
        %mul3A_274 = arith.mulf %exp3A_273, %get3A_246 : vector<16xf32>
        %swap3A_275 = arith.index_cast %scan3A_154 : i32 to index
        %swap3A_276 = arith.constant 32 : index
        %swap3A_277 = tpu.vector_load %arg13[%swap3A_275, %swap3A_276] {strides = array<i32>} : memref<32x80xf32, #tpu.memory_space<vmem>>, vector<16xf32>,
        tpu.vector_store %arg13[%swap3A_275, %swap3A_276], %mul3A_274 {strides = array<i32>} : memref<32x80xf32, #tpu.memory_space<vmem>>, vector<16xf32>,
        %eq3A_278 = arith.constant 2 : i32
        %eq3A_279 = vector.broadcast %eq3A_278 : i32 to vector<16xi32>
        %eq3A_280 = arith.cmpi eq, %iota3A, %eq3A_279 : vector<16xi32>
        %convert_element_type3A_281 = arith.extui %eq3A_280 : vector<16xi1> to vector<16xi32>
        %convert_element_type3A_282 = arith.sitofp %convert_element_type3A_281 : vector<16xi32> to vector<16xf32>
        %mul3A_283 = arith.mulf %exp3A_273, %convert_element_type3A_282 : vector<16xf32>
        %add3A_284 = arith.addf %add3A_239, %mul3A_283 : vector<16xf32>
        %add3A_285 = arith.constant 3 : i32
        %add3A_286 = arith.addi %mul3A_86, %add3A_285 : i32
        %mul3A_287 = arith.constant 16 : i32
        %mul3A_288 = arith.muli %add3A_286, %mul3A_287 : i32
        %get3A_289 = arith.index_cast %scan3A_154 : i32 to index
        %get3A_290 = arith.index_cast %mul3A_288 : i32 to index
        %get3A_291 = tpu.vector_load %arg11[%get3A_289, %get3A_290] {strides = array<i32>} : memref<32x128xf32, #tpu.memory_space<vmem>>, vector<16xf32>,
        %add3A_292 = arith.constant 3 : i32
        %add3A_293 = arith.addi %mul3A_86, %add3A_292 : i32
        %mul3A_294 = arith.constant 16 : i32
        %mul3A_295 = arith.muli %add3A_293, %mul3A_294 : i32
        %get3A_296 = arith.index_cast %scan3A_154 : i32 to index
        %get3A_297 = arith.index_cast %mul3A_295 : i32 to index
        %get3A_298 = tpu.vector_load %arg12[%get3A_296, %get3A_297] {strides = array<i32>} : memref<32x128xf32, #tpu.memory_space<vmem>>, vector<16xf32>,
        %add3A_299 = arith.addf %get3A_291, %get3A_298 : vector<16xf32>
        %gt3A_300 = arith.constant 0.000000e+00 : f32
        %gt3A_301 = vector.broadcast %gt3A_300 : f32 to vector<16xf32>
        %gt3A_302 = arith.cmpf ogt, %add3A_299, %gt3A_301 : vector<16xf32>
        %mul3A_303 = arith.constant 2.000000e-01 : f32
        %mul3A_304 = vector.broadcast %mul3A_303 : f32 to vector<16xf32>
        %mul3A_305 = arith.mulf %mul3A_304, %add3A_299 : vector<16xf32>
        %select_n3A_306 = arith.select %gt3A_302, %add3A_299, %mul3A_305 : vector<16xi1>, vector<16xf32>
        %add3A_307 = arith.constant 3 : i32
        %add3A_308 = arith.addi %mul3A_86, %add3A_307 : i32
        %get3A_309 = arith.index_cast %add3A_308 : i32 to index
        %get3A_310 = arith.constant 0 : index
        %get3A_311 = tpu.vector_load %arg14[%get3A_309, %get3A_310] {strides = array<i32>} : memref<8x16xf32, #tpu.memory_space<vmem>>, vector<16xf32>,
        %mul3A_312 = arith.mulf %select_n3A_306, %get3A_311 : vector<16xf32>
        %reduce_sum3A_313 = arith.constant true
        %reduce_sum3A_314 = vector.broadcast %reduce_sum3A_313 : i1 to vector<16xi1>
        %reduce_sum3A_315 = tpu.scan <sum>, %mul3A_312 masked %reduce_sum3A_314 : vector<16xf32>, vector<16xi1> -> vector<16xf32>
        %reduce_sum3A_316 = vector.extract %reduce_sum3A_315[15] : f32 from vector<16xf32>
        %broadcast_in_dim3A_317 = vector.broadcast %reduce_sum3A_316 : f32 to vector<16xf32>
        %exp3A_318 = math.exp %broadcast_in_dim3A_317 : vector<16xf32>
        %mul3A_319 = arith.mulf %exp3A_318, %get3A_291 : vector<16xf32>
        %swap3A_320 = arith.index_cast %scan3A_154 : i32 to index
        %swap3A_321 = arith.constant 48 : index
        %swap3A_322 = tpu.vector_load %arg13[%swap3A_320, %swap3A_321] {strides = array<i32>} : memref<32x80xf32, #tpu.memory_space<vmem>>, vector<16xf32>,
        tpu.vector_store %arg13[%swap3A_320, %swap3A_321], %mul3A_319 {strides = array<i32>} : memref<32x80xf32, #tpu.memory_space<vmem>>, vector<16xf32>,
        %eq3A_323 = arith.constant 3 : i32
        %eq3A_324 = vector.broadcast %eq3A_323 : i32 to vector<16xi32>
        %eq3A_325 = arith.cmpi eq, %iota3A, %eq3A_324 : vector<16xi32>
        %convert_element_type3A_326 = arith.extui %eq3A_325 : vector<16xi1> to vector<16xi32>
        %convert_element_type3A_327 = arith.sitofp %convert_element_type3A_326 : vector<16xi32> to vector<16xf32>
        %mul3A_328 = arith.mulf %exp3A_318, %convert_element_type3A_327 : vector<16xf32>
        %add3A_329 = arith.addf %add3A_284, %mul3A_328 : vector<16xf32>
        %swap3A_330 = arith.index_cast %scan3A_154 : i32 to index
        %swap3A_331 = arith.constant 64 : index
        %swap3A_332 = tpu.vector_load %arg13[%swap3A_330, %swap3A_331] {strides = array<i32>} : memref<32x80xf32, #tpu.memory_space<vmem>>, vector<16xf32>,
        tpu.vector_store %arg13[%swap3A_330, %swap3A_331], %add3A_329 {strides = array<i32>} : memref<32x80xf32, #tpu.memory_space<vmem>>, vector<16xf32>,
        %scan3A_333 = arith.constant 0 : i32
        scf.yield %scan3A_333 : i32
      }
      %scan3A_152 = arith.constant 32 : i32
      "tpu.region"() ({
        %run_scoped3A = tpu.sem_alloc : memref<!tpu.dma_semaphore, #tpu.memory_space<semaphore_mem>>
        %dma_start3A_154 = arith.constant 0 : i32
        %dma_start3A_155 = arith.constant 0 : i32
        %dma_start3A_156 = tpu.memref_slice %arg19[%dma_start3A_154, %dma_start3A_155] : memref<10240x80xf32, #tpu.memory_space<vmem_shared>> -> memref<10240x80xf32, #tpu.memory_space<vmem_shared>>
        tpu.enqueue_indirect_dma source(%arg13 : memref<32x80xf32, #tpu.memory_space<vmem>>) target(%dma_start3A_156 : memref<10240x80xf32, #tpu.memory_space<vmem_shared>>) offsets(%arg18 : memref<32xi32, #tpu.memory_space<vmem>>) semaphore(%run_scoped3A : memref<!tpu.dma_semaphore, #tpu.memory_space<semaphore_mem>>) {add = true}
        %dma_wait3A_157 = arith.constant 0 : i32
        %dma_wait3A_158 = arith.constant 0 : i32
        %dma_wait3A_159 = tpu.memref_slice %arg19[%dma_wait3A_157, %dma_wait3A_158] : memref<10240x80xf32, #tpu.memory_space<vmem_shared>> -> memref<10240x80xf32, #tpu.memory_space<vmem_shared>>
        tpu.wait_indirect_dma semaphore(%run_scoped3A : memref<!tpu.dma_semaphore, #tpu.memory_space<semaphore_mem>>) src(%arg13 : memref<32x80xf32, #tpu.memory_space<vmem>>) dst(%dma_wait3A_159 : memref<10240x80xf32, #tpu.memory_space<vmem_shared>>)
        tpu.yield
      }) : () -> ()
      %scan3A_153 = arith.constant 0 : i32
      scf.yield %scan3A_153 : i32
    }
    %scan3A_93 = arith.constant 323 : i32
    %barrier3A_94 = arith.constant 0 : index
    tpu.barrier barrier_id(%barrier3A_94)
    %mul3A_95 = arith.constant 640 : i32
    %mul3A_96 = arith.muli %arg1, %mul3A_95 : i32
    %mul3A_97 = arith.constant 640 : i32
    %mul3A_98 = arith.muli %arg1, %mul3A_97 : i32
    "tpu.region"() ({
      %run_scoped3A = tpu.sem_alloc : memref<!tpu.dma_semaphore, #tpu.memory_space<semaphore_mem>>
      %dma_start3A = arith.constant 0 : i32
      %dma_start3A_99 = tpu.memref_slice %arg7[%arg0, %mul3A_98, %dma_start3A] : memref<2x10240x80xf32, #tpu.memory_space<hbm>> -> memref<1x640x80xf32, #tpu.memory_space<hbm>>
      %dma_start3A_100 = tpu.memref_squeeze %dma_start3A_99 : memref<1x640x80xf32, #tpu.memory_space<hbm>> -> memref<640x80xf32, #tpu.memory_space<hbm>>
      %dma_start3A_101 = arith.constant 0 : i32
      %dma_start3A_102 = tpu.memref_slice %arg19[%mul3A_96, %dma_start3A_101] : memref<10240x80xf32, #tpu.memory_space<vmem_shared>> -> memref<640x80xf32, #tpu.memory_space<vmem_shared>>
      tpu.enqueue_dma source(%dma_start3A_102 : memref<640x80xf32, #tpu.memory_space<vmem_shared>>) target(%dma_start3A_100 : memref<640x80xf32, #tpu.memory_space<hbm>>) target_semaphore(%run_scoped3A : memref<!tpu.dma_semaphore, #tpu.memory_space<semaphore_mem>>)
      %dma_wait3A = arith.constant 0 : i32
      %dma_wait3A_103 = tpu.memref_slice %arg7[%arg0, %mul3A_98, %dma_wait3A] : memref<2x10240x80xf32, #tpu.memory_space<hbm>> -> memref<1x640x80xf32, #tpu.memory_space<hbm>>
      %dma_wait3A_104 = tpu.memref_squeeze %dma_wait3A_103 : memref<1x640x80xf32, #tpu.memory_space<hbm>> -> memref<640x80xf32, #tpu.memory_space<hbm>>
      %dma_wait3A_105 = arith.constant 0 : i32
      %dma_wait3A_106 = tpu.memref_slice %arg19[%mul3A_96, %dma_wait3A_105] : memref<10240x80xf32, #tpu.memory_space<vmem_shared>> -> memref<640x80xf32, #tpu.memory_space<vmem_shared>>
      tpu.wait_dma2 semaphore(%run_scoped3A : memref<!tpu.dma_semaphore, #tpu.memory_space<semaphore_mem>>) src(%dma_wait3A_106 : memref<640x80xf32, #tpu.memory_space<vmem_shared>>) dst(%dma_wait3A_104 : memref<640x80xf32, #tpu.memory_space<hbm>>)
      tpu.yield
    }) : () -> ()
    return
  }
}

#map = affine_map<(d0, d1) -> (0, 0)>
#map1 = affine_map<(d0, d1) -> (0)>
#map2 = affine_map<(d0, d1) -> (0, 0, 0)>
module attributes {stable_mosaic.version = 14 : i64} {
  func.func @edge_pass(%arg0: i32, %arg1: i32, %arg2: memref<10400x128xf32, #tpu.memory_space<hbm>>, %arg3: memref<10400x128xf32, #tpu.memory_space<hbm>>, %arg4: memref<330752xi32, #tpu.memory_space<hbm>>, %arg5: memref<330752xi32, #tpu.memory_space<hbm>>, %arg6: memref<8x16xf32, #tpu.memory_space<hbm>>, %arg7: memref<2x10240x80xf32, #tpu.memory_space<hbm>>, %arg8: memref<32x128xf32, #tpu.memory_space<vmem>>, %arg9: memref<32x128xf32, #tpu.memory_space<vmem>>, %arg10: memref<32x80xf32, #tpu.memory_space<vmem>>, %arg11: memref<32x128xf32, #tpu.memory_space<vmem>>, %arg12: memref<32x128xf32, #tpu.memory_space<vmem>>, %arg13: memref<32x80xf32, #tpu.memory_space<vmem>>, %arg14: memref<8x16xf32, #tpu.memory_space<vmem>>, %arg15: memref<32xi32, #tpu.memory_space<vmem>>, %arg16: memref<32xi32, #tpu.memory_space<vmem>>, %arg17: memref<32xi32, #tpu.memory_space<vmem>>, %arg18: memref<32xi32, #tpu.memory_space<vmem>>, %arg19: memref<10240x80xf32, #tpu.memory_space<vmem_shared>>, %arg20: memref<!tpu.dma_semaphore, #tpu.memory_space<semaphore_mem>>, %arg21: memref<!tpu.dma_semaphore, #tpu.memory_space<semaphore_mem>>, %arg22: memref<!tpu.dma_semaphore, #tpu.memory_space<semaphore_mem>>, %arg23: memref<!tpu.dma_semaphore, #tpu.memory_space<semaphore_mem>>) attributes {dimension_semantics = [#tpu.dimension_semantics<core_parallel>, #tpu.dimension_semantics<subcore_parallel>], iteration_bounds = array<i64: 2, 16>, scalar_prefetch = 0 : i64, scratch_operands = 16 : i64, tpu.core_type = #tpu.core_type<sc_vector_subcore>, window_params = [{transform_indices = #map}, {transform_indices = #map}, {transform_indices = #map1}, {transform_indices = #map1}, {transform_indices = #map}, {transform_indices = #map2}]} {
    %broadcast_in_dim3A = arith.constant 0.000000e+00 : f32
    %broadcast_in_dim3A_0 = vector.broadcast %broadcast_in_dim3A : f32 to vector<16xf32>
    %scan3A = arith.constant 0 : i32
    %scan3A_1 = arith.constant 0 : i32
    %scan3A_2 = arith.constant 32 : i32
    %scan3A_3 = arith.addi %scan3A_1, %scan3A_2 : i32
    %scan3A_4 = arith.constant 1 : i32
    %scan3A_5 = scf.for %scan3A_99 = %scan3A_1 to %scan3A_3 step %scan3A_4 iter_args(%scan3A_100 = %scan3A) -> (i32)  : i32 {
      %swap3A = arith.index_cast %scan3A_99 : i32 to index
      %swap3A_101 = arith.constant 0 : index
      %swap3A_102 = tpu.vector_load %arg10[%swap3A, %swap3A_101] {strides = array<i32>} : memref<32x80xf32, #tpu.memory_space<vmem>>, vector<16xf32>,
      tpu.vector_store %arg10[%swap3A, %swap3A_101], %broadcast_in_dim3A_0 {strides = array<i32>} : memref<32x80xf32, #tpu.memory_space<vmem>>, vector<16xf32>,
      %swap3A_103 = arith.index_cast %scan3A_99 : i32 to index
      %swap3A_104 = arith.constant 16 : index
      %swap3A_105 = tpu.vector_load %arg10[%swap3A_103, %swap3A_104] {strides = array<i32>} : memref<32x80xf32, #tpu.memory_space<vmem>>, vector<16xf32>,
      tpu.vector_store %arg10[%swap3A_103, %swap3A_104], %broadcast_in_dim3A_0 {strides = array<i32>} : memref<32x80xf32, #tpu.memory_space<vmem>>, vector<16xf32>,
      %swap3A_106 = arith.index_cast %scan3A_99 : i32 to index
      %swap3A_107 = arith.constant 32 : index
      %swap3A_108 = tpu.vector_load %arg10[%swap3A_106, %swap3A_107] {strides = array<i32>} : memref<32x80xf32, #tpu.memory_space<vmem>>, vector<16xf32>,
      tpu.vector_store %arg10[%swap3A_106, %swap3A_107], %broadcast_in_dim3A_0 {strides = array<i32>} : memref<32x80xf32, #tpu.memory_space<vmem>>, vector<16xf32>,
      %swap3A_109 = arith.index_cast %scan3A_99 : i32 to index
      %swap3A_110 = arith.constant 48 : index
      %swap3A_111 = tpu.vector_load %arg10[%swap3A_109, %swap3A_110] {strides = array<i32>} : memref<32x80xf32, #tpu.memory_space<vmem>>, vector<16xf32>,
      tpu.vector_store %arg10[%swap3A_109, %swap3A_110], %broadcast_in_dim3A_0 {strides = array<i32>} : memref<32x80xf32, #tpu.memory_space<vmem>>, vector<16xf32>,
      %swap3A_112 = arith.index_cast %scan3A_99 : i32 to index
      %swap3A_113 = arith.constant 64 : index
      %swap3A_114 = tpu.vector_load %arg10[%swap3A_112, %swap3A_113] {strides = array<i32>} : memref<32x80xf32, #tpu.memory_space<vmem>>, vector<16xf32>,
      tpu.vector_store %arg10[%swap3A_112, %swap3A_113], %broadcast_in_dim3A_0 {strides = array<i32>} : memref<32x80xf32, #tpu.memory_space<vmem>>, vector<16xf32>,
      %scan3A_115 = arith.constant 0 : i32
      scf.yield %scan3A_115 : i32
    }
    %scan3A_6 = arith.constant 32 : i32
    %mul3A = arith.constant 640 : i32
    %mul3A_7 = arith.muli %arg1, %mul3A : i32
    %add3A = arith.constant 0 : i32
    %add3A_8 = arith.addi %mul3A_7, %add3A : i32
    "tpu.region"() ({
      %run_scoped3A = tpu.sem_alloc : memref<!tpu.dma_semaphore, #tpu.memory_space<semaphore_mem>>
      %dma_start3A = arith.constant 0 : i32
      %dma_start3A_99 = tpu.memref_slice %arg19[%add3A_8, %dma_start3A] : memref<10240x80xf32, #tpu.memory_space<vmem_shared>> -> memref<32x80xf32, #tpu.memory_space<vmem_shared>>
      %dma_start3A_100 = arith.constant 0 : i32
      %dma_start3A_101 = tpu.memref_slice %arg19[%add3A_8, %dma_start3A_100] : memref<10240x80xf32, #tpu.memory_space<vmem_shared>> -> memref<32x80xf32, #tpu.memory_space<vmem_shared>>
      tpu.enqueue_dma source(%arg10 : memref<32x80xf32, #tpu.memory_space<vmem>>) target(%dma_start3A_101 : memref<32x80xf32, #tpu.memory_space<vmem_shared>>) target_semaphore(%run_scoped3A : memref<!tpu.dma_semaphore, #tpu.memory_space<semaphore_mem>>)
      %dma_wait3A = arith.constant 0 : i32
      %dma_wait3A_102 = tpu.memref_slice %arg19[%add3A_8, %dma_wait3A] : memref<10240x80xf32, #tpu.memory_space<vmem_shared>> -> memref<32x80xf32, #tpu.memory_space<vmem_shared>>
      %dma_wait3A_103 = arith.constant 0 : i32
      %dma_wait3A_104 = tpu.memref_slice %arg19[%add3A_8, %dma_wait3A_103] : memref<10240x80xf32, #tpu.memory_space<vmem_shared>> -> memref<32x80xf32, #tpu.memory_space<vmem_shared>>
      tpu.wait_dma2 semaphore(%run_scoped3A : memref<!tpu.dma_semaphore, #tpu.memory_space<semaphore_mem>>) src(%arg10 : memref<32x80xf32, #tpu.memory_space<vmem>>) dst(%dma_wait3A_104 : memref<32x80xf32, #tpu.memory_space<vmem_shared>>)
      tpu.yield
    }) : () -> ()
    %mul3A_9 = arith.constant 640 : i32
    %mul3A_10 = arith.muli %arg1, %mul3A_9 : i32
    %add3A_11 = arith.constant 32 : i32
    %add3A_12 = arith.addi %mul3A_10, %add3A_11 : i32
    "tpu.region"() ({
      %run_scoped3A = tpu.sem_alloc : memref<!tpu.dma_semaphore, #tpu.memory_space<semaphore_mem>>
      %dma_start3A = arith.constant 0 : i32
      %dma_start3A_99 = tpu.memref_slice %arg19[%add3A_12, %dma_start3A] : memref<10240x80xf32, #tpu.memory_space<vmem_shared>> -> memref<32x80xf32, #tpu.memory_space<vmem_shared>>
      %dma_start3A_100 = arith.constant 0 : i32
      %dma_start3A_101 = tpu.memref_slice %arg19[%add3A_12, %dma_start3A_100] : memref<10240x80xf32, #tpu.memory_space<vmem_shared>> -> memref<32x80xf32, #tpu.memory_space<vmem_shared>>
      tpu.enqueue_dma source(%arg10 : memref<32x80xf32, #tpu.memory_space<vmem>>) target(%dma_start3A_101 : memref<32x80xf32, #tpu.memory_space<vmem_shared>>) target_semaphore(%run_scoped3A : memref<!tpu.dma_semaphore, #tpu.memory_space<semaphore_mem>>)
      %dma_wait3A = arith.constant 0 : i32
      %dma_wait3A_102 = tpu.memref_slice %arg19[%add3A_12, %dma_wait3A] : memref<10240x80xf32, #tpu.memory_space<vmem_shared>> -> memref<32x80xf32, #tpu.memory_space<vmem_shared>>
      %dma_wait3A_103 = arith.constant 0 : i32
      %dma_wait3A_104 = tpu.memref_slice %arg19[%add3A_12, %dma_wait3A_103] : memref<10240x80xf32, #tpu.memory_space<vmem_shared>> -> memref<32x80xf32, #tpu.memory_space<vmem_shared>>
      tpu.wait_dma2 semaphore(%run_scoped3A : memref<!tpu.dma_semaphore, #tpu.memory_space<semaphore_mem>>) src(%arg10 : memref<32x80xf32, #tpu.memory_space<vmem>>) dst(%dma_wait3A_104 : memref<32x80xf32, #tpu.memory_space<vmem_shared>>)
      tpu.yield
    }) : () -> ()
    %mul3A_13 = arith.constant 640 : i32
    %mul3A_14 = arith.muli %arg1, %mul3A_13 : i32
    %add3A_15 = arith.constant 64 : i32
    %add3A_16 = arith.addi %mul3A_14, %add3A_15 : i32
    "tpu.region"() ({
      %run_scoped3A = tpu.sem_alloc : memref<!tpu.dma_semaphore, #tpu.memory_space<semaphore_mem>>
      %dma_start3A = arith.constant 0 : i32
      %dma_start3A_99 = tpu.memref_slice %arg19[%add3A_16, %dma_start3A] : memref<10240x80xf32, #tpu.memory_space<vmem_shared>> -> memref<32x80xf32, #tpu.memory_space<vmem_shared>>
      %dma_start3A_100 = arith.constant 0 : i32
      %dma_start3A_101 = tpu.memref_slice %arg19[%add3A_16, %dma_start3A_100] : memref<10240x80xf32, #tpu.memory_space<vmem_shared>> -> memref<32x80xf32, #tpu.memory_space<vmem_shared>>
      tpu.enqueue_dma source(%arg10 : memref<32x80xf32, #tpu.memory_space<vmem>>) target(%dma_start3A_101 : memref<32x80xf32, #tpu.memory_space<vmem_shared>>) target_semaphore(%run_scoped3A : memref<!tpu.dma_semaphore, #tpu.memory_space<semaphore_mem>>)
      %dma_wait3A = arith.constant 0 : i32
      %dma_wait3A_102 = tpu.memref_slice %arg19[%add3A_16, %dma_wait3A] : memref<10240x80xf32, #tpu.memory_space<vmem_shared>> -> memref<32x80xf32, #tpu.memory_space<vmem_shared>>
      %dma_wait3A_103 = arith.constant 0 : i32
      %dma_wait3A_104 = tpu.memref_slice %arg19[%add3A_16, %dma_wait3A_103] : memref<10240x80xf32, #tpu.memory_space<vmem_shared>> -> memref<32x80xf32, #tpu.memory_space<vmem_shared>>
      tpu.wait_dma2 semaphore(%run_scoped3A : memref<!tpu.dma_semaphore, #tpu.memory_space<semaphore_mem>>) src(%arg10 : memref<32x80xf32, #tpu.memory_space<vmem>>) dst(%dma_wait3A_104 : memref<32x80xf32, #tpu.memory_space<vmem_shared>>)
      tpu.yield
    }) : () -> ()
    %mul3A_17 = arith.constant 640 : i32
    %mul3A_18 = arith.muli %arg1, %mul3A_17 : i32
    %add3A_19 = arith.constant 96 : i32
    %add3A_20 = arith.addi %mul3A_18, %add3A_19 : i32
    "tpu.region"() ({
      %run_scoped3A = tpu.sem_alloc : memref<!tpu.dma_semaphore, #tpu.memory_space<semaphore_mem>>
      %dma_start3A = arith.constant 0 : i32
      %dma_start3A_99 = tpu.memref_slice %arg19[%add3A_20, %dma_start3A] : memref<10240x80xf32, #tpu.memory_space<vmem_shared>> -> memref<32x80xf32, #tpu.memory_space<vmem_shared>>
      %dma_start3A_100 = arith.constant 0 : i32
      %dma_start3A_101 = tpu.memref_slice %arg19[%add3A_20, %dma_start3A_100] : memref<10240x80xf32, #tpu.memory_space<vmem_shared>> -> memref<32x80xf32, #tpu.memory_space<vmem_shared>>
      tpu.enqueue_dma source(%arg10 : memref<32x80xf32, #tpu.memory_space<vmem>>) target(%dma_start3A_101 : memref<32x80xf32, #tpu.memory_space<vmem_shared>>) target_semaphore(%run_scoped3A : memref<!tpu.dma_semaphore, #tpu.memory_space<semaphore_mem>>)
      %dma_wait3A = arith.constant 0 : i32
      %dma_wait3A_102 = tpu.memref_slice %arg19[%add3A_20, %dma_wait3A] : memref<10240x80xf32, #tpu.memory_space<vmem_shared>> -> memref<32x80xf32, #tpu.memory_space<vmem_shared>>
      %dma_wait3A_103 = arith.constant 0 : i32
      %dma_wait3A_104 = tpu.memref_slice %arg19[%add3A_20, %dma_wait3A_103] : memref<10240x80xf32, #tpu.memory_space<vmem_shared>> -> memref<32x80xf32, #tpu.memory_space<vmem_shared>>
      tpu.wait_dma2 semaphore(%run_scoped3A : memref<!tpu.dma_semaphore, #tpu.memory_space<semaphore_mem>>) src(%arg10 : memref<32x80xf32, #tpu.memory_space<vmem>>) dst(%dma_wait3A_104 : memref<32x80xf32, #tpu.memory_space<vmem_shared>>)
      tpu.yield
    }) : () -> ()
    %mul3A_21 = arith.constant 640 : i32
    %mul3A_22 = arith.muli %arg1, %mul3A_21 : i32
    %add3A_23 = arith.constant 128 : i32
    %add3A_24 = arith.addi %mul3A_22, %add3A_23 : i32
    "tpu.region"() ({
      %run_scoped3A = tpu.sem_alloc : memref<!tpu.dma_semaphore, #tpu.memory_space<semaphore_mem>>
      %dma_start3A = arith.constant 0 : i32
      %dma_start3A_99 = tpu.memref_slice %arg19[%add3A_24, %dma_start3A] : memref<10240x80xf32, #tpu.memory_space<vmem_shared>> -> memref<32x80xf32, #tpu.memory_space<vmem_shared>>
      %dma_start3A_100 = arith.constant 0 : i32
      %dma_start3A_101 = tpu.memref_slice %arg19[%add3A_24, %dma_start3A_100] : memref<10240x80xf32, #tpu.memory_space<vmem_shared>> -> memref<32x80xf32, #tpu.memory_space<vmem_shared>>
      tpu.enqueue_dma source(%arg10 : memref<32x80xf32, #tpu.memory_space<vmem>>) target(%dma_start3A_101 : memref<32x80xf32, #tpu.memory_space<vmem_shared>>) target_semaphore(%run_scoped3A : memref<!tpu.dma_semaphore, #tpu.memory_space<semaphore_mem>>)
      %dma_wait3A = arith.constant 0 : i32
      %dma_wait3A_102 = tpu.memref_slice %arg19[%add3A_24, %dma_wait3A] : memref<10240x80xf32, #tpu.memory_space<vmem_shared>> -> memref<32x80xf32, #tpu.memory_space<vmem_shared>>
      %dma_wait3A_103 = arith.constant 0 : i32
      %dma_wait3A_104 = tpu.memref_slice %arg19[%add3A_24, %dma_wait3A_103] : memref<10240x80xf32, #tpu.memory_space<vmem_shared>> -> memref<32x80xf32, #tpu.memory_space<vmem_shared>>
      tpu.wait_dma2 semaphore(%run_scoped3A : memref<!tpu.dma_semaphore, #tpu.memory_space<semaphore_mem>>) src(%arg10 : memref<32x80xf32, #tpu.memory_space<vmem>>) dst(%dma_wait3A_104 : memref<32x80xf32, #tpu.memory_space<vmem_shared>>)
      tpu.yield
    }) : () -> ()
    %mul3A_25 = arith.constant 640 : i32
    %mul3A_26 = arith.muli %arg1, %mul3A_25 : i32
    %add3A_27 = arith.constant 160 : i32
    %add3A_28 = arith.addi %mul3A_26, %add3A_27 : i32
    "tpu.region"() ({
      %run_scoped3A = tpu.sem_alloc : memref<!tpu.dma_semaphore, #tpu.memory_space<semaphore_mem>>
      %dma_start3A = arith.constant 0 : i32
      %dma_start3A_99 = tpu.memref_slice %arg19[%add3A_28, %dma_start3A] : memref<10240x80xf32, #tpu.memory_space<vmem_shared>> -> memref<32x80xf32, #tpu.memory_space<vmem_shared>>
      %dma_start3A_100 = arith.constant 0 : i32
      %dma_start3A_101 = tpu.memref_slice %arg19[%add3A_28, %dma_start3A_100] : memref<10240x80xf32, #tpu.memory_space<vmem_shared>> -> memref<32x80xf32, #tpu.memory_space<vmem_shared>>
      tpu.enqueue_dma source(%arg10 : memref<32x80xf32, #tpu.memory_space<vmem>>) target(%dma_start3A_101 : memref<32x80xf32, #tpu.memory_space<vmem_shared>>) target_semaphore(%run_scoped3A : memref<!tpu.dma_semaphore, #tpu.memory_space<semaphore_mem>>)
      %dma_wait3A = arith.constant 0 : i32
      %dma_wait3A_102 = tpu.memref_slice %arg19[%add3A_28, %dma_wait3A] : memref<10240x80xf32, #tpu.memory_space<vmem_shared>> -> memref<32x80xf32, #tpu.memory_space<vmem_shared>>
      %dma_wait3A_103 = arith.constant 0 : i32
      %dma_wait3A_104 = tpu.memref_slice %arg19[%add3A_28, %dma_wait3A_103] : memref<10240x80xf32, #tpu.memory_space<vmem_shared>> -> memref<32x80xf32, #tpu.memory_space<vmem_shared>>
      tpu.wait_dma2 semaphore(%run_scoped3A : memref<!tpu.dma_semaphore, #tpu.memory_space<semaphore_mem>>) src(%arg10 : memref<32x80xf32, #tpu.memory_space<vmem>>) dst(%dma_wait3A_104 : memref<32x80xf32, #tpu.memory_space<vmem_shared>>)
      tpu.yield
    }) : () -> ()
    %mul3A_29 = arith.constant 640 : i32
    %mul3A_30 = arith.muli %arg1, %mul3A_29 : i32
    %add3A_31 = arith.constant 192 : i32
    %add3A_32 = arith.addi %mul3A_30, %add3A_31 : i32
    "tpu.region"() ({
      %run_scoped3A = tpu.sem_alloc : memref<!tpu.dma_semaphore, #tpu.memory_space<semaphore_mem>>
      %dma_start3A = arith.constant 0 : i32
      %dma_start3A_99 = tpu.memref_slice %arg19[%add3A_32, %dma_start3A] : memref<10240x80xf32, #tpu.memory_space<vmem_shared>> -> memref<32x80xf32, #tpu.memory_space<vmem_shared>>
      %dma_start3A_100 = arith.constant 0 : i32
      %dma_start3A_101 = tpu.memref_slice %arg19[%add3A_32, %dma_start3A_100] : memref<10240x80xf32, #tpu.memory_space<vmem_shared>> -> memref<32x80xf32, #tpu.memory_space<vmem_shared>>
      tpu.enqueue_dma source(%arg10 : memref<32x80xf32, #tpu.memory_space<vmem>>) target(%dma_start3A_101 : memref<32x80xf32, #tpu.memory_space<vmem_shared>>) target_semaphore(%run_scoped3A : memref<!tpu.dma_semaphore, #tpu.memory_space<semaphore_mem>>)
      %dma_wait3A = arith.constant 0 : i32
      %dma_wait3A_102 = tpu.memref_slice %arg19[%add3A_32, %dma_wait3A] : memref<10240x80xf32, #tpu.memory_space<vmem_shared>> -> memref<32x80xf32, #tpu.memory_space<vmem_shared>>
      %dma_wait3A_103 = arith.constant 0 : i32
      %dma_wait3A_104 = tpu.memref_slice %arg19[%add3A_32, %dma_wait3A_103] : memref<10240x80xf32, #tpu.memory_space<vmem_shared>> -> memref<32x80xf32, #tpu.memory_space<vmem_shared>>
      tpu.wait_dma2 semaphore(%run_scoped3A : memref<!tpu.dma_semaphore, #tpu.memory_space<semaphore_mem>>) src(%arg10 : memref<32x80xf32, #tpu.memory_space<vmem>>) dst(%dma_wait3A_104 : memref<32x80xf32, #tpu.memory_space<vmem_shared>>)
      tpu.yield
    }) : () -> ()
    %mul3A_33 = arith.constant 640 : i32
    %mul3A_34 = arith.muli %arg1, %mul3A_33 : i32
    %add3A_35 = arith.constant 224 : i32
    %add3A_36 = arith.addi %mul3A_34, %add3A_35 : i32
    "tpu.region"() ({
      %run_scoped3A = tpu.sem_alloc : memref<!tpu.dma_semaphore, #tpu.memory_space<semaphore_mem>>
      %dma_start3A = arith.constant 0 : i32
      %dma_start3A_99 = tpu.memref_slice %arg19[%add3A_36, %dma_start3A] : memref<10240x80xf32, #tpu.memory_space<vmem_shared>> -> memref<32x80xf32, #tpu.memory_space<vmem_shared>>
      %dma_start3A_100 = arith.constant 0 : i32
      %dma_start3A_101 = tpu.memref_slice %arg19[%add3A_36, %dma_start3A_100] : memref<10240x80xf32, #tpu.memory_space<vmem_shared>> -> memref<32x80xf32, #tpu.memory_space<vmem_shared>>
      tpu.enqueue_dma source(%arg10 : memref<32x80xf32, #tpu.memory_space<vmem>>) target(%dma_start3A_101 : memref<32x80xf32, #tpu.memory_space<vmem_shared>>) target_semaphore(%run_scoped3A : memref<!tpu.dma_semaphore, #tpu.memory_space<semaphore_mem>>)
      %dma_wait3A = arith.constant 0 : i32
      %dma_wait3A_102 = tpu.memref_slice %arg19[%add3A_36, %dma_wait3A] : memref<10240x80xf32, #tpu.memory_space<vmem_shared>> -> memref<32x80xf32, #tpu.memory_space<vmem_shared>>
      %dma_wait3A_103 = arith.constant 0 : i32
      %dma_wait3A_104 = tpu.memref_slice %arg19[%add3A_36, %dma_wait3A_103] : memref<10240x80xf32, #tpu.memory_space<vmem_shared>> -> memref<32x80xf32, #tpu.memory_space<vmem_shared>>
      tpu.wait_dma2 semaphore(%run_scoped3A : memref<!tpu.dma_semaphore, #tpu.memory_space<semaphore_mem>>) src(%arg10 : memref<32x80xf32, #tpu.memory_space<vmem>>) dst(%dma_wait3A_104 : memref<32x80xf32, #tpu.memory_space<vmem_shared>>)
      tpu.yield
    }) : () -> ()
    %mul3A_37 = arith.constant 640 : i32
    %mul3A_38 = arith.muli %arg1, %mul3A_37 : i32
    %add3A_39 = arith.constant 256 : i32
    %add3A_40 = arith.addi %mul3A_38, %add3A_39 : i32
    "tpu.region"() ({
      %run_scoped3A = tpu.sem_alloc : memref<!tpu.dma_semaphore, #tpu.memory_space<semaphore_mem>>
      %dma_start3A = arith.constant 0 : i32
      %dma_start3A_99 = tpu.memref_slice %arg19[%add3A_40, %dma_start3A] : memref<10240x80xf32, #tpu.memory_space<vmem_shared>> -> memref<32x80xf32, #tpu.memory_space<vmem_shared>>
      %dma_start3A_100 = arith.constant 0 : i32
      %dma_start3A_101 = tpu.memref_slice %arg19[%add3A_40, %dma_start3A_100] : memref<10240x80xf32, #tpu.memory_space<vmem_shared>> -> memref<32x80xf32, #tpu.memory_space<vmem_shared>>
      tpu.enqueue_dma source(%arg10 : memref<32x80xf32, #tpu.memory_space<vmem>>) target(%dma_start3A_101 : memref<32x80xf32, #tpu.memory_space<vmem_shared>>) target_semaphore(%run_scoped3A : memref<!tpu.dma_semaphore, #tpu.memory_space<semaphore_mem>>)
      %dma_wait3A = arith.constant 0 : i32
      %dma_wait3A_102 = tpu.memref_slice %arg19[%add3A_40, %dma_wait3A] : memref<10240x80xf32, #tpu.memory_space<vmem_shared>> -> memref<32x80xf32, #tpu.memory_space<vmem_shared>>
      %dma_wait3A_103 = arith.constant 0 : i32
      %dma_wait3A_104 = tpu.memref_slice %arg19[%add3A_40, %dma_wait3A_103] : memref<10240x80xf32, #tpu.memory_space<vmem_shared>> -> memref<32x80xf32, #tpu.memory_space<vmem_shared>>
      tpu.wait_dma2 semaphore(%run_scoped3A : memref<!tpu.dma_semaphore, #tpu.memory_space<semaphore_mem>>) src(%arg10 : memref<32x80xf32, #tpu.memory_space<vmem>>) dst(%dma_wait3A_104 : memref<32x80xf32, #tpu.memory_space<vmem_shared>>)
      tpu.yield
    }) : () -> ()
    %mul3A_41 = arith.constant 640 : i32
    %mul3A_42 = arith.muli %arg1, %mul3A_41 : i32
    %add3A_43 = arith.constant 288 : i32
    %add3A_44 = arith.addi %mul3A_42, %add3A_43 : i32
    "tpu.region"() ({
      %run_scoped3A = tpu.sem_alloc : memref<!tpu.dma_semaphore, #tpu.memory_space<semaphore_mem>>
      %dma_start3A = arith.constant 0 : i32
      %dma_start3A_99 = tpu.memref_slice %arg19[%add3A_44, %dma_start3A] : memref<10240x80xf32, #tpu.memory_space<vmem_shared>> -> memref<32x80xf32, #tpu.memory_space<vmem_shared>>
      %dma_start3A_100 = arith.constant 0 : i32
      %dma_start3A_101 = tpu.memref_slice %arg19[%add3A_44, %dma_start3A_100] : memref<10240x80xf32, #tpu.memory_space<vmem_shared>> -> memref<32x80xf32, #tpu.memory_space<vmem_shared>>
      tpu.enqueue_dma source(%arg10 : memref<32x80xf32, #tpu.memory_space<vmem>>) target(%dma_start3A_101 : memref<32x80xf32, #tpu.memory_space<vmem_shared>>) target_semaphore(%run_scoped3A : memref<!tpu.dma_semaphore, #tpu.memory_space<semaphore_mem>>)
      %dma_wait3A = arith.constant 0 : i32
      %dma_wait3A_102 = tpu.memref_slice %arg19[%add3A_44, %dma_wait3A] : memref<10240x80xf32, #tpu.memory_space<vmem_shared>> -> memref<32x80xf32, #tpu.memory_space<vmem_shared>>
      %dma_wait3A_103 = arith.constant 0 : i32
      %dma_wait3A_104 = tpu.memref_slice %arg19[%add3A_44, %dma_wait3A_103] : memref<10240x80xf32, #tpu.memory_space<vmem_shared>> -> memref<32x80xf32, #tpu.memory_space<vmem_shared>>
      tpu.wait_dma2 semaphore(%run_scoped3A : memref<!tpu.dma_semaphore, #tpu.memory_space<semaphore_mem>>) src(%arg10 : memref<32x80xf32, #tpu.memory_space<vmem>>) dst(%dma_wait3A_104 : memref<32x80xf32, #tpu.memory_space<vmem_shared>>)
      tpu.yield
    }) : () -> ()
    %mul3A_45 = arith.constant 640 : i32
    %mul3A_46 = arith.muli %arg1, %mul3A_45 : i32
    %add3A_47 = arith.constant 320 : i32
    %add3A_48 = arith.addi %mul3A_46, %add3A_47 : i32
    "tpu.region"() ({
      %run_scoped3A = tpu.sem_alloc : memref<!tpu.dma_semaphore, #tpu.memory_space<semaphore_mem>>
      %dma_start3A = arith.constant 0 : i32
      %dma_start3A_99 = tpu.memref_slice %arg19[%add3A_48, %dma_start3A] : memref<10240x80xf32, #tpu.memory_space<vmem_shared>> -> memref<32x80xf32, #tpu.memory_space<vmem_shared>>
      %dma_start3A_100 = arith.constant 0 : i32
      %dma_start3A_101 = tpu.memref_slice %arg19[%add3A_48, %dma_start3A_100] : memref<10240x80xf32, #tpu.memory_space<vmem_shared>> -> memref<32x80xf32, #tpu.memory_space<vmem_shared>>
      tpu.enqueue_dma source(%arg10 : memref<32x80xf32, #tpu.memory_space<vmem>>) target(%dma_start3A_101 : memref<32x80xf32, #tpu.memory_space<vmem_shared>>) target_semaphore(%run_scoped3A : memref<!tpu.dma_semaphore, #tpu.memory_space<semaphore_mem>>)
      %dma_wait3A = arith.constant 0 : i32
      %dma_wait3A_102 = tpu.memref_slice %arg19[%add3A_48, %dma_wait3A] : memref<10240x80xf32, #tpu.memory_space<vmem_shared>> -> memref<32x80xf32, #tpu.memory_space<vmem_shared>>
      %dma_wait3A_103 = arith.constant 0 : i32
      %dma_wait3A_104 = tpu.memref_slice %arg19[%add3A_48, %dma_wait3A_103] : memref<10240x80xf32, #tpu.memory_space<vmem_shared>> -> memref<32x80xf32, #tpu.memory_space<vmem_shared>>
      tpu.wait_dma2 semaphore(%run_scoped3A : memref<!tpu.dma_semaphore, #tpu.memory_space<semaphore_mem>>) src(%arg10 : memref<32x80xf32, #tpu.memory_space<vmem>>) dst(%dma_wait3A_104 : memref<32x80xf32, #tpu.memory_space<vmem_shared>>)
      tpu.yield
    }) : () -> ()
    %mul3A_49 = arith.constant 640 : i32
    %mul3A_50 = arith.muli %arg1, %mul3A_49 : i32
    %add3A_51 = arith.constant 352 : i32
    %add3A_52 = arith.addi %mul3A_50, %add3A_51 : i32
    "tpu.region"() ({
      %run_scoped3A = tpu.sem_alloc : memref<!tpu.dma_semaphore, #tpu.memory_space<semaphore_mem>>
      %dma_start3A = arith.constant 0 : i32
      %dma_start3A_99 = tpu.memref_slice %arg19[%add3A_52, %dma_start3A] : memref<10240x80xf32, #tpu.memory_space<vmem_shared>> -> memref<32x80xf32, #tpu.memory_space<vmem_shared>>
      %dma_start3A_100 = arith.constant 0 : i32
      %dma_start3A_101 = tpu.memref_slice %arg19[%add3A_52, %dma_start3A_100] : memref<10240x80xf32, #tpu.memory_space<vmem_shared>> -> memref<32x80xf32, #tpu.memory_space<vmem_shared>>
      tpu.enqueue_dma source(%arg10 : memref<32x80xf32, #tpu.memory_space<vmem>>) target(%dma_start3A_101 : memref<32x80xf32, #tpu.memory_space<vmem_shared>>) target_semaphore(%run_scoped3A : memref<!tpu.dma_semaphore, #tpu.memory_space<semaphore_mem>>)
      %dma_wait3A = arith.constant 0 : i32
      %dma_wait3A_102 = tpu.memref_slice %arg19[%add3A_52, %dma_wait3A] : memref<10240x80xf32, #tpu.memory_space<vmem_shared>> -> memref<32x80xf32, #tpu.memory_space<vmem_shared>>
      %dma_wait3A_103 = arith.constant 0 : i32
      %dma_wait3A_104 = tpu.memref_slice %arg19[%add3A_52, %dma_wait3A_103] : memref<10240x80xf32, #tpu.memory_space<vmem_shared>> -> memref<32x80xf32, #tpu.memory_space<vmem_shared>>
      tpu.wait_dma2 semaphore(%run_scoped3A : memref<!tpu.dma_semaphore, #tpu.memory_space<semaphore_mem>>) src(%arg10 : memref<32x80xf32, #tpu.memory_space<vmem>>) dst(%dma_wait3A_104 : memref<32x80xf32, #tpu.memory_space<vmem_shared>>)
      tpu.yield
    }) : () -> ()
    %mul3A_53 = arith.constant 640 : i32
    %mul3A_54 = arith.muli %arg1, %mul3A_53 : i32
    %add3A_55 = arith.constant 384 : i32
    %add3A_56 = arith.addi %mul3A_54, %add3A_55 : i32
    "tpu.region"() ({
      %run_scoped3A = tpu.sem_alloc : memref<!tpu.dma_semaphore, #tpu.memory_space<semaphore_mem>>
      %dma_start3A = arith.constant 0 : i32
      %dma_start3A_99 = tpu.memref_slice %arg19[%add3A_56, %dma_start3A] : memref<10240x80xf32, #tpu.memory_space<vmem_shared>> -> memref<32x80xf32, #tpu.memory_space<vmem_shared>>
      %dma_start3A_100 = arith.constant 0 : i32
      %dma_start3A_101 = tpu.memref_slice %arg19[%add3A_56, %dma_start3A_100] : memref<10240x80xf32, #tpu.memory_space<vmem_shared>> -> memref<32x80xf32, #tpu.memory_space<vmem_shared>>
      tpu.enqueue_dma source(%arg10 : memref<32x80xf32, #tpu.memory_space<vmem>>) target(%dma_start3A_101 : memref<32x80xf32, #tpu.memory_space<vmem_shared>>) target_semaphore(%run_scoped3A : memref<!tpu.dma_semaphore, #tpu.memory_space<semaphore_mem>>)
      %dma_wait3A = arith.constant 0 : i32
      %dma_wait3A_102 = tpu.memref_slice %arg19[%add3A_56, %dma_wait3A] : memref<10240x80xf32, #tpu.memory_space<vmem_shared>> -> memref<32x80xf32, #tpu.memory_space<vmem_shared>>
      %dma_wait3A_103 = arith.constant 0 : i32
      %dma_wait3A_104 = tpu.memref_slice %arg19[%add3A_56, %dma_wait3A_103] : memref<10240x80xf32, #tpu.memory_space<vmem_shared>> -> memref<32x80xf32, #tpu.memory_space<vmem_shared>>
      tpu.wait_dma2 semaphore(%run_scoped3A : memref<!tpu.dma_semaphore, #tpu.memory_space<semaphore_mem>>) src(%arg10 : memref<32x80xf32, #tpu.memory_space<vmem>>) dst(%dma_wait3A_104 : memref<32x80xf32, #tpu.memory_space<vmem_shared>>)
      tpu.yield
    }) : () -> ()
    %mul3A_57 = arith.constant 640 : i32
    %mul3A_58 = arith.muli %arg1, %mul3A_57 : i32
    %add3A_59 = arith.constant 416 : i32
    %add3A_60 = arith.addi %mul3A_58, %add3A_59 : i32
    "tpu.region"() ({
      %run_scoped3A = tpu.sem_alloc : memref<!tpu.dma_semaphore, #tpu.memory_space<semaphore_mem>>
      %dma_start3A = arith.constant 0 : i32
      %dma_start3A_99 = tpu.memref_slice %arg19[%add3A_60, %dma_start3A] : memref<10240x80xf32, #tpu.memory_space<vmem_shared>> -> memref<32x80xf32, #tpu.memory_space<vmem_shared>>
      %dma_start3A_100 = arith.constant 0 : i32
      %dma_start3A_101 = tpu.memref_slice %arg19[%add3A_60, %dma_start3A_100] : memref<10240x80xf32, #tpu.memory_space<vmem_shared>> -> memref<32x80xf32, #tpu.memory_space<vmem_shared>>
      tpu.enqueue_dma source(%arg10 : memref<32x80xf32, #tpu.memory_space<vmem>>) target(%dma_start3A_101 : memref<32x80xf32, #tpu.memory_space<vmem_shared>>) target_semaphore(%run_scoped3A : memref<!tpu.dma_semaphore, #tpu.memory_space<semaphore_mem>>)
      %dma_wait3A = arith.constant 0 : i32
      %dma_wait3A_102 = tpu.memref_slice %arg19[%add3A_60, %dma_wait3A] : memref<10240x80xf32, #tpu.memory_space<vmem_shared>> -> memref<32x80xf32, #tpu.memory_space<vmem_shared>>
      %dma_wait3A_103 = arith.constant 0 : i32
      %dma_wait3A_104 = tpu.memref_slice %arg19[%add3A_60, %dma_wait3A_103] : memref<10240x80xf32, #tpu.memory_space<vmem_shared>> -> memref<32x80xf32, #tpu.memory_space<vmem_shared>>
      tpu.wait_dma2 semaphore(%run_scoped3A : memref<!tpu.dma_semaphore, #tpu.memory_space<semaphore_mem>>) src(%arg10 : memref<32x80xf32, #tpu.memory_space<vmem>>) dst(%dma_wait3A_104 : memref<32x80xf32, #tpu.memory_space<vmem_shared>>)
      tpu.yield
    }) : () -> ()
    %mul3A_61 = arith.constant 640 : i32
    %mul3A_62 = arith.muli %arg1, %mul3A_61 : i32
    %add3A_63 = arith.constant 448 : i32
    %add3A_64 = arith.addi %mul3A_62, %add3A_63 : i32
    "tpu.region"() ({
      %run_scoped3A = tpu.sem_alloc : memref<!tpu.dma_semaphore, #tpu.memory_space<semaphore_mem>>
      %dma_start3A = arith.constant 0 : i32
      %dma_start3A_99 = tpu.memref_slice %arg19[%add3A_64, %dma_start3A] : memref<10240x80xf32, #tpu.memory_space<vmem_shared>> -> memref<32x80xf32, #tpu.memory_space<vmem_shared>>
      %dma_start3A_100 = arith.constant 0 : i32
      %dma_start3A_101 = tpu.memref_slice %arg19[%add3A_64, %dma_start3A_100] : memref<10240x80xf32, #tpu.memory_space<vmem_shared>> -> memref<32x80xf32, #tpu.memory_space<vmem_shared>>
      tpu.enqueue_dma source(%arg10 : memref<32x80xf32, #tpu.memory_space<vmem>>) target(%dma_start3A_101 : memref<32x80xf32, #tpu.memory_space<vmem_shared>>) target_semaphore(%run_scoped3A : memref<!tpu.dma_semaphore, #tpu.memory_space<semaphore_mem>>)
      %dma_wait3A = arith.constant 0 : i32
      %dma_wait3A_102 = tpu.memref_slice %arg19[%add3A_64, %dma_wait3A] : memref<10240x80xf32, #tpu.memory_space<vmem_shared>> -> memref<32x80xf32, #tpu.memory_space<vmem_shared>>
      %dma_wait3A_103 = arith.constant 0 : i32
      %dma_wait3A_104 = tpu.memref_slice %arg19[%add3A_64, %dma_wait3A_103] : memref<10240x80xf32, #tpu.memory_space<vmem_shared>> -> memref<32x80xf32, #tpu.memory_space<vmem_shared>>
      tpu.wait_dma2 semaphore(%run_scoped3A : memref<!tpu.dma_semaphore, #tpu.memory_space<semaphore_mem>>) src(%arg10 : memref<32x80xf32, #tpu.memory_space<vmem>>) dst(%dma_wait3A_104 : memref<32x80xf32, #tpu.memory_space<vmem_shared>>)
      tpu.yield
    }) : () -> ()
    %mul3A_65 = arith.constant 640 : i32
    %mul3A_66 = arith.muli %arg1, %mul3A_65 : i32
    %add3A_67 = arith.constant 480 : i32
    %add3A_68 = arith.addi %mul3A_66, %add3A_67 : i32
    "tpu.region"() ({
      %run_scoped3A = tpu.sem_alloc : memref<!tpu.dma_semaphore, #tpu.memory_space<semaphore_mem>>
      %dma_start3A = arith.constant 0 : i32
      %dma_start3A_99 = tpu.memref_slice %arg19[%add3A_68, %dma_start3A] : memref<10240x80xf32, #tpu.memory_space<vmem_shared>> -> memref<32x80xf32, #tpu.memory_space<vmem_shared>>
      %dma_start3A_100 = arith.constant 0 : i32
      %dma_start3A_101 = tpu.memref_slice %arg19[%add3A_68, %dma_start3A_100] : memref<10240x80xf32, #tpu.memory_space<vmem_shared>> -> memref<32x80xf32, #tpu.memory_space<vmem_shared>>
      tpu.enqueue_dma source(%arg10 : memref<32x80xf32, #tpu.memory_space<vmem>>) target(%dma_start3A_101 : memref<32x80xf32, #tpu.memory_space<vmem_shared>>) target_semaphore(%run_scoped3A : memref<!tpu.dma_semaphore, #tpu.memory_space<semaphore_mem>>)
      %dma_wait3A = arith.constant 0 : i32
      %dma_wait3A_102 = tpu.memref_slice %arg19[%add3A_68, %dma_wait3A] : memref<10240x80xf32, #tpu.memory_space<vmem_shared>> -> memref<32x80xf32, #tpu.memory_space<vmem_shared>>
      %dma_wait3A_103 = arith.constant 0 : i32
      %dma_wait3A_104 = tpu.memref_slice %arg19[%add3A_68, %dma_wait3A_103] : memref<10240x80xf32, #tpu.memory_space<vmem_shared>> -> memref<32x80xf32, #tpu.memory_space<vmem_shared>>
      tpu.wait_dma2 semaphore(%run_scoped3A : memref<!tpu.dma_semaphore, #tpu.memory_space<semaphore_mem>>) src(%arg10 : memref<32x80xf32, #tpu.memory_space<vmem>>) dst(%dma_wait3A_104 : memref<32x80xf32, #tpu.memory_space<vmem_shared>>)
      tpu.yield
    }) : () -> ()
    %mul3A_69 = arith.constant 640 : i32
    %mul3A_70 = arith.muli %arg1, %mul3A_69 : i32
    %add3A_71 = arith.constant 512 : i32
    %add3A_72 = arith.addi %mul3A_70, %add3A_71 : i32
    "tpu.region"() ({
      %run_scoped3A = tpu.sem_alloc : memref<!tpu.dma_semaphore, #tpu.memory_space<semaphore_mem>>
      %dma_start3A = arith.constant 0 : i32
      %dma_start3A_99 = tpu.memref_slice %arg19[%add3A_72, %dma_start3A] : memref<10240x80xf32, #tpu.memory_space<vmem_shared>> -> memref<32x80xf32, #tpu.memory_space<vmem_shared>>
      %dma_start3A_100 = arith.constant 0 : i32
      %dma_start3A_101 = tpu.memref_slice %arg19[%add3A_72, %dma_start3A_100] : memref<10240x80xf32, #tpu.memory_space<vmem_shared>> -> memref<32x80xf32, #tpu.memory_space<vmem_shared>>
      tpu.enqueue_dma source(%arg10 : memref<32x80xf32, #tpu.memory_space<vmem>>) target(%dma_start3A_101 : memref<32x80xf32, #tpu.memory_space<vmem_shared>>) target_semaphore(%run_scoped3A : memref<!tpu.dma_semaphore, #tpu.memory_space<semaphore_mem>>)
      %dma_wait3A = arith.constant 0 : i32
      %dma_wait3A_102 = tpu.memref_slice %arg19[%add3A_72, %dma_wait3A] : memref<10240x80xf32, #tpu.memory_space<vmem_shared>> -> memref<32x80xf32, #tpu.memory_space<vmem_shared>>
      %dma_wait3A_103 = arith.constant 0 : i32
      %dma_wait3A_104 = tpu.memref_slice %arg19[%add3A_72, %dma_wait3A_103] : memref<10240x80xf32, #tpu.memory_space<vmem_shared>> -> memref<32x80xf32, #tpu.memory_space<vmem_shared>>
      tpu.wait_dma2 semaphore(%run_scoped3A : memref<!tpu.dma_semaphore, #tpu.memory_space<semaphore_mem>>) src(%arg10 : memref<32x80xf32, #tpu.memory_space<vmem>>) dst(%dma_wait3A_104 : memref<32x80xf32, #tpu.memory_space<vmem_shared>>)
      tpu.yield
    }) : () -> ()
    %mul3A_73 = arith.constant 640 : i32
    %mul3A_74 = arith.muli %arg1, %mul3A_73 : i32
    %add3A_75 = arith.constant 544 : i32
    %add3A_76 = arith.addi %mul3A_74, %add3A_75 : i32
    "tpu.region"() ({
      %run_scoped3A = tpu.sem_alloc : memref<!tpu.dma_semaphore, #tpu.memory_space<semaphore_mem>>
      %dma_start3A = arith.constant 0 : i32
      %dma_start3A_99 = tpu.memref_slice %arg19[%add3A_76, %dma_start3A] : memref<10240x80xf32, #tpu.memory_space<vmem_shared>> -> memref<32x80xf32, #tpu.memory_space<vmem_shared>>
      %dma_start3A_100 = arith.constant 0 : i32
      %dma_start3A_101 = tpu.memref_slice %arg19[%add3A_76, %dma_start3A_100] : memref<10240x80xf32, #tpu.memory_space<vmem_shared>> -> memref<32x80xf32, #tpu.memory_space<vmem_shared>>
      tpu.enqueue_dma source(%arg10 : memref<32x80xf32, #tpu.memory_space<vmem>>) target(%dma_start3A_101 : memref<32x80xf32, #tpu.memory_space<vmem_shared>>) target_semaphore(%run_scoped3A : memref<!tpu.dma_semaphore, #tpu.memory_space<semaphore_mem>>)
      %dma_wait3A = arith.constant 0 : i32
      %dma_wait3A_102 = tpu.memref_slice %arg19[%add3A_76, %dma_wait3A] : memref<10240x80xf32, #tpu.memory_space<vmem_shared>> -> memref<32x80xf32, #tpu.memory_space<vmem_shared>>
      %dma_wait3A_103 = arith.constant 0 : i32
      %dma_wait3A_104 = tpu.memref_slice %arg19[%add3A_76, %dma_wait3A_103] : memref<10240x80xf32, #tpu.memory_space<vmem_shared>> -> memref<32x80xf32, #tpu.memory_space<vmem_shared>>
      tpu.wait_dma2 semaphore(%run_scoped3A : memref<!tpu.dma_semaphore, #tpu.memory_space<semaphore_mem>>) src(%arg10 : memref<32x80xf32, #tpu.memory_space<vmem>>) dst(%dma_wait3A_104 : memref<32x80xf32, #tpu.memory_space<vmem_shared>>)
      tpu.yield
    }) : () -> ()
    %mul3A_77 = arith.constant 640 : i32
    %mul3A_78 = arith.muli %arg1, %mul3A_77 : i32
    %add3A_79 = arith.constant 576 : i32
    %add3A_80 = arith.addi %mul3A_78, %add3A_79 : i32
    "tpu.region"() ({
      %run_scoped3A = tpu.sem_alloc : memref<!tpu.dma_semaphore, #tpu.memory_space<semaphore_mem>>
      %dma_start3A = arith.constant 0 : i32
      %dma_start3A_99 = tpu.memref_slice %arg19[%add3A_80, %dma_start3A] : memref<10240x80xf32, #tpu.memory_space<vmem_shared>> -> memref<32x80xf32, #tpu.memory_space<vmem_shared>>
      %dma_start3A_100 = arith.constant 0 : i32
      %dma_start3A_101 = tpu.memref_slice %arg19[%add3A_80, %dma_start3A_100] : memref<10240x80xf32, #tpu.memory_space<vmem_shared>> -> memref<32x80xf32, #tpu.memory_space<vmem_shared>>
      tpu.enqueue_dma source(%arg10 : memref<32x80xf32, #tpu.memory_space<vmem>>) target(%dma_start3A_101 : memref<32x80xf32, #tpu.memory_space<vmem_shared>>) target_semaphore(%run_scoped3A : memref<!tpu.dma_semaphore, #tpu.memory_space<semaphore_mem>>)
      %dma_wait3A = arith.constant 0 : i32
      %dma_wait3A_102 = tpu.memref_slice %arg19[%add3A_80, %dma_wait3A] : memref<10240x80xf32, #tpu.memory_space<vmem_shared>> -> memref<32x80xf32, #tpu.memory_space<vmem_shared>>
      %dma_wait3A_103 = arith.constant 0 : i32
      %dma_wait3A_104 = tpu.memref_slice %arg19[%add3A_80, %dma_wait3A_103] : memref<10240x80xf32, #tpu.memory_space<vmem_shared>> -> memref<32x80xf32, #tpu.memory_space<vmem_shared>>
      tpu.wait_dma2 semaphore(%run_scoped3A : memref<!tpu.dma_semaphore, #tpu.memory_space<semaphore_mem>>) src(%arg10 : memref<32x80xf32, #tpu.memory_space<vmem>>) dst(%dma_wait3A_104 : memref<32x80xf32, #tpu.memory_space<vmem_shared>>)
      tpu.yield
    }) : () -> ()
    %mul3A_81 = arith.constant 640 : i32
    %mul3A_82 = arith.muli %arg1, %mul3A_81 : i32
    %add3A_83 = arith.constant 608 : i32
    %add3A_84 = arith.addi %mul3A_82, %add3A_83 : i32
    "tpu.region"() ({
      %run_scoped3A = tpu.sem_alloc : memref<!tpu.dma_semaphore, #tpu.memory_space<semaphore_mem>>
      %dma_start3A = arith.constant 0 : i32
      %dma_start3A_99 = tpu.memref_slice %arg19[%add3A_84, %dma_start3A] : memref<10240x80xf32, #tpu.memory_space<vmem_shared>> -> memref<32x80xf32, #tpu.memory_space<vmem_shared>>
      %dma_start3A_100 = arith.constant 0 : i32
      %dma_start3A_101 = tpu.memref_slice %arg19[%add3A_84, %dma_start3A_100] : memref<10240x80xf32, #tpu.memory_space<vmem_shared>> -> memref<32x80xf32, #tpu.memory_space<vmem_shared>>
      tpu.enqueue_dma source(%arg10 : memref<32x80xf32, #tpu.memory_space<vmem>>) target(%dma_start3A_101 : memref<32x80xf32, #tpu.memory_space<vmem_shared>>) target_semaphore(%run_scoped3A : memref<!tpu.dma_semaphore, #tpu.memory_space<semaphore_mem>>)
      %dma_wait3A = arith.constant 0 : i32
      %dma_wait3A_102 = tpu.memref_slice %arg19[%add3A_84, %dma_wait3A] : memref<10240x80xf32, #tpu.memory_space<vmem_shared>> -> memref<32x80xf32, #tpu.memory_space<vmem_shared>>
      %dma_wait3A_103 = arith.constant 0 : i32
      %dma_wait3A_104 = tpu.memref_slice %arg19[%add3A_84, %dma_wait3A_103] : memref<10240x80xf32, #tpu.memory_space<vmem_shared>> -> memref<32x80xf32, #tpu.memory_space<vmem_shared>>
      tpu.wait_dma2 semaphore(%run_scoped3A : memref<!tpu.dma_semaphore, #tpu.memory_space<semaphore_mem>>) src(%arg10 : memref<32x80xf32, #tpu.memory_space<vmem>>) dst(%dma_wait3A_104 : memref<32x80xf32, #tpu.memory_space<vmem_shared>>)
      tpu.yield
    }) : () -> ()
    %barrier3A = arith.constant 0 : index
    tpu.barrier barrier_id(%barrier3A)
    "tpu.region"() ({
      %run_scoped3A = tpu.sem_alloc : memref<!tpu.dma_semaphore, #tpu.memory_space<semaphore_mem>>
      tpu.enqueue_dma source(%arg6 : memref<8x16xf32, #tpu.memory_space<hbm>>) target(%arg14 : memref<8x16xf32, #tpu.memory_space<vmem>>) target_semaphore(%run_scoped3A : memref<!tpu.dma_semaphore, #tpu.memory_space<semaphore_mem>>)
      tpu.wait_dma2 semaphore(%run_scoped3A : memref<!tpu.dma_semaphore, #tpu.memory_space<semaphore_mem>>) src(%arg6 : memref<8x16xf32, #tpu.memory_space<hbm>>) dst(%arg14 : memref<8x16xf32, #tpu.memory_space<vmem>>)
      tpu.yield
    }) : () -> ()
    %mul3A_85 = arith.constant 4 : i32
    %mul3A_86 = arith.muli %arg0, %mul3A_85 : i32
    %scan3A_87 = arith.constant 0 : i32
    %scan3A_88 = arith.constant 0 : i32
    %scan3A_89 = arith.constant 323 : i32
    %scan3A_90 = arith.addi %scan3A_88, %scan3A_89 : i32
    %scan3A_91 = arith.constant 1 : i32
    %scan3A_92 = scf.for %scan3A_99 = %scan3A_88 to %scan3A_90 step %scan3A_91 iter_args(%scan3A_100 = %scan3A_87) -> (i32)  : i32 {
      %mul3A_101 = arith.constant 2 : i32
      %mul3A_102 = arith.muli %mul3A_101, %scan3A_99 : i32
      %mul3A_103 = arith.constant 646 : i32
      %mul3A_104 = arith.muli %arg1, %mul3A_103 : i32
      %add3A_105 = arith.addi %mul3A_104, %mul3A_102 : i32
      %mul3A_106 = arith.constant 32 : i32
      %mul3A_107 = arith.muli %add3A_105, %mul3A_106 : i32
      "tpu.region"() ({
        %run_scoped3A = tpu.sem_alloc : memref<!tpu.dma_semaphore, #tpu.memory_space<semaphore_mem>>
        %dma_start3A_154 = tpu.memref_slice %arg4[%mul3A_107] : memref<330752xi32, #tpu.memory_space<hbm>> -> memref<32xi32, #tpu.memory_space<hbm>>
        %dma_start3A_155 = tpu.memref_slice %arg4[%mul3A_107] : memref<330752xi32, #tpu.memory_space<hbm>> -> memref<32xi32, #tpu.memory_space<hbm>>
        tpu.enqueue_dma source(%dma_start3A_155 : memref<32xi32, #tpu.memory_space<hbm>>) target(%arg15 : memref<32xi32, #tpu.memory_space<vmem>>) target_semaphore(%run_scoped3A : memref<!tpu.dma_semaphore, #tpu.memory_space<semaphore_mem>>)
        %dma_wait3A_156 = tpu.memref_slice %arg4[%mul3A_107] : memref<330752xi32, #tpu.memory_space<hbm>> -> memref<32xi32, #tpu.memory_space<hbm>>
        %dma_wait3A_157 = tpu.memref_slice %arg4[%mul3A_107] : memref<330752xi32, #tpu.memory_space<hbm>> -> memref<32xi32, #tpu.memory_space<hbm>>
        tpu.wait_dma2 semaphore(%run_scoped3A : memref<!tpu.dma_semaphore, #tpu.memory_space<semaphore_mem>>) src(%dma_wait3A_157 : memref<32xi32, #tpu.memory_space<hbm>>) dst(%arg15 : memref<32xi32, #tpu.memory_space<vmem>>)
        tpu.yield
      }) : () -> ()
      "tpu.region"() ({
        %run_scoped3A = tpu.sem_alloc : memref<!tpu.dma_semaphore, #tpu.memory_space<semaphore_mem>>
        %dma_start3A_154 = tpu.memref_slice %arg5[%mul3A_107] : memref<330752xi32, #tpu.memory_space<hbm>> -> memref<32xi32, #tpu.memory_space<hbm>>
        %dma_start3A_155 = tpu.memref_slice %arg5[%mul3A_107] : memref<330752xi32, #tpu.memory_space<hbm>> -> memref<32xi32, #tpu.memory_space<hbm>>
        tpu.enqueue_dma source(%dma_start3A_155 : memref<32xi32, #tpu.memory_space<hbm>>) target(%arg16 : memref<32xi32, #tpu.memory_space<vmem>>) target_semaphore(%run_scoped3A : memref<!tpu.dma_semaphore, #tpu.memory_space<semaphore_mem>>)
        %dma_wait3A_156 = tpu.memref_slice %arg5[%mul3A_107] : memref<330752xi32, #tpu.memory_space<hbm>> -> memref<32xi32, #tpu.memory_space<hbm>>
        %dma_wait3A_157 = tpu.memref_slice %arg5[%mul3A_107] : memref<330752xi32, #tpu.memory_space<hbm>> -> memref<32xi32, #tpu.memory_space<hbm>>
        tpu.wait_dma2 semaphore(%run_scoped3A : memref<!tpu.dma_semaphore, #tpu.memory_space<semaphore_mem>>) src(%dma_wait3A_157 : memref<32xi32, #tpu.memory_space<hbm>>) dst(%arg16 : memref<32xi32, #tpu.memory_space<vmem>>)
        tpu.yield
      }) : () -> ()
      %dma_start3A = arith.constant 0 : i32
      %dma_start3A_108 = arith.constant 0 : i32
      %dma_start3A_109 = tpu.memref_slice %arg2[%dma_start3A, %dma_start3A_108] : memref<10400x128xf32, #tpu.memory_space<hbm>> -> memref<10400x128xf32, #tpu.memory_space<hbm>>
      tpu.enqueue_indirect_dma source(%dma_start3A_109 : memref<10400x128xf32, #tpu.memory_space<hbm>>) target(%arg8 : memref<32x128xf32, #tpu.memory_space<vmem>>) offsets(%arg15 : memref<32xi32, #tpu.memory_space<vmem>>) semaphore(%arg20 : memref<!tpu.dma_semaphore, #tpu.memory_space<semaphore_mem>>)
      %dma_start3A_110 = arith.constant 0 : i32
      %dma_start3A_111 = arith.constant 0 : i32
      %dma_start3A_112 = tpu.memref_slice %arg3[%dma_start3A_110, %dma_start3A_111] : memref<10400x128xf32, #tpu.memory_space<hbm>> -> memref<10400x128xf32, #tpu.memory_space<hbm>>
      tpu.enqueue_indirect_dma source(%dma_start3A_112 : memref<10400x128xf32, #tpu.memory_space<hbm>>) target(%arg9 : memref<32x128xf32, #tpu.memory_space<vmem>>) offsets(%arg16 : memref<32xi32, #tpu.memory_space<vmem>>) semaphore(%arg21 : memref<!tpu.dma_semaphore, #tpu.memory_space<semaphore_mem>>)
      %dma_wait3A = arith.constant 0 : i32
      %dma_wait3A_113 = arith.constant 0 : i32
      %dma_wait3A_114 = tpu.memref_slice %arg2[%dma_wait3A, %dma_wait3A_113] : memref<10400x128xf32, #tpu.memory_space<hbm>> -> memref<10400x128xf32, #tpu.memory_space<hbm>>
      tpu.wait_indirect_dma semaphore(%arg20 : memref<!tpu.dma_semaphore, #tpu.memory_space<semaphore_mem>>) src(%dma_wait3A_114 : memref<10400x128xf32, #tpu.memory_space<hbm>>) dst(%arg8 : memref<32x128xf32, #tpu.memory_space<vmem>>)
      %dma_wait3A_115 = arith.constant 0 : i32
      %dma_wait3A_116 = arith.constant 0 : i32
      %dma_wait3A_117 = tpu.memref_slice %arg3[%dma_wait3A_115, %dma_wait3A_116] : memref<10400x128xf32, #tpu.memory_space<hbm>> -> memref<10400x128xf32, #tpu.memory_space<hbm>>
      tpu.wait_indirect_dma semaphore(%arg21 : memref<!tpu.dma_semaphore, #tpu.memory_space<semaphore_mem>>) src(%dma_wait3A_117 : memref<10400x128xf32, #tpu.memory_space<hbm>>) dst(%arg9 : memref<32x128xf32, #tpu.memory_space<vmem>>)
      %mul3A_118 = arith.constant 2 : i32
      %mul3A_119 = arith.muli %mul3A_118, %scan3A_99 : i32
      %add3A_120 = arith.constant 1 : i32
      %add3A_121 = arith.addi %mul3A_119, %add3A_120 : i32
      %mul3A_122 = arith.constant 646 : i32
      %mul3A_123 = arith.muli %arg1, %mul3A_122 : i32
      %add3A_124 = arith.addi %mul3A_123, %add3A_121 : i32
      %mul3A_125 = arith.constant 32 : i32
      %mul3A_126 = arith.muli %add3A_124, %mul3A_125 : i32
      "tpu.region"() ({
        %run_scoped3A = tpu.sem_alloc : memref<!tpu.dma_semaphore, #tpu.memory_space<semaphore_mem>>
        %dma_start3A_154 = tpu.memref_slice %arg4[%mul3A_126] : memref<330752xi32, #tpu.memory_space<hbm>> -> memref<32xi32, #tpu.memory_space<hbm>>
        %dma_start3A_155 = tpu.memref_slice %arg4[%mul3A_126] : memref<330752xi32, #tpu.memory_space<hbm>> -> memref<32xi32, #tpu.memory_space<hbm>>
        tpu.enqueue_dma source(%dma_start3A_155 : memref<32xi32, #tpu.memory_space<hbm>>) target(%arg17 : memref<32xi32, #tpu.memory_space<vmem>>) target_semaphore(%run_scoped3A : memref<!tpu.dma_semaphore, #tpu.memory_space<semaphore_mem>>)
        %dma_wait3A_156 = tpu.memref_slice %arg4[%mul3A_126] : memref<330752xi32, #tpu.memory_space<hbm>> -> memref<32xi32, #tpu.memory_space<hbm>>
        %dma_wait3A_157 = tpu.memref_slice %arg4[%mul3A_126] : memref<330752xi32, #tpu.memory_space<hbm>> -> memref<32xi32, #tpu.memory_space<hbm>>
        tpu.wait_dma2 semaphore(%run_scoped3A : memref<!tpu.dma_semaphore, #tpu.memory_space<semaphore_mem>>) src(%dma_wait3A_157 : memref<32xi32, #tpu.memory_space<hbm>>) dst(%arg17 : memref<32xi32, #tpu.memory_space<vmem>>)
        tpu.yield
      }) : () -> ()
      "tpu.region"() ({
        %run_scoped3A = tpu.sem_alloc : memref<!tpu.dma_semaphore, #tpu.memory_space<semaphore_mem>>
        %dma_start3A_154 = tpu.memref_slice %arg5[%mul3A_126] : memref<330752xi32, #tpu.memory_space<hbm>> -> memref<32xi32, #tpu.memory_space<hbm>>
        %dma_start3A_155 = tpu.memref_slice %arg5[%mul3A_126] : memref<330752xi32, #tpu.memory_space<hbm>> -> memref<32xi32, #tpu.memory_space<hbm>>
        tpu.enqueue_dma source(%dma_start3A_155 : memref<32xi32, #tpu.memory_space<hbm>>) target(%arg18 : memref<32xi32, #tpu.memory_space<vmem>>) target_semaphore(%run_scoped3A : memref<!tpu.dma_semaphore, #tpu.memory_space<semaphore_mem>>)
        %dma_wait3A_156 = tpu.memref_slice %arg5[%mul3A_126] : memref<330752xi32, #tpu.memory_space<hbm>> -> memref<32xi32, #tpu.memory_space<hbm>>
        %dma_wait3A_157 = tpu.memref_slice %arg5[%mul3A_126] : memref<330752xi32, #tpu.memory_space<hbm>> -> memref<32xi32, #tpu.memory_space<hbm>>
        tpu.wait_dma2 semaphore(%run_scoped3A : memref<!tpu.dma_semaphore, #tpu.memory_space<semaphore_mem>>) src(%dma_wait3A_157 : memref<32xi32, #tpu.memory_space<hbm>>) dst(%arg18 : memref<32xi32, #tpu.memory_space<vmem>>)
        tpu.yield
      }) : () -> ()
      %dma_start3A_127 = arith.constant 0 : i32
      %dma_start3A_128 = arith.constant 0 : i32
      %dma_start3A_129 = tpu.memref_slice %arg2[%dma_start3A_127, %dma_start3A_128] : memref<10400x128xf32, #tpu.memory_space<hbm>> -> memref<10400x128xf32, #tpu.memory_space<hbm>>
      tpu.enqueue_indirect_dma source(%dma_start3A_129 : memref<10400x128xf32, #tpu.memory_space<hbm>>) target(%arg11 : memref<32x128xf32, #tpu.memory_space<vmem>>) offsets(%arg17 : memref<32xi32, #tpu.memory_space<vmem>>) semaphore(%arg22 : memref<!tpu.dma_semaphore, #tpu.memory_space<semaphore_mem>>)
      %dma_start3A_130 = arith.constant 0 : i32
      %dma_start3A_131 = arith.constant 0 : i32
      %dma_start3A_132 = tpu.memref_slice %arg3[%dma_start3A_130, %dma_start3A_131] : memref<10400x128xf32, #tpu.memory_space<hbm>> -> memref<10400x128xf32, #tpu.memory_space<hbm>>
      tpu.enqueue_indirect_dma source(%dma_start3A_132 : memref<10400x128xf32, #tpu.memory_space<hbm>>) target(%arg12 : memref<32x128xf32, #tpu.memory_space<vmem>>) offsets(%arg18 : memref<32xi32, #tpu.memory_space<vmem>>) semaphore(%arg23 : memref<!tpu.dma_semaphore, #tpu.memory_space<semaphore_mem>>)
      %scan3A_133 = arith.constant 0 : i32
      %scan3A_134 = arith.constant 0 : i32
      %scan3A_135 = arith.constant 32 : i32
      %scan3A_136 = arith.addi %scan3A_134, %scan3A_135 : i32
      %scan3A_137 = arith.constant 1 : i32
      %scan3A_138 = scf.for %scan3A_154 = %scan3A_134 to %scan3A_136 step %scan3A_137 iter_args(%scan3A_155 = %scan3A_133) -> (i32)  : i32 {
        %broadcast_in_dim3A_156 = arith.constant 0.000000e+00 : f32
        %broadcast_in_dim3A_157 = vector.broadcast %broadcast_in_dim3A_156 : f32 to vector<16xf32>
        %iota3A = tpu.iota {dimensions = array<i32: 0>} : vector<16xi32>
        %add3A_158 = arith.constant 0 : i32
        %add3A_159 = arith.addi %mul3A_86, %add3A_158 : i32
        %mul3A_160 = arith.constant 16 : i32
        %mul3A_161 = arith.muli %add3A_159, %mul3A_160 : i32
        %get3A = arith.index_cast %scan3A_154 : i32 to index
        %get3A_162 = arith.index_cast %mul3A_161 : i32 to index
        %get3A_163 = tpu.vector_load %arg8[%get3A, %get3A_162] {strides = array<i32>} : memref<32x128xf32, #tpu.memory_space<vmem>>, vector<16xf32>,
        %add3A_164 = arith.constant 0 : i32
        %add3A_165 = arith.addi %mul3A_86, %add3A_164 : i32
        %mul3A_166 = arith.constant 16 : i32
        %mul3A_167 = arith.muli %add3A_165, %mul3A_166 : i32
        %get3A_168 = arith.index_cast %scan3A_154 : i32 to index
        %get3A_169 = arith.index_cast %mul3A_167 : i32 to index
        %get3A_170 = tpu.vector_load %arg9[%get3A_168, %get3A_169] {strides = array<i32>} : memref<32x128xf32, #tpu.memory_space<vmem>>, vector<16xf32>,
        %add3A_171 = arith.addf %get3A_163, %get3A_170 : vector<16xf32>
        %gt3A = arith.constant 0.000000e+00 : f32
        %gt3A_172 = vector.broadcast %gt3A : f32 to vector<16xf32>
        %gt3A_173 = arith.cmpf ogt, %add3A_171, %gt3A_172 : vector<16xf32>
        %mul3A_174 = arith.constant 2.000000e-01 : f32
        %mul3A_175 = vector.broadcast %mul3A_174 : f32 to vector<16xf32>
        %mul3A_176 = arith.mulf %mul3A_175, %add3A_171 : vector<16xf32>
        %select_n3A = arith.select %gt3A_173, %add3A_171, %mul3A_176 : vector<16xi1>, vector<16xf32>
        %add3A_177 = arith.constant 0 : i32
        %add3A_178 = arith.addi %mul3A_86, %add3A_177 : i32
        %get3A_179 = arith.index_cast %add3A_178 : i32 to index
        %get3A_180 = arith.constant 0 : index
        %get3A_181 = tpu.vector_load %arg14[%get3A_179, %get3A_180] {strides = array<i32>} : memref<8x16xf32, #tpu.memory_space<vmem>>, vector<16xf32>,
        %mul3A_182 = arith.mulf %select_n3A, %get3A_181 : vector<16xf32>
        %reduce_sum3A = arith.constant true
        %reduce_sum3A_183 = vector.broadcast %reduce_sum3A : i1 to vector<16xi1>
        %reduce_sum3A_184 = tpu.scan <sum>, %mul3A_182 masked %reduce_sum3A_183 : vector<16xf32>, vector<16xi1> -> vector<16xf32>
        %reduce_sum3A_185 = vector.extract %reduce_sum3A_184[15] : f32 from vector<16xf32>
        %broadcast_in_dim3A_186 = vector.broadcast %reduce_sum3A_185 : f32 to vector<16xf32>
        %exp3A = math.exp %broadcast_in_dim3A_186 : vector<16xf32>
        %mul3A_187 = arith.mulf %exp3A, %get3A_163 : vector<16xf32>
        %swap3A = arith.index_cast %scan3A_154 : i32 to index
        %swap3A_188 = arith.constant 0 : index
        %swap3A_189 = tpu.vector_load %arg10[%swap3A, %swap3A_188] {strides = array<i32>} : memref<32x80xf32, #tpu.memory_space<vmem>>, vector<16xf32>,
        tpu.vector_store %arg10[%swap3A, %swap3A_188], %mul3A_187 {strides = array<i32>} : memref<32x80xf32, #tpu.memory_space<vmem>>, vector<16xf32>,
        %eq3A = arith.constant 0 : i32
        %eq3A_190 = vector.broadcast %eq3A : i32 to vector<16xi32>
        %eq3A_191 = arith.cmpi eq, %iota3A, %eq3A_190 : vector<16xi32>
        %convert_element_type3A = arith.extui %eq3A_191 : vector<16xi1> to vector<16xi32>
        %convert_element_type3A_192 = arith.sitofp %convert_element_type3A : vector<16xi32> to vector<16xf32>
        %mul3A_193 = arith.mulf %exp3A, %convert_element_type3A_192 : vector<16xf32>
        %add3A_194 = arith.addf %broadcast_in_dim3A_157, %mul3A_193 : vector<16xf32>
        %add3A_195 = arith.constant 1 : i32
        %add3A_196 = arith.addi %mul3A_86, %add3A_195 : i32
        %mul3A_197 = arith.constant 16 : i32
        %mul3A_198 = arith.muli %add3A_196, %mul3A_197 : i32
        %get3A_199 = arith.index_cast %scan3A_154 : i32 to index
        %get3A_200 = arith.index_cast %mul3A_198 : i32 to index
        %get3A_201 = tpu.vector_load %arg8[%get3A_199, %get3A_200] {strides = array<i32>} : memref<32x128xf32, #tpu.memory_space<vmem>>, vector<16xf32>,
        %add3A_202 = arith.constant 1 : i32
        %add3A_203 = arith.addi %mul3A_86, %add3A_202 : i32
        %mul3A_204 = arith.constant 16 : i32
        %mul3A_205 = arith.muli %add3A_203, %mul3A_204 : i32
        %get3A_206 = arith.index_cast %scan3A_154 : i32 to index
        %get3A_207 = arith.index_cast %mul3A_205 : i32 to index
        %get3A_208 = tpu.vector_load %arg9[%get3A_206, %get3A_207] {strides = array<i32>} : memref<32x128xf32, #tpu.memory_space<vmem>>, vector<16xf32>,
        %add3A_209 = arith.addf %get3A_201, %get3A_208 : vector<16xf32>
        %gt3A_210 = arith.constant 0.000000e+00 : f32
        %gt3A_211 = vector.broadcast %gt3A_210 : f32 to vector<16xf32>
        %gt3A_212 = arith.cmpf ogt, %add3A_209, %gt3A_211 : vector<16xf32>
        %mul3A_213 = arith.constant 2.000000e-01 : f32
        %mul3A_214 = vector.broadcast %mul3A_213 : f32 to vector<16xf32>
        %mul3A_215 = arith.mulf %mul3A_214, %add3A_209 : vector<16xf32>
        %select_n3A_216 = arith.select %gt3A_212, %add3A_209, %mul3A_215 : vector<16xi1>, vector<16xf32>
        %add3A_217 = arith.constant 1 : i32
        %add3A_218 = arith.addi %mul3A_86, %add3A_217 : i32
        %get3A_219 = arith.index_cast %add3A_218 : i32 to index
        %get3A_220 = arith.constant 0 : index
        %get3A_221 = tpu.vector_load %arg14[%get3A_219, %get3A_220] {strides = array<i32>} : memref<8x16xf32, #tpu.memory_space<vmem>>, vector<16xf32>,
        %mul3A_222 = arith.mulf %select_n3A_216, %get3A_221 : vector<16xf32>
        %reduce_sum3A_223 = arith.constant true
        %reduce_sum3A_224 = vector.broadcast %reduce_sum3A_223 : i1 to vector<16xi1>
        %reduce_sum3A_225 = tpu.scan <sum>, %mul3A_222 masked %reduce_sum3A_224 : vector<16xf32>, vector<16xi1> -> vector<16xf32>
        %reduce_sum3A_226 = vector.extract %reduce_sum3A_225[15] : f32 from vector<16xf32>
        %broadcast_in_dim3A_227 = vector.broadcast %reduce_sum3A_226 : f32 to vector<16xf32>
        %exp3A_228 = math.exp %broadcast_in_dim3A_227 : vector<16xf32>
        %mul3A_229 = arith.mulf %exp3A_228, %get3A_201 : vector<16xf32>
        %swap3A_230 = arith.index_cast %scan3A_154 : i32 to index
        %swap3A_231 = arith.constant 16 : index
        %swap3A_232 = tpu.vector_load %arg10[%swap3A_230, %swap3A_231] {strides = array<i32>} : memref<32x80xf32, #tpu.memory_space<vmem>>, vector<16xf32>,
        tpu.vector_store %arg10[%swap3A_230, %swap3A_231], %mul3A_229 {strides = array<i32>} : memref<32x80xf32, #tpu.memory_space<vmem>>, vector<16xf32>,
        %eq3A_233 = arith.constant 1 : i32
        %eq3A_234 = vector.broadcast %eq3A_233 : i32 to vector<16xi32>
        %eq3A_235 = arith.cmpi eq, %iota3A, %eq3A_234 : vector<16xi32>
        %convert_element_type3A_236 = arith.extui %eq3A_235 : vector<16xi1> to vector<16xi32>
        %convert_element_type3A_237 = arith.sitofp %convert_element_type3A_236 : vector<16xi32> to vector<16xf32>
        %mul3A_238 = arith.mulf %exp3A_228, %convert_element_type3A_237 : vector<16xf32>
        %add3A_239 = arith.addf %add3A_194, %mul3A_238 : vector<16xf32>
        %add3A_240 = arith.constant 2 : i32
        %add3A_241 = arith.addi %mul3A_86, %add3A_240 : i32
        %mul3A_242 = arith.constant 16 : i32
        %mul3A_243 = arith.muli %add3A_241, %mul3A_242 : i32
        %get3A_244 = arith.index_cast %scan3A_154 : i32 to index
        %get3A_245 = arith.index_cast %mul3A_243 : i32 to index
        %get3A_246 = tpu.vector_load %arg8[%get3A_244, %get3A_245] {strides = array<i32>} : memref<32x128xf32, #tpu.memory_space<vmem>>, vector<16xf32>,
        %add3A_247 = arith.constant 2 : i32
        %add3A_248 = arith.addi %mul3A_86, %add3A_247 : i32
        %mul3A_249 = arith.constant 16 : i32
        %mul3A_250 = arith.muli %add3A_248, %mul3A_249 : i32
        %get3A_251 = arith.index_cast %scan3A_154 : i32 to index
        %get3A_252 = arith.index_cast %mul3A_250 : i32 to index
        %get3A_253 = tpu.vector_load %arg9[%get3A_251, %get3A_252] {strides = array<i32>} : memref<32x128xf32, #tpu.memory_space<vmem>>, vector<16xf32>,
        %add3A_254 = arith.addf %get3A_246, %get3A_253 : vector<16xf32>
        %gt3A_255 = arith.constant 0.000000e+00 : f32
        %gt3A_256 = vector.broadcast %gt3A_255 : f32 to vector<16xf32>
        %gt3A_257 = arith.cmpf ogt, %add3A_254, %gt3A_256 : vector<16xf32>
        %mul3A_258 = arith.constant 2.000000e-01 : f32
        %mul3A_259 = vector.broadcast %mul3A_258 : f32 to vector<16xf32>
        %mul3A_260 = arith.mulf %mul3A_259, %add3A_254 : vector<16xf32>
        %select_n3A_261 = arith.select %gt3A_257, %add3A_254, %mul3A_260 : vector<16xi1>, vector<16xf32>
        %add3A_262 = arith.constant 2 : i32
        %add3A_263 = arith.addi %mul3A_86, %add3A_262 : i32
        %get3A_264 = arith.index_cast %add3A_263 : i32 to index
        %get3A_265 = arith.constant 0 : index
        %get3A_266 = tpu.vector_load %arg14[%get3A_264, %get3A_265] {strides = array<i32>} : memref<8x16xf32, #tpu.memory_space<vmem>>, vector<16xf32>,
        %mul3A_267 = arith.mulf %select_n3A_261, %get3A_266 : vector<16xf32>
        %reduce_sum3A_268 = arith.constant true
        %reduce_sum3A_269 = vector.broadcast %reduce_sum3A_268 : i1 to vector<16xi1>
        %reduce_sum3A_270 = tpu.scan <sum>, %mul3A_267 masked %reduce_sum3A_269 : vector<16xf32>, vector<16xi1> -> vector<16xf32>
        %reduce_sum3A_271 = vector.extract %reduce_sum3A_270[15] : f32 from vector<16xf32>
        %broadcast_in_dim3A_272 = vector.broadcast %reduce_sum3A_271 : f32 to vector<16xf32>
        %exp3A_273 = math.exp %broadcast_in_dim3A_272 : vector<16xf32>
        %mul3A_274 = arith.mulf %exp3A_273, %get3A_246 : vector<16xf32>
        %swap3A_275 = arith.index_cast %scan3A_154 : i32 to index
        %swap3A_276 = arith.constant 32 : index
        %swap3A_277 = tpu.vector_load %arg10[%swap3A_275, %swap3A_276] {strides = array<i32>} : memref<32x80xf32, #tpu.memory_space<vmem>>, vector<16xf32>,
        tpu.vector_store %arg10[%swap3A_275, %swap3A_276], %mul3A_274 {strides = array<i32>} : memref<32x80xf32, #tpu.memory_space<vmem>>, vector<16xf32>,
        %eq3A_278 = arith.constant 2 : i32
        %eq3A_279 = vector.broadcast %eq3A_278 : i32 to vector<16xi32>
        %eq3A_280 = arith.cmpi eq, %iota3A, %eq3A_279 : vector<16xi32>
        %convert_element_type3A_281 = arith.extui %eq3A_280 : vector<16xi1> to vector<16xi32>
        %convert_element_type3A_282 = arith.sitofp %convert_element_type3A_281 : vector<16xi32> to vector<16xf32>
        %mul3A_283 = arith.mulf %exp3A_273, %convert_element_type3A_282 : vector<16xf32>
        %add3A_284 = arith.addf %add3A_239, %mul3A_283 : vector<16xf32>
        %add3A_285 = arith.constant 3 : i32
        %add3A_286 = arith.addi %mul3A_86, %add3A_285 : i32
        %mul3A_287 = arith.constant 16 : i32
        %mul3A_288 = arith.muli %add3A_286, %mul3A_287 : i32
        %get3A_289 = arith.index_cast %scan3A_154 : i32 to index
        %get3A_290 = arith.index_cast %mul3A_288 : i32 to index
        %get3A_291 = tpu.vector_load %arg8[%get3A_289, %get3A_290] {strides = array<i32>} : memref<32x128xf32, #tpu.memory_space<vmem>>, vector<16xf32>,
        %add3A_292 = arith.constant 3 : i32
        %add3A_293 = arith.addi %mul3A_86, %add3A_292 : i32
        %mul3A_294 = arith.constant 16 : i32
        %mul3A_295 = arith.muli %add3A_293, %mul3A_294 : i32
        %get3A_296 = arith.index_cast %scan3A_154 : i32 to index
        %get3A_297 = arith.index_cast %mul3A_295 : i32 to index
        %get3A_298 = tpu.vector_load %arg9[%get3A_296, %get3A_297] {strides = array<i32>} : memref<32x128xf32, #tpu.memory_space<vmem>>, vector<16xf32>,
        %add3A_299 = arith.addf %get3A_291, %get3A_298 : vector<16xf32>
        %gt3A_300 = arith.constant 0.000000e+00 : f32
        %gt3A_301 = vector.broadcast %gt3A_300 : f32 to vector<16xf32>
        %gt3A_302 = arith.cmpf ogt, %add3A_299, %gt3A_301 : vector<16xf32>
        %mul3A_303 = arith.constant 2.000000e-01 : f32
        %mul3A_304 = vector.broadcast %mul3A_303 : f32 to vector<16xf32>
        %mul3A_305 = arith.mulf %mul3A_304, %add3A_299 : vector<16xf32>
        %select_n3A_306 = arith.select %gt3A_302, %add3A_299, %mul3A_305 : vector<16xi1>, vector<16xf32>
        %add3A_307 = arith.constant 3 : i32
        %add3A_308 = arith.addi %mul3A_86, %add3A_307 : i32
        %get3A_309 = arith.index_cast %add3A_308 : i32 to index
        %get3A_310 = arith.constant 0 : index
        %get3A_311 = tpu.vector_load %arg14[%get3A_309, %get3A_310] {strides = array<i32>} : memref<8x16xf32, #tpu.memory_space<vmem>>, vector<16xf32>,
        %mul3A_312 = arith.mulf %select_n3A_306, %get3A_311 : vector<16xf32>
        %reduce_sum3A_313 = arith.constant true
        %reduce_sum3A_314 = vector.broadcast %reduce_sum3A_313 : i1 to vector<16xi1>
        %reduce_sum3A_315 = tpu.scan <sum>, %mul3A_312 masked %reduce_sum3A_314 : vector<16xf32>, vector<16xi1> -> vector<16xf32>
        %reduce_sum3A_316 = vector.extract %reduce_sum3A_315[15] : f32 from vector<16xf32>
        %broadcast_in_dim3A_317 = vector.broadcast %reduce_sum3A_316 : f32 to vector<16xf32>
        %exp3A_318 = math.exp %broadcast_in_dim3A_317 : vector<16xf32>
        %mul3A_319 = arith.mulf %exp3A_318, %get3A_291 : vector<16xf32>
        %swap3A_320 = arith.index_cast %scan3A_154 : i32 to index
        %swap3A_321 = arith.constant 48 : index
        %swap3A_322 = tpu.vector_load %arg10[%swap3A_320, %swap3A_321] {strides = array<i32>} : memref<32x80xf32, #tpu.memory_space<vmem>>, vector<16xf32>,
        tpu.vector_store %arg10[%swap3A_320, %swap3A_321], %mul3A_319 {strides = array<i32>} : memref<32x80xf32, #tpu.memory_space<vmem>>, vector<16xf32>,
        %eq3A_323 = arith.constant 3 : i32
        %eq3A_324 = vector.broadcast %eq3A_323 : i32 to vector<16xi32>
        %eq3A_325 = arith.cmpi eq, %iota3A, %eq3A_324 : vector<16xi32>
        %convert_element_type3A_326 = arith.extui %eq3A_325 : vector<16xi1> to vector<16xi32>
        %convert_element_type3A_327 = arith.sitofp %convert_element_type3A_326 : vector<16xi32> to vector<16xf32>
        %mul3A_328 = arith.mulf %exp3A_318, %convert_element_type3A_327 : vector<16xf32>
        %add3A_329 = arith.addf %add3A_284, %mul3A_328 : vector<16xf32>
        %swap3A_330 = arith.index_cast %scan3A_154 : i32 to index
        %swap3A_331 = arith.constant 64 : index
        %swap3A_332 = tpu.vector_load %arg10[%swap3A_330, %swap3A_331] {strides = array<i32>} : memref<32x80xf32, #tpu.memory_space<vmem>>, vector<16xf32>,
        tpu.vector_store %arg10[%swap3A_330, %swap3A_331], %add3A_329 {strides = array<i32>} : memref<32x80xf32, #tpu.memory_space<vmem>>, vector<16xf32>,
        %scan3A_333 = arith.constant 0 : i32
        scf.yield %scan3A_333 : i32
      }
      %scan3A_139 = arith.constant 32 : i32
      "tpu.region"() ({
        %run_scoped3A = tpu.sem_alloc : memref<!tpu.dma_semaphore, #tpu.memory_space<semaphore_mem>>
        %dma_start3A_154 = arith.constant 0 : i32
        %dma_start3A_155 = arith.constant 0 : i32
        %dma_start3A_156 = tpu.memref_slice %arg19[%dma_start3A_154, %dma_start3A_155] : memref<10240x80xf32, #tpu.memory_space<vmem_shared>> -> memref<10240x80xf32, #tpu.memory_space<vmem_shared>>
        tpu.enqueue_indirect_dma source(%arg10 : memref<32x80xf32, #tpu.memory_space<vmem>>) target(%dma_start3A_156 : memref<10240x80xf32, #tpu.memory_space<vmem_shared>>) offsets(%arg16 : memref<32xi32, #tpu.memory_space<vmem>>) semaphore(%run_scoped3A : memref<!tpu.dma_semaphore, #tpu.memory_space<semaphore_mem>>) {add = true}
        %dma_wait3A_157 = arith.constant 0 : i32
        %dma_wait3A_158 = arith.constant 0 : i32
        %dma_wait3A_159 = tpu.memref_slice %arg19[%dma_wait3A_157, %dma_wait3A_158] : memref<10240x80xf32, #tpu.memory_space<vmem_shared>> -> memref<10240x80xf32, #tpu.memory_space<vmem_shared>>
        tpu.wait_indirect_dma semaphore(%run_scoped3A : memref<!tpu.dma_semaphore, #tpu.memory_space<semaphore_mem>>) src(%arg10 : memref<32x80xf32, #tpu.memory_space<vmem>>) dst(%dma_wait3A_159 : memref<10240x80xf32, #tpu.memory_space<vmem_shared>>)
        tpu.yield
      }) : () -> ()
      %dma_wait3A_140 = arith.constant 0 : i32
      %dma_wait3A_141 = arith.constant 0 : i32
      %dma_wait3A_142 = tpu.memref_slice %arg2[%dma_wait3A_140, %dma_wait3A_141] : memref<10400x128xf32, #tpu.memory_space<hbm>> -> memref<10400x128xf32, #tpu.memory_space<hbm>>
      tpu.wait_indirect_dma semaphore(%arg22 : memref<!tpu.dma_semaphore, #tpu.memory_space<semaphore_mem>>) src(%dma_wait3A_142 : memref<10400x128xf32, #tpu.memory_space<hbm>>) dst(%arg11 : memref<32x128xf32, #tpu.memory_space<vmem>>)
      %dma_wait3A_143 = arith.constant 0 : i32
      %dma_wait3A_144 = arith.constant 0 : i32
      %dma_wait3A_145 = tpu.memref_slice %arg3[%dma_wait3A_143, %dma_wait3A_144] : memref<10400x128xf32, #tpu.memory_space<hbm>> -> memref<10400x128xf32, #tpu.memory_space<hbm>>
      tpu.wait_indirect_dma semaphore(%arg23 : memref<!tpu.dma_semaphore, #tpu.memory_space<semaphore_mem>>) src(%dma_wait3A_145 : memref<10400x128xf32, #tpu.memory_space<hbm>>) dst(%arg12 : memref<32x128xf32, #tpu.memory_space<vmem>>)
      %scan3A_146 = arith.constant 0 : i32
      %scan3A_147 = arith.constant 0 : i32
      %scan3A_148 = arith.constant 32 : i32
      %scan3A_149 = arith.addi %scan3A_147, %scan3A_148 : i32
      %scan3A_150 = arith.constant 1 : i32
      %scan3A_151 = scf.for %scan3A_154 = %scan3A_147 to %scan3A_149 step %scan3A_150 iter_args(%scan3A_155 = %scan3A_146) -> (i32)  : i32 {
        %broadcast_in_dim3A_156 = arith.constant 0.000000e+00 : f32
        %broadcast_in_dim3A_157 = vector.broadcast %broadcast_in_dim3A_156 : f32 to vector<16xf32>
        %iota3A = tpu.iota {dimensions = array<i32: 0>} : vector<16xi32>
        %add3A_158 = arith.constant 0 : i32
        %add3A_159 = arith.addi %mul3A_86, %add3A_158 : i32
        %mul3A_160 = arith.constant 16 : i32
        %mul3A_161 = arith.muli %add3A_159, %mul3A_160 : i32
        %get3A = arith.index_cast %scan3A_154 : i32 to index
        %get3A_162 = arith.index_cast %mul3A_161 : i32 to index
        %get3A_163 = tpu.vector_load %arg11[%get3A, %get3A_162] {strides = array<i32>} : memref<32x128xf32, #tpu.memory_space<vmem>>, vector<16xf32>,
        %add3A_164 = arith.constant 0 : i32
        %add3A_165 = arith.addi %mul3A_86, %add3A_164 : i32
        %mul3A_166 = arith.constant 16 : i32
        %mul3A_167 = arith.muli %add3A_165, %mul3A_166 : i32
        %get3A_168 = arith.index_cast %scan3A_154 : i32 to index
        %get3A_169 = arith.index_cast %mul3A_167 : i32 to index
        %get3A_170 = tpu.vector_load %arg12[%get3A_168, %get3A_169] {strides = array<i32>} : memref<32x128xf32, #tpu.memory_space<vmem>>, vector<16xf32>,
        %add3A_171 = arith.addf %get3A_163, %get3A_170 : vector<16xf32>
        %gt3A = arith.constant 0.000000e+00 : f32
        %gt3A_172 = vector.broadcast %gt3A : f32 to vector<16xf32>
        %gt3A_173 = arith.cmpf ogt, %add3A_171, %gt3A_172 : vector<16xf32>
        %mul3A_174 = arith.constant 2.000000e-01 : f32
        %mul3A_175 = vector.broadcast %mul3A_174 : f32 to vector<16xf32>
        %mul3A_176 = arith.mulf %mul3A_175, %add3A_171 : vector<16xf32>
        %select_n3A = arith.select %gt3A_173, %add3A_171, %mul3A_176 : vector<16xi1>, vector<16xf32>
        %add3A_177 = arith.constant 0 : i32
        %add3A_178 = arith.addi %mul3A_86, %add3A_177 : i32
        %get3A_179 = arith.index_cast %add3A_178 : i32 to index
        %get3A_180 = arith.constant 0 : index
        %get3A_181 = tpu.vector_load %arg14[%get3A_179, %get3A_180] {strides = array<i32>} : memref<8x16xf32, #tpu.memory_space<vmem>>, vector<16xf32>,
        %mul3A_182 = arith.mulf %select_n3A, %get3A_181 : vector<16xf32>
        %reduce_sum3A = arith.constant true
        %reduce_sum3A_183 = vector.broadcast %reduce_sum3A : i1 to vector<16xi1>
        %reduce_sum3A_184 = tpu.scan <sum>, %mul3A_182 masked %reduce_sum3A_183 : vector<16xf32>, vector<16xi1> -> vector<16xf32>
        %reduce_sum3A_185 = vector.extract %reduce_sum3A_184[15] : f32 from vector<16xf32>
        %broadcast_in_dim3A_186 = vector.broadcast %reduce_sum3A_185 : f32 to vector<16xf32>
        %exp3A = math.exp %broadcast_in_dim3A_186 : vector<16xf32>
        %mul3A_187 = arith.mulf %exp3A, %get3A_163 : vector<16xf32>
        %swap3A = arith.index_cast %scan3A_154 : i32 to index
        %swap3A_188 = arith.constant 0 : index
        %swap3A_189 = tpu.vector_load %arg13[%swap3A, %swap3A_188] {strides = array<i32>} : memref<32x80xf32, #tpu.memory_space<vmem>>, vector<16xf32>,
        tpu.vector_store %arg13[%swap3A, %swap3A_188], %mul3A_187 {strides = array<i32>} : memref<32x80xf32, #tpu.memory_space<vmem>>, vector<16xf32>,
        %eq3A = arith.constant 0 : i32
        %eq3A_190 = vector.broadcast %eq3A : i32 to vector<16xi32>
        %eq3A_191 = arith.cmpi eq, %iota3A, %eq3A_190 : vector<16xi32>
        %convert_element_type3A = arith.extui %eq3A_191 : vector<16xi1> to vector<16xi32>
        %convert_element_type3A_192 = arith.sitofp %convert_element_type3A : vector<16xi32> to vector<16xf32>
        %mul3A_193 = arith.mulf %exp3A, %convert_element_type3A_192 : vector<16xf32>
        %add3A_194 = arith.addf %broadcast_in_dim3A_157, %mul3A_193 : vector<16xf32>
        %add3A_195 = arith.constant 1 : i32
        %add3A_196 = arith.addi %mul3A_86, %add3A_195 : i32
        %mul3A_197 = arith.constant 16 : i32
        %mul3A_198 = arith.muli %add3A_196, %mul3A_197 : i32
        %get3A_199 = arith.index_cast %scan3A_154 : i32 to index
        %get3A_200 = arith.index_cast %mul3A_198 : i32 to index
        %get3A_201 = tpu.vector_load %arg11[%get3A_199, %get3A_200] {strides = array<i32>} : memref<32x128xf32, #tpu.memory_space<vmem>>, vector<16xf32>,
        %add3A_202 = arith.constant 1 : i32
        %add3A_203 = arith.addi %mul3A_86, %add3A_202 : i32
        %mul3A_204 = arith.constant 16 : i32
        %mul3A_205 = arith.muli %add3A_203, %mul3A_204 : i32
        %get3A_206 = arith.index_cast %scan3A_154 : i32 to index
        %get3A_207 = arith.index_cast %mul3A_205 : i32 to index
        %get3A_208 = tpu.vector_load %arg12[%get3A_206, %get3A_207] {strides = array<i32>} : memref<32x128xf32, #tpu.memory_space<vmem>>, vector<16xf32>,
        %add3A_209 = arith.addf %get3A_201, %get3A_208 : vector<16xf32>
        %gt3A_210 = arith.constant 0.000000e+00 : f32
        %gt3A_211 = vector.broadcast %gt3A_210 : f32 to vector<16xf32>
        %gt3A_212 = arith.cmpf ogt, %add3A_209, %gt3A_211 : vector<16xf32>
        %mul3A_213 = arith.constant 2.000000e-01 : f32
        %mul3A_214 = vector.broadcast %mul3A_213 : f32 to vector<16xf32>
        %mul3A_215 = arith.mulf %mul3A_214, %add3A_209 : vector<16xf32>
        %select_n3A_216 = arith.select %gt3A_212, %add3A_209, %mul3A_215 : vector<16xi1>, vector<16xf32>
        %add3A_217 = arith.constant 1 : i32
        %add3A_218 = arith.addi %mul3A_86, %add3A_217 : i32
        %get3A_219 = arith.index_cast %add3A_218 : i32 to index
        %get3A_220 = arith.constant 0 : index
        %get3A_221 = tpu.vector_load %arg14[%get3A_219, %get3A_220] {strides = array<i32>} : memref<8x16xf32, #tpu.memory_space<vmem>>, vector<16xf32>,
        %mul3A_222 = arith.mulf %select_n3A_216, %get3A_221 : vector<16xf32>
        %reduce_sum3A_223 = arith.constant true
        %reduce_sum3A_224 = vector.broadcast %reduce_sum3A_223 : i1 to vector<16xi1>
        %reduce_sum3A_225 = tpu.scan <sum>, %mul3A_222 masked %reduce_sum3A_224 : vector<16xf32>, vector<16xi1> -> vector<16xf32>
        %reduce_sum3A_226 = vector.extract %reduce_sum3A_225[15] : f32 from vector<16xf32>
        %broadcast_in_dim3A_227 = vector.broadcast %reduce_sum3A_226 : f32 to vector<16xf32>
        %exp3A_228 = math.exp %broadcast_in_dim3A_227 : vector<16xf32>
        %mul3A_229 = arith.mulf %exp3A_228, %get3A_201 : vector<16xf32>
        %swap3A_230 = arith.index_cast %scan3A_154 : i32 to index
        %swap3A_231 = arith.constant 16 : index
        %swap3A_232 = tpu.vector_load %arg13[%swap3A_230, %swap3A_231] {strides = array<i32>} : memref<32x80xf32, #tpu.memory_space<vmem>>, vector<16xf32>,
        tpu.vector_store %arg13[%swap3A_230, %swap3A_231], %mul3A_229 {strides = array<i32>} : memref<32x80xf32, #tpu.memory_space<vmem>>, vector<16xf32>,
        %eq3A_233 = arith.constant 1 : i32
        %eq3A_234 = vector.broadcast %eq3A_233 : i32 to vector<16xi32>
        %eq3A_235 = arith.cmpi eq, %iota3A, %eq3A_234 : vector<16xi32>
        %convert_element_type3A_236 = arith.extui %eq3A_235 : vector<16xi1> to vector<16xi32>
        %convert_element_type3A_237 = arith.sitofp %convert_element_type3A_236 : vector<16xi32> to vector<16xf32>
        %mul3A_238 = arith.mulf %exp3A_228, %convert_element_type3A_237 : vector<16xf32>
        %add3A_239 = arith.addf %add3A_194, %mul3A_238 : vector<16xf32>
        %add3A_240 = arith.constant 2 : i32
        %add3A_241 = arith.addi %mul3A_86, %add3A_240 : i32
        %mul3A_242 = arith.constant 16 : i32
        %mul3A_243 = arith.muli %add3A_241, %mul3A_242 : i32
        %get3A_244 = arith.index_cast %scan3A_154 : i32 to index
        %get3A_245 = arith.index_cast %mul3A_243 : i32 to index
        %get3A_246 = tpu.vector_load %arg11[%get3A_244, %get3A_245] {strides = array<i32>} : memref<32x128xf32, #tpu.memory_space<vmem>>, vector<16xf32>,
        %add3A_247 = arith.constant 2 : i32
        %add3A_248 = arith.addi %mul3A_86, %add3A_247 : i32
        %mul3A_249 = arith.constant 16 : i32
        %mul3A_250 = arith.muli %add3A_248, %mul3A_249 : i32
        %get3A_251 = arith.index_cast %scan3A_154 : i32 to index
        %get3A_252 = arith.index_cast %mul3A_250 : i32 to index
        %get3A_253 = tpu.vector_load %arg12[%get3A_251, %get3A_252] {strides = array<i32>} : memref<32x128xf32, #tpu.memory_space<vmem>>, vector<16xf32>,
        %add3A_254 = arith.addf %get3A_246, %get3A_253 : vector<16xf32>
        %gt3A_255 = arith.constant 0.000000e+00 : f32
        %gt3A_256 = vector.broadcast %gt3A_255 : f32 to vector<16xf32>
        %gt3A_257 = arith.cmpf ogt, %add3A_254, %gt3A_256 : vector<16xf32>
        %mul3A_258 = arith.constant 2.000000e-01 : f32
        %mul3A_259 = vector.broadcast %mul3A_258 : f32 to vector<16xf32>
        %mul3A_260 = arith.mulf %mul3A_259, %add3A_254 : vector<16xf32>
        %select_n3A_261 = arith.select %gt3A_257, %add3A_254, %mul3A_260 : vector<16xi1>, vector<16xf32>
        %add3A_262 = arith.constant 2 : i32
        %add3A_263 = arith.addi %mul3A_86, %add3A_262 : i32
        %get3A_264 = arith.index_cast %add3A_263 : i32 to index
        %get3A_265 = arith.constant 0 : index
        %get3A_266 = tpu.vector_load %arg14[%get3A_264, %get3A_265] {strides = array<i32>} : memref<8x16xf32, #tpu.memory_space<vmem>>, vector<16xf32>,
        %mul3A_267 = arith.mulf %select_n3A_261, %get3A_266 : vector<16xf32>
        %reduce_sum3A_268 = arith.constant true
        %reduce_sum3A_269 = vector.broadcast %reduce_sum3A_268 : i1 to vector<16xi1>
        %reduce_sum3A_270 = tpu.scan <sum>, %mul3A_267 masked %reduce_sum3A_269 : vector<16xf32>, vector<16xi1> -> vector<16xf32>
        %reduce_sum3A_271 = vector.extract %reduce_sum3A_270[15] : f32 from vector<16xf32>
        %broadcast_in_dim3A_272 = vector.broadcast %reduce_sum3A_271 : f32 to vector<16xf32>
        %exp3A_273 = math.exp %broadcast_in_dim3A_272 : vector<16xf32>
        %mul3A_274 = arith.mulf %exp3A_273, %get3A_246 : vector<16xf32>
        %swap3A_275 = arith.index_cast %scan3A_154 : i32 to index
        %swap3A_276 = arith.constant 32 : index
        %swap3A_277 = tpu.vector_load %arg13[%swap3A_275, %swap3A_276] {strides = array<i32>} : memref<32x80xf32, #tpu.memory_space<vmem>>, vector<16xf32>,
        tpu.vector_store %arg13[%swap3A_275, %swap3A_276], %mul3A_274 {strides = array<i32>} : memref<32x80xf32, #tpu.memory_space<vmem>>, vector<16xf32>,
        %eq3A_278 = arith.constant 2 : i32
        %eq3A_279 = vector.broadcast %eq3A_278 : i32 to vector<16xi32>
        %eq3A_280 = arith.cmpi eq, %iota3A, %eq3A_279 : vector<16xi32>
        %convert_element_type3A_281 = arith.extui %eq3A_280 : vector<16xi1> to vector<16xi32>
        %convert_element_type3A_282 = arith.sitofp %convert_element_type3A_281 : vector<16xi32> to vector<16xf32>
        %mul3A_283 = arith.mulf %exp3A_273, %convert_element_type3A_282 : vector<16xf32>
        %add3A_284 = arith.addf %add3A_239, %mul3A_283 : vector<16xf32>
        %add3A_285 = arith.constant 3 : i32
        %add3A_286 = arith.addi %mul3A_86, %add3A_285 : i32
        %mul3A_287 = arith.constant 16 : i32
        %mul3A_288 = arith.muli %add3A_286, %mul3A_287 : i32
        %get3A_289 = arith.index_cast %scan3A_154 : i32 to index
        %get3A_290 = arith.index_cast %mul3A_288 : i32 to index
        %get3A_291 = tpu.vector_load %arg11[%get3A_289, %get3A_290] {strides = array<i32>} : memref<32x128xf32, #tpu.memory_space<vmem>>, vector<16xf32>,
        %add3A_292 = arith.constant 3 : i32
        %add3A_293 = arith.addi %mul3A_86, %add3A_292 : i32
        %mul3A_294 = arith.constant 16 : i32
        %mul3A_295 = arith.muli %add3A_293, %mul3A_294 : i32
        %get3A_296 = arith.index_cast %scan3A_154 : i32 to index
        %get3A_297 = arith.index_cast %mul3A_295 : i32 to index
        %get3A_298 = tpu.vector_load %arg12[%get3A_296, %get3A_297] {strides = array<i32>} : memref<32x128xf32, #tpu.memory_space<vmem>>, vector<16xf32>,
        %add3A_299 = arith.addf %get3A_291, %get3A_298 : vector<16xf32>
        %gt3A_300 = arith.constant 0.000000e+00 : f32
        %gt3A_301 = vector.broadcast %gt3A_300 : f32 to vector<16xf32>
        %gt3A_302 = arith.cmpf ogt, %add3A_299, %gt3A_301 : vector<16xf32>
        %mul3A_303 = arith.constant 2.000000e-01 : f32
        %mul3A_304 = vector.broadcast %mul3A_303 : f32 to vector<16xf32>
        %mul3A_305 = arith.mulf %mul3A_304, %add3A_299 : vector<16xf32>
        %select_n3A_306 = arith.select %gt3A_302, %add3A_299, %mul3A_305 : vector<16xi1>, vector<16xf32>
        %add3A_307 = arith.constant 3 : i32
        %add3A_308 = arith.addi %mul3A_86, %add3A_307 : i32
        %get3A_309 = arith.index_cast %add3A_308 : i32 to index
        %get3A_310 = arith.constant 0 : index
        %get3A_311 = tpu.vector_load %arg14[%get3A_309, %get3A_310] {strides = array<i32>} : memref<8x16xf32, #tpu.memory_space<vmem>>, vector<16xf32>,
        %mul3A_312 = arith.mulf %select_n3A_306, %get3A_311 : vector<16xf32>
        %reduce_sum3A_313 = arith.constant true
        %reduce_sum3A_314 = vector.broadcast %reduce_sum3A_313 : i1 to vector<16xi1>
        %reduce_sum3A_315 = tpu.scan <sum>, %mul3A_312 masked %reduce_sum3A_314 : vector<16xf32>, vector<16xi1> -> vector<16xf32>
        %reduce_sum3A_316 = vector.extract %reduce_sum3A_315[15] : f32 from vector<16xf32>
        %broadcast_in_dim3A_317 = vector.broadcast %reduce_sum3A_316 : f32 to vector<16xf32>
        %exp3A_318 = math.exp %broadcast_in_dim3A_317 : vector<16xf32>
        %mul3A_319 = arith.mulf %exp3A_318, %get3A_291 : vector<16xf32>
        %swap3A_320 = arith.index_cast %scan3A_154 : i32 to index
        %swap3A_321 = arith.constant 48 : index
        %swap3A_322 = tpu.vector_load %arg13[%swap3A_320, %swap3A_321] {strides = array<i32>} : memref<32x80xf32, #tpu.memory_space<vmem>>, vector<16xf32>,
        tpu.vector_store %arg13[%swap3A_320, %swap3A_321], %mul3A_319 {strides = array<i32>} : memref<32x80xf32, #tpu.memory_space<vmem>>, vector<16xf32>,
        %eq3A_323 = arith.constant 3 : i32
        %eq3A_324 = vector.broadcast %eq3A_323 : i32 to vector<16xi32>
        %eq3A_325 = arith.cmpi eq, %iota3A, %eq3A_324 : vector<16xi32>
        %convert_element_type3A_326 = arith.extui %eq3A_325 : vector<16xi1> to vector<16xi32>
        %convert_element_type3A_327 = arith.sitofp %convert_element_type3A_326 : vector<16xi32> to vector<16xf32>
        %mul3A_328 = arith.mulf %exp3A_318, %convert_element_type3A_327 : vector<16xf32>
        %add3A_329 = arith.addf %add3A_284, %mul3A_328 : vector<16xf32>
        %swap3A_330 = arith.index_cast %scan3A_154 : i32 to index
        %swap3A_331 = arith.constant 64 : index
        %swap3A_332 = tpu.vector_load %arg13[%swap3A_330, %swap3A_331] {strides = array<i32>} : memref<32x80xf32, #tpu.memory_space<vmem>>, vector<16xf32>,
        tpu.vector_store %arg13[%swap3A_330, %swap3A_331], %add3A_329 {strides = array<i32>} : memref<32x80xf32, #tpu.memory_space<vmem>>, vector<16xf32>,
        %scan3A_333 = arith.constant 0 : i32
        scf.yield %scan3A_333 : i32
      }
      %scan3A_152 = arith.constant 32 : i32
      "tpu.region"() ({
        %run_scoped3A = tpu.sem_alloc : memref<!tpu.dma_semaphore, #tpu.memory_space<semaphore_mem>>
        %dma_start3A_154 = arith.constant 0 : i32
        %dma_start3A_155 = arith.constant 0 : i32
        %dma_start3A_156 = tpu.memref_slice %arg19[%dma_start3A_154, %dma_start3A_155] : memref<10240x80xf32, #tpu.memory_space<vmem_shared>> -> memref<10240x80xf32, #tpu.memory_space<vmem_shared>>
        tpu.enqueue_indirect_dma source(%arg13 : memref<32x80xf32, #tpu.memory_space<vmem>>) target(%dma_start3A_156 : memref<10240x80xf32, #tpu.memory_space<vmem_shared>>) offsets(%arg18 : memref<32xi32, #tpu.memory_space<vmem>>) semaphore(%run_scoped3A : memref<!tpu.dma_semaphore, #tpu.memory_space<semaphore_mem>>) {add = true}
        %dma_wait3A_157 = arith.constant 0 : i32
        %dma_wait3A_158 = arith.constant 0 : i32
        %dma_wait3A_159 = tpu.memref_slice %arg19[%dma_wait3A_157, %dma_wait3A_158] : memref<10240x80xf32, #tpu.memory_space<vmem_shared>> -> memref<10240x80xf32, #tpu.memory_space<vmem_shared>>
        tpu.wait_indirect_dma semaphore(%run_scoped3A : memref<!tpu.dma_semaphore, #tpu.memory_space<semaphore_mem>>) src(%arg13 : memref<32x80xf32, #tpu.memory_space<vmem>>) dst(%dma_wait3A_159 : memref<10240x80xf32, #tpu.memory_space<vmem_shared>>)
        tpu.yield
      }) : () -> ()
      %scan3A_153 = arith.constant 0 : i32
      scf.yield %scan3A_153 : i32
    }
    %scan3A_93 = arith.constant 323 : i32
    %barrier3A_94 = arith.constant 0 : index
    tpu.barrier barrier_id(%barrier3A_94)
    %mul3A_95 = arith.constant 640 : i32
    %mul3A_96 = arith.muli %arg1, %mul3A_95 : i32
    %mul3A_97 = arith.constant 640 : i32
    %mul3A_98 = arith.muli %arg1, %mul3A_97 : i32
    "tpu.region"() ({
      %run_scoped3A = tpu.sem_alloc : memref<!tpu.dma_semaphore, #tpu.memory_space<semaphore_mem>>
      %dma_start3A = arith.constant 0 : i32
      %dma_start3A_99 = tpu.memref_slice %arg7[%arg0, %mul3A_98, %dma_start3A] : memref<2x10240x80xf32, #tpu.memory_space<hbm>> -> memref<1x640x80xf32, #tpu.memory_space<hbm>>
      %dma_start3A_100 = tpu.memref_squeeze %dma_start3A_99 : memref<1x640x80xf32, #tpu.memory_space<hbm>> -> memref<640x80xf32, #tpu.memory_space<hbm>>
      %dma_start3A_101 = arith.constant 0 : i32
      %dma_start3A_102 = tpu.memref_slice %arg19[%mul3A_96, %dma_start3A_101] : memref<10240x80xf32, #tpu.memory_space<vmem_shared>> -> memref<640x80xf32, #tpu.memory_space<vmem_shared>>
      tpu.enqueue_dma source(%dma_start3A_102 : memref<640x80xf32, #tpu.memory_space<vmem_shared>>) target(%dma_start3A_100 : memref<640x80xf32, #tpu.memory_space<hbm>>) target_semaphore(%run_scoped3A : memref<!tpu.dma_semaphore, #tpu.memory_space<semaphore_mem>>)
      %dma_wait3A = arith.constant 0 : i32
      %dma_wait3A_103 = tpu.memref_slice %arg7[%arg0, %mul3A_98, %dma_wait3A] : memref<2x10240x80xf32, #tpu.memory_space<hbm>> -> memref<1x640x80xf32, #tpu.memory_space<hbm>>
      %dma_wait3A_104 = tpu.memref_squeeze %dma_wait3A_103 : memref<1x640x80xf32, #tpu.memory_space<hbm>> -> memref<640x80xf32, #tpu.memory_space<hbm>>
      %dma_wait3A_105 = arith.constant 0 : i32
      %dma_wait3A_106 = tpu.memref_slice %arg19[%mul3A_96, %dma_wait3A_105] : memref<10240x80xf32, #tpu.memory_space<vmem_shared>> -> memref<640x80xf32, #tpu.memory_space<vmem_shared>>
      tpu.wait_dma2 semaphore(%run_scoped3A : memref<!tpu.dma_semaphore, #tpu.memory_space<semaphore_mem>>) src(%dma_wait3A_106 : memref<640x80xf32, #tpu.memory_space<vmem_shared>>) dst(%dma_wait3A_104 : memref<640x80xf32, #tpu.memory_space<hbm>>)
      tpu.yield
    }) : () -> ()
    return
  }
}

module attributes {stable_mosaic.version = 14 : i64} {
  func.func @_mid_body(%arg0: i32, %arg1: memref<2x400x80xf32, #tpu.memory_space<vmem>>, %arg2: memref<1x128xf32, #tpu.memory_space<vmem>>, %arg3: memref<2x80x128xf32, #tpu.memory_space<vmem>>, %arg4: memref<2x80x128xf32, #tpu.memory_space<vmem>>, %arg5: memref<128x128xf32, #tpu.memory_space<vmem>>, %arg6: memref<128x128xf32, #tpu.memory_space<vmem>>, %arg7: memref<400x128xf32, #tpu.memory_space<vmem>>, %arg8: memref<400x128xf32, #tpu.memory_space<vmem>>) attributes {dimension_semantics = [#tpu.dimension_semantics<arbitrary>], iteration_bounds = array<i64: 26>, scalar_prefetch = 0 : i64, scratch_operands = 0 : i64, tpu.core_type = #tpu.core_type<tc>, window_params = [{transform_indices = @transform_0, window_bounds = array<i64: 2, 400, 80>}, {pipeline_mode = #tpu.pipeline_mode<synchronous>, transform_indices = @transform_1, window_bounds = array<i64: 1, 128>}, {pipeline_mode = #tpu.pipeline_mode<synchronous>, transform_indices = @transform_2, window_bounds = array<i64: 2, 80, 128>}, {pipeline_mode = #tpu.pipeline_mode<synchronous>, transform_indices = @transform_3, window_bounds = array<i64: 2, 80, 128>}, {pipeline_mode = #tpu.pipeline_mode<synchronous>, transform_indices = @transform_4, window_bounds = array<i64: 128, 128>}, {pipeline_mode = #tpu.pipeline_mode<synchronous>, transform_indices = @transform_5, window_bounds = array<i64: 128, 128>}, {transform_indices = @transform_6, window_bounds = array<i64: 400, 128>}, {transform_indices = @transform_7, window_bounds = array<i64: 400, 128>}]} {
    %get3A = arith.constant 0 : index
    %get3A_0 = arith.constant 0 : index
    %get3A_1 = arith.constant 0 : index
    %get3A_2 = vector.load %arg1[%get3A, %get3A_0, %get3A_1] : memref<2x400x80xf32, #tpu.memory_space<vmem>>, vector<1x400x80xf32>
    %get3A_3 = vector.shape_cast %get3A_2 : vector<1x400x80xf32> to vector<400x80xf32>
    %get3A_4 = arith.constant 0 : index
    %get3A_5 = arith.constant 0 : index
    %get3A_6 = arith.constant 0 : index
    %get3A_7 = vector.load %arg3[%get3A_4, %get3A_5, %get3A_6] : memref<2x80x128xf32, #tpu.memory_space<vmem>>, vector<1x80x128xf32>
    %get3A_8 = vector.shape_cast %get3A_7 : vector<1x80x128xf32> to vector<80x128xf32>
    %dot_general3A = arith.constant dense<0.000000e+00> : vector<400x128xf32>
    %dot_general3A_9 = tpu.matmul %get3A_3, %get3A_8, %dot_general3A {dimension_numbers = #tpu.dot_dimension_numbers<[1], [0], [0], [1], [0, 0, 1, 1], [], []>, transpose_lhs_hint = false} : vector<400x80xf32>, vector<80x128xf32>, vector<400x128xf32> -> vector<400x128xf32>
    %get3A_10 = arith.constant 1 : index
    %get3A_11 = arith.constant 0 : index
    %get3A_12 = arith.constant 0 : index
    %get3A_13 = vector.load %arg1[%get3A_10, %get3A_11, %get3A_12] : memref<2x400x80xf32, #tpu.memory_space<vmem>>, vector<1x400x80xf32>
    %get3A_14 = vector.shape_cast %get3A_13 : vector<1x400x80xf32> to vector<400x80xf32>
    %get3A_15 = arith.constant 1 : index
    %get3A_16 = arith.constant 0 : index
    %get3A_17 = arith.constant 0 : index
    %get3A_18 = vector.load %arg3[%get3A_15, %get3A_16, %get3A_17] : memref<2x80x128xf32, #tpu.memory_space<vmem>>, vector<1x80x128xf32>
    %get3A_19 = vector.shape_cast %get3A_18 : vector<1x80x128xf32> to vector<80x128xf32>
    %dot_general3A_20 = arith.constant dense<0.000000e+00> : vector<400x128xf32>
    %dot_general3A_21 = tpu.matmul %get3A_14, %get3A_19, %dot_general3A_20 {dimension_numbers = #tpu.dot_dimension_numbers<[1], [0], [0], [1], [0, 0, 1, 1], [], []>, transpose_lhs_hint = false} : vector<400x80xf32>, vector<80x128xf32>, vector<400x128xf32> -> vector<400x128xf32>
    %add3A = arith.addf %dot_general3A_9, %dot_general3A_21 : vector<400x128xf32>
    %get3A_22 = arith.constant 0 : index
    %get3A_23 = arith.constant 0 : index
    %get3A_24 = arith.constant 0 : index
    %get3A_25 = vector.load %arg1[%get3A_22, %get3A_23, %get3A_24] : memref<2x400x80xf32, #tpu.memory_space<vmem>>, vector<1x400x80xf32>
    %get3A_26 = vector.shape_cast %get3A_25 : vector<1x400x80xf32> to vector<400x80xf32>
    %get3A_27 = arith.constant 0 : index
    %get3A_28 = arith.constant 0 : index
    %get3A_29 = arith.constant 0 : index
    %get3A_30 = vector.load %arg4[%get3A_27, %get3A_28, %get3A_29] : memref<2x80x128xf32, #tpu.memory_space<vmem>>, vector<1x80x128xf32>
    %get3A_31 = vector.shape_cast %get3A_30 : vector<1x80x128xf32> to vector<80x128xf32>
    %dot_general3A_32 = arith.constant dense<0.000000e+00> : vector<400x128xf32>
    %dot_general3A_33 = tpu.matmul %get3A_26, %get3A_31, %dot_general3A_32 {dimension_numbers = #tpu.dot_dimension_numbers<[1], [0], [0], [1], [0, 0, 1, 1], [], []>, transpose_lhs_hint = false} : vector<400x80xf32>, vector<80x128xf32>, vector<400x128xf32> -> vector<400x128xf32>
    %get3A_34 = arith.constant 1 : index
    %get3A_35 = arith.constant 0 : index
    %get3A_36 = arith.constant 0 : index
    %get3A_37 = vector.load %arg1[%get3A_34, %get3A_35, %get3A_36] : memref<2x400x80xf32, #tpu.memory_space<vmem>>, vector<1x400x80xf32>
    %get3A_38 = vector.shape_cast %get3A_37 : vector<1x400x80xf32> to vector<400x80xf32>
    %get3A_39 = arith.constant 1 : index
    %get3A_40 = arith.constant 0 : index
    %get3A_41 = arith.constant 0 : index
    %get3A_42 = vector.load %arg4[%get3A_39, %get3A_40, %get3A_41] : memref<2x80x128xf32, #tpu.memory_space<vmem>>, vector<1x80x128xf32>
    %get3A_43 = vector.shape_cast %get3A_42 : vector<1x80x128xf32> to vector<80x128xf32>
    %dot_general3A_44 = arith.constant dense<0.000000e+00> : vector<400x128xf32>
    %dot_general3A_45 = tpu.matmul %get3A_38, %get3A_43, %dot_general3A_44 {dimension_numbers = #tpu.dot_dimension_numbers<[1], [0], [0], [1], [0, 0, 1, 1], [], []>, transpose_lhs_hint = false} : vector<400x80xf32>, vector<80x128xf32>, vector<400x128xf32> -> vector<400x128xf32>
    %add3A_46 = arith.addf %dot_general3A_33, %dot_general3A_45 : vector<400x128xf32>
    %div3A = arith.divf %add3A, %add3A_46 : vector<400x128xf32>
    %get3A_47 = arith.constant 0 : index
    %get3A_48 = arith.constant 0 : index
    %get3A_49 = vector.load %arg2[%get3A_47, %get3A_48] : memref<1x128xf32, #tpu.memory_space<vmem>>, vector<1x128xf32>
    %add3A_50 = vector.broadcast %get3A_49 : vector<1x128xf32> to vector<400x128xf32>
    %add3A_51 = arith.addf %div3A, %add3A_50 : vector<400x128xf32>
    %gt3A = arith.constant 0.000000e+00 : f32
    %gt3A_52 = vector.broadcast %gt3A : f32 to vector<400x128xf32>
    %gt3A_53 = arith.cmpf ogt, %add3A_51, %gt3A_52 : vector<400x128xf32>
    %exp3A = math.exp %add3A_51 : vector<400x128xf32>
    %sub3A = arith.constant 1.000000e+00 : f32
    %sub3A_54 = vector.broadcast %sub3A : f32 to vector<400x128xf32>
    %sub3A_55 = arith.subf %exp3A, %sub3A_54 : vector<400x128xf32>
    %select_n3A = arith.select %gt3A_53, %add3A_51, %sub3A_55 : vector<400x128xi1>, vector<400x128xf32>
    %get3A_56 = arith.constant 0 : index
    %get3A_57 = arith.constant 0 : index
    %get3A_58 = vector.load %arg5[%get3A_56, %get3A_57] : memref<128x128xf32, #tpu.memory_space<vmem>>, vector<128x128xf32>
    %dot_general3A_59 = arith.constant dense<0.000000e+00> : vector<400x128xf32>
    %dot_general3A_60 = tpu.matmul %select_n3A, %get3A_58, %dot_general3A_59 {dimension_numbers = #tpu.dot_dimension_numbers<[1], [0], [0], [1], [0, 0, 1, 1], [], []>, transpose_lhs_hint = false} : vector<400x128xf32>, vector<128x128xf32>, vector<400x128xf32> -> vector<400x128xf32>
    %swap3A = arith.constant 0 : index
    %swap3A_61 = arith.constant 0 : index
    %swap3A_62 = vector.load %arg7[%swap3A, %swap3A_61] : memref<400x128xf32, #tpu.memory_space<vmem>>, vector<400x128xf32>
    tpu.vector_store %arg7[%swap3A, %swap3A_61], %dot_general3A_60 {strides = array<i32>} : memref<400x128xf32, #tpu.memory_space<vmem>>, vector<400x128xf32>,
    %get3A_63 = arith.constant 0 : index
    %get3A_64 = arith.constant 0 : index
    %get3A_65 = vector.load %arg6[%get3A_63, %get3A_64] : memref<128x128xf32, #tpu.memory_space<vmem>>, vector<128x128xf32>
    %dot_general3A_66 = arith.constant dense<0.000000e+00> : vector<400x128xf32>
    %dot_general3A_67 = tpu.matmul %select_n3A, %get3A_65, %dot_general3A_66 {dimension_numbers = #tpu.dot_dimension_numbers<[1], [0], [0], [1], [0, 0, 1, 1], [], []>, transpose_lhs_hint = false} : vector<400x128xf32>, vector<128x128xf32>, vector<400x128xf32> -> vector<400x128xf32>
    %swap3A_68 = arith.constant 0 : index
    %swap3A_69 = arith.constant 0 : index
    %swap3A_70 = vector.load %arg8[%swap3A_68, %swap3A_69] : memref<400x128xf32, #tpu.memory_space<vmem>>, vector<400x128xf32>
    tpu.vector_store %arg8[%swap3A_68, %swap3A_69], %dot_general3A_67 {strides = array<i32>} : memref<400x128xf32, #tpu.memory_space<vmem>>, vector<400x128xf32>,
    return
  }
  func.func @transform_0(%arg0: i32) -> (i32, i32, i32) {
    %min3A = arith.constant 24 : i32
    %min3A_0 = arith.minsi %arg0, %min3A : i32
    %c0_i32 = arith.constant 0 : i32
    %c0_i32_1 = arith.constant 0 : i32
    %c0_i32_2 = arith.constant 0 : i32
    return %c0_i32, %min3A_0, %c0_i32_1 : i32, i32, i32
  }
  func.func @transform_1(%arg0: i32) -> (i32, i32) {
    %c0_i32 = arith.constant 0 : i32
    %c0_i32_0 = arith.constant 0 : i32
    %c0_i32_1 = arith.constant 0 : i32
    return %c0_i32, %c0_i32_0 : i32, i32
  }
  func.func @transform_2(%arg0: i32) -> (i32, i32, i32) {
    %c0_i32 = arith.constant 0 : i32
    %c0_i32_0 = arith.constant 0 : i32
    %c0_i32_1 = arith.constant 0 : i32
    %c0_i32_2 = arith.constant 0 : i32
    return %c0_i32, %c0_i32_0, %c0_i32_1 : i32, i32, i32
  }
  func.func @transform_3(%arg0: i32) -> (i32, i32, i32) {
    %c0_i32 = arith.constant 0 : i32
    %c0_i32_0 = arith.constant 0 : i32
    %c0_i32_1 = arith.constant 0 : i32
    %c0_i32_2 = arith.constant 0 : i32
    return %c0_i32, %c0_i32_0, %c0_i32_1 : i32, i32, i32
  }
  func.func @transform_4(%arg0: i32) -> (i32, i32) {
    %c0_i32 = arith.constant 0 : i32
    %c0_i32_0 = arith.constant 0 : i32
    %c0_i32_1 = arith.constant 0 : i32
    return %c0_i32, %c0_i32_0 : i32, i32
  }
  func.func @transform_5(%arg0: i32) -> (i32, i32) {
    %c0_i32 = arith.constant 0 : i32
    %c0_i32_0 = arith.constant 0 : i32
    %c0_i32_1 = arith.constant 0 : i32
    return %c0_i32, %c0_i32_0 : i32, i32
  }
  func.func @transform_6(%arg0: i32) -> (i32, i32) {
    %c0_i32 = arith.constant 0 : i32
    %c0_i32_0 = arith.constant 0 : i32
    return %arg0, %c0_i32 : i32, i32
  }
  func.func @transform_7(%arg0: i32) -> (i32, i32) {
    %c0_i32 = arith.constant 0 : i32
    %c0_i32_0 = arith.constant 0 : i32
    return %arg0, %c0_i32 : i32, i32
  }
}

module attributes {stable_mosaic.version = 14 : i64} {
  func.func @_final_body(%arg0: i32, %arg1: memref<2x400x80xf32, #tpu.memory_space<vmem>>, %arg2: memref<1x128xf32, #tpu.memory_space<vmem>>, %arg3: memref<2x80x128xf32, #tpu.memory_space<vmem>>, %arg4: memref<2x80x128xf32, #tpu.memory_space<vmem>>, %arg5: memref<400x128xf32, #tpu.memory_space<vmem>>) attributes {dimension_semantics = [#tpu.dimension_semantics<arbitrary>], iteration_bounds = array<i64: 25>, scalar_prefetch = 0 : i64, scratch_operands = 0 : i64, tpu.core_type = #tpu.core_type<tc>, window_params = [{transform_indices = @transform_0, window_bounds = array<i64: 2, 400, 80>}, {pipeline_mode = #tpu.pipeline_mode<synchronous>, transform_indices = @transform_1, window_bounds = array<i64: 1, 128>}, {pipeline_mode = #tpu.pipeline_mode<synchronous>, transform_indices = @transform_2, window_bounds = array<i64: 2, 80, 128>}, {pipeline_mode = #tpu.pipeline_mode<synchronous>, transform_indices = @transform_3, window_bounds = array<i64: 2, 80, 128>}, {transform_indices = @transform_4, window_bounds = array<i64: 400, 128>}]} {
    %get3A = arith.constant 0 : index
    %get3A_0 = arith.constant 0 : index
    %get3A_1 = arith.constant 0 : index
    %get3A_2 = vector.load %arg1[%get3A, %get3A_0, %get3A_1] : memref<2x400x80xf32, #tpu.memory_space<vmem>>, vector<1x400x80xf32>
    %get3A_3 = vector.shape_cast %get3A_2 : vector<1x400x80xf32> to vector<400x80xf32>
    %get3A_4 = arith.constant 0 : index
    %get3A_5 = arith.constant 0 : index
    %get3A_6 = arith.constant 0 : index
    %get3A_7 = vector.load %arg3[%get3A_4, %get3A_5, %get3A_6] : memref<2x80x128xf32, #tpu.memory_space<vmem>>, vector<1x80x128xf32>
    %get3A_8 = vector.shape_cast %get3A_7 : vector<1x80x128xf32> to vector<80x128xf32>
    %dot_general3A = arith.constant dense<0.000000e+00> : vector<400x128xf32>
    %dot_general3A_9 = tpu.matmul %get3A_3, %get3A_8, %dot_general3A {dimension_numbers = #tpu.dot_dimension_numbers<[1], [0], [0], [1], [0, 0, 1, 1], [], []>, transpose_lhs_hint = false} : vector<400x80xf32>, vector<80x128xf32>, vector<400x128xf32> -> vector<400x128xf32>
    %get3A_10 = arith.constant 1 : index
    %get3A_11 = arith.constant 0 : index
    %get3A_12 = arith.constant 0 : index
    %get3A_13 = vector.load %arg1[%get3A_10, %get3A_11, %get3A_12] : memref<2x400x80xf32, #tpu.memory_space<vmem>>, vector<1x400x80xf32>
    %get3A_14 = vector.shape_cast %get3A_13 : vector<1x400x80xf32> to vector<400x80xf32>
    %get3A_15 = arith.constant 1 : index
    %get3A_16 = arith.constant 0 : index
    %get3A_17 = arith.constant 0 : index
    %get3A_18 = vector.load %arg3[%get3A_15, %get3A_16, %get3A_17] : memref<2x80x128xf32, #tpu.memory_space<vmem>>, vector<1x80x128xf32>
    %get3A_19 = vector.shape_cast %get3A_18 : vector<1x80x128xf32> to vector<80x128xf32>
    %dot_general3A_20 = arith.constant dense<0.000000e+00> : vector<400x128xf32>
    %dot_general3A_21 = tpu.matmul %get3A_14, %get3A_19, %dot_general3A_20 {dimension_numbers = #tpu.dot_dimension_numbers<[1], [0], [0], [1], [0, 0, 1, 1], [], []>, transpose_lhs_hint = false} : vector<400x80xf32>, vector<80x128xf32>, vector<400x128xf32> -> vector<400x128xf32>
    %add3A = arith.addf %dot_general3A_9, %dot_general3A_21 : vector<400x128xf32>
    %get3A_22 = arith.constant 0 : index
    %get3A_23 = arith.constant 0 : index
    %get3A_24 = arith.constant 0 : index
    %get3A_25 = vector.load %arg1[%get3A_22, %get3A_23, %get3A_24] : memref<2x400x80xf32, #tpu.memory_space<vmem>>, vector<1x400x80xf32>
    %get3A_26 = vector.shape_cast %get3A_25 : vector<1x400x80xf32> to vector<400x80xf32>
    %get3A_27 = arith.constant 0 : index
    %get3A_28 = arith.constant 0 : index
    %get3A_29 = arith.constant 0 : index
    %get3A_30 = vector.load %arg4[%get3A_27, %get3A_28, %get3A_29] : memref<2x80x128xf32, #tpu.memory_space<vmem>>, vector<1x80x128xf32>
    %get3A_31 = vector.shape_cast %get3A_30 : vector<1x80x128xf32> to vector<80x128xf32>
    %dot_general3A_32 = arith.constant dense<0.000000e+00> : vector<400x128xf32>
    %dot_general3A_33 = tpu.matmul %get3A_26, %get3A_31, %dot_general3A_32 {dimension_numbers = #tpu.dot_dimension_numbers<[1], [0], [0], [1], [0, 0, 1, 1], [], []>, transpose_lhs_hint = false} : vector<400x80xf32>, vector<80x128xf32>, vector<400x128xf32> -> vector<400x128xf32>
    %get3A_34 = arith.constant 1 : index
    %get3A_35 = arith.constant 0 : index
    %get3A_36 = arith.constant 0 : index
    %get3A_37 = vector.load %arg1[%get3A_34, %get3A_35, %get3A_36] : memref<2x400x80xf32, #tpu.memory_space<vmem>>, vector<1x400x80xf32>
    %get3A_38 = vector.shape_cast %get3A_37 : vector<1x400x80xf32> to vector<400x80xf32>
    %get3A_39 = arith.constant 1 : index
    %get3A_40 = arith.constant 0 : index
    %get3A_41 = arith.constant 0 : index
    %get3A_42 = vector.load %arg4[%get3A_39, %get3A_40, %get3A_41] : memref<2x80x128xf32, #tpu.memory_space<vmem>>, vector<1x80x128xf32>
    %get3A_43 = vector.shape_cast %get3A_42 : vector<1x80x128xf32> to vector<80x128xf32>
    %dot_general3A_44 = arith.constant dense<0.000000e+00> : vector<400x128xf32>
    %dot_general3A_45 = tpu.matmul %get3A_38, %get3A_43, %dot_general3A_44 {dimension_numbers = #tpu.dot_dimension_numbers<[1], [0], [0], [1], [0, 0, 1, 1], [], []>, transpose_lhs_hint = false} : vector<400x80xf32>, vector<80x128xf32>, vector<400x128xf32> -> vector<400x128xf32>
    %add3A_46 = arith.addf %dot_general3A_33, %dot_general3A_45 : vector<400x128xf32>
    %div3A = arith.divf %add3A, %add3A_46 : vector<400x128xf32>
    %get3A_47 = arith.constant 0 : index
    %get3A_48 = arith.constant 0 : index
    %get3A_49 = vector.load %arg2[%get3A_47, %get3A_48] : memref<1x128xf32, #tpu.memory_space<vmem>>, vector<1x128xf32>
    %add3A_50 = vector.broadcast %get3A_49 : vector<1x128xf32> to vector<400x128xf32>
    %add3A_51 = arith.addf %div3A, %add3A_50 : vector<400x128xf32>
    %reduce_max3A = arith.constant dense<0xFF800000> : vector<400xf32>
    %reduce_max3A_52 = vector.multi_reduction <maximumf>, %add3A_51, %reduce_max3A [1] : vector<400x128xf32> to vector<400xf32>
    %broadcast_in_dim3A = vector.shape_cast %reduce_max3A_52 : vector<400xf32> to vector<400x1xf32>
    %sub3A = vector.broadcast %broadcast_in_dim3A : vector<400x1xf32> to vector<400x128xf32>
    %sub3A_53 = arith.subf %add3A_51, %sub3A : vector<400x128xf32>
    %exp3A = math.exp %sub3A_53 : vector<400x128xf32>
    %sub3A_54 = vector.broadcast %broadcast_in_dim3A : vector<400x1xf32> to vector<400x128xf32>
    %sub3A_55 = arith.subf %add3A_51, %sub3A_54 : vector<400x128xf32>
    %reduce_sum3A = arith.constant dense<0.000000e+00> : vector<400xf32>
    %reduce_sum3A_56 = vector.multi_reduction <add>, %exp3A, %reduce_sum3A [1] : vector<400x128xf32> to vector<400xf32>
    %broadcast_in_dim3A_57 = vector.shape_cast %reduce_sum3A_56 : vector<400xf32> to vector<400x1xf32>
    %log3A = math.log %broadcast_in_dim3A_57 : vector<400x1xf32>
    %sub3A_58 = vector.broadcast %log3A : vector<400x1xf32> to vector<400x128xf32>
    %sub3A_59 = arith.subf %sub3A_55, %sub3A_58 : vector<400x128xf32>
    %swap3A = arith.constant 0 : index
    %swap3A_60 = arith.constant 0 : index
    %swap3A_61 = vector.load %arg5[%swap3A, %swap3A_60] : memref<400x128xf32, #tpu.memory_space<vmem>>, vector<400x128xf32>
    tpu.vector_store %arg5[%swap3A, %swap3A_60], %sub3A_59 {strides = array<i32>} : memref<400x128xf32, #tpu.memory_space<vmem>>, vector<400x128xf32>,
    return
  }
  func.func @transform_0(%arg0: i32) -> (i32, i32, i32) {
    %c0_i32 = arith.constant 0 : i32
    %c0_i32_0 = arith.constant 0 : i32
    %c0_i32_1 = arith.constant 0 : i32
    return %c0_i32, %arg0, %c0_i32_0 : i32, i32, i32
  }
  func.func @transform_1(%arg0: i32) -> (i32, i32) {
    %c0_i32 = arith.constant 0 : i32
    %c0_i32_0 = arith.constant 0 : i32
    %c0_i32_1 = arith.constant 0 : i32
    return %c0_i32, %c0_i32_0 : i32, i32
  }
  func.func @transform_2(%arg0: i32) -> (i32, i32, i32) {
    %c0_i32 = arith.constant 0 : i32
    %c0_i32_0 = arith.constant 0 : i32
    %c0_i32_1 = arith.constant 0 : i32
    %c0_i32_2 = arith.constant 0 : i32
    return %c0_i32, %c0_i32_0, %c0_i32_1 : i32, i32, i32
  }
  func.func @transform_3(%arg0: i32) -> (i32, i32, i32) {
    %c0_i32 = arith.constant 0 : i32
    %c0_i32_0 = arith.constant 0 : i32
    %c0_i32_1 = arith.constant 0 : i32
    %c0_i32_2 = arith.constant 0 : i32
    return %c0_i32, %c0_i32_0, %c0_i32_1 : i32, i32, i32
  }
  func.func @transform_4(%arg0: i32) -> (i32, i32) {
    %c0_i32 = arith.constant 0 : i32
    %c0_i32_0 = arith.constant 0 : i32
    return %arg0, %c0_i32 : i32, i32
  }
}

module attributes {stable_mosaic.version = 14 : i64} {
  func.func @_mm_pair_body(%arg0: i32, %arg1: memref<400x128xf32, #tpu.memory_space<vmem>>, %arg2: memref<128x128xf32, #tpu.memory_space<vmem>>, %arg3: memref<128x128xf32, #tpu.memory_space<vmem>>, %arg4: memref<400x128xf32, #tpu.memory_space<vmem>>, %arg5: memref<400x128xf32, #tpu.memory_space<vmem>>) attributes {dimension_semantics = [#tpu.dimension_semantics<arbitrary>], iteration_bounds = array<i64: 26>, scalar_prefetch = 0 : i64, scratch_operands = 0 : i64, tpu.core_type = #tpu.core_type<tc>, window_params = [{transform_indices = @transform_0, window_bounds = array<i64: 400, 128>}, {pipeline_mode = #tpu.pipeline_mode<synchronous>, transform_indices = @transform_1, window_bounds = array<i64: 128, 128>}, {pipeline_mode = #tpu.pipeline_mode<synchronous>, transform_indices = @transform_2, window_bounds = array<i64: 128, 128>}, {transform_indices = @transform_3, window_bounds = array<i64: 400, 128>}, {transform_indices = @transform_4, window_bounds = array<i64: 400, 128>}]} {
    %get3A = arith.constant 0 : index
    %get3A_0 = arith.constant 0 : index
    %get3A_1 = vector.load %arg1[%get3A, %get3A_0] : memref<400x128xf32, #tpu.memory_space<vmem>>, vector<400x128xf32>
    %get3A_2 = arith.constant 0 : index
    %get3A_3 = arith.constant 0 : index
    %get3A_4 = vector.load %arg2[%get3A_2, %get3A_3] : memref<128x128xf32, #tpu.memory_space<vmem>>, vector<128x128xf32>
    %dot_general3A = arith.constant dense<0.000000e+00> : vector<400x128xf32>
    %dot_general3A_5 = tpu.matmul %get3A_1, %get3A_4, %dot_general3A {dimension_numbers = #tpu.dot_dimension_numbers<[1], [0], [0], [1], [0, 0, 1, 1], [], []>, transpose_lhs_hint = false} : vector<400x128xf32>, vector<128x128xf32>, vector<400x128xf32> -> vector<400x128xf32>
    %swap3A = arith.constant 0 : index
    %swap3A_6 = arith.constant 0 : index
    %swap3A_7 = vector.load %arg4[%swap3A, %swap3A_6] : memref<400x128xf32, #tpu.memory_space<vmem>>, vector<400x128xf32>
    tpu.vector_store %arg4[%swap3A, %swap3A_6], %dot_general3A_5 {strides = array<i32>} : memref<400x128xf32, #tpu.memory_space<vmem>>, vector<400x128xf32>,
    %get3A_8 = arith.constant 0 : index
    %get3A_9 = arith.constant 0 : index
    %get3A_10 = vector.load %arg3[%get3A_8, %get3A_9] : memref<128x128xf32, #tpu.memory_space<vmem>>, vector<128x128xf32>
    %dot_general3A_11 = arith.constant dense<0.000000e+00> : vector<400x128xf32>
    %dot_general3A_12 = tpu.matmul %get3A_1, %get3A_10, %dot_general3A_11 {dimension_numbers = #tpu.dot_dimension_numbers<[1], [0], [0], [1], [0, 0, 1, 1], [], []>, transpose_lhs_hint = false} : vector<400x128xf32>, vector<128x128xf32>, vector<400x128xf32> -> vector<400x128xf32>
    %swap3A_13 = arith.constant 0 : index
    %swap3A_14 = arith.constant 0 : index
    %swap3A_15 = vector.load %arg5[%swap3A_13, %swap3A_14] : memref<400x128xf32, #tpu.memory_space<vmem>>, vector<400x128xf32>
    tpu.vector_store %arg5[%swap3A_13, %swap3A_14], %dot_general3A_12 {strides = array<i32>} : memref<400x128xf32, #tpu.memory_space<vmem>>, vector<400x128xf32>,
    return
  }
  func.func @transform_0(%arg0: i32) -> (i32, i32) {
    %min3A = arith.constant 24 : i32
    %min3A_0 = arith.minsi %arg0, %min3A : i32
    %c0_i32 = arith.constant 0 : i32
    %c0_i32_1 = arith.constant 0 : i32
    return %min3A_0, %c0_i32 : i32, i32
  }
  func.func @transform_1(%arg0: i32) -> (i32, i32) {
    %c0_i32 = arith.constant 0 : i32
    %c0_i32_0 = arith.constant 0 : i32
    %c0_i32_1 = arith.constant 0 : i32
    return %c0_i32, %c0_i32_0 : i32, i32
  }
  func.func @transform_2(%arg0: i32) -> (i32, i32) {
    %c0_i32 = arith.constant 0 : i32
    %c0_i32_0 = arith.constant 0 : i32
    %c0_i32_1 = arith.constant 0 : i32
    return %c0_i32, %c0_i32_0 : i32, i32
  }
  func.func @transform_3(%arg0: i32) -> (i32, i32) {
    %c0_i32 = arith.constant 0 : i32
    %c0_i32_0 = arith.constant 0 : i32
    return %arg0, %c0_i32 : i32, i32
  }
  func.func @transform_4(%arg0: i32) -> (i32, i32) {
    %c0_i32 = arith.constant 0 : i32
    %c0_i32_0 = arith.constant 0 : i32
    return %arg0, %c0_i32 : i32, i32
  }
}

</mosaic_0001>

<sc_bundles>
// kernel: kernel.10.cloned.1.call-start
scs
__scs_entry_jumppad:
0x0: {  	(pc) =	sbr.rel $0x88, $3  }
0x1: {  	(tag) =	ssettag $0x0;
	lr =	simm.s32 $0x1  }
0x2: {  	[smem:$0x3F97] =	sst lr;
	_ =	strace $0xD0000000  }
0x3: {  	_ = 	snop  }
0x4: {  	_ = 	snop  }
0x5: {  	_ = 	snop  }
0x6: {  	_ = 	snop  }
0x7: {  	_ = 	snop  }
__scs_overlays_trampoline_lowered:
0x8: {  	[smem:$0x3FA6] =	sst s0  }
0x9: {  	[smem:$0x3FA7] =	sst s1  }
0xa: {  	[smem:$0x3FA8] =	sst s2  }
0xb: {  	[smem:$0x3FA9] =	sst s3  }
0xc: {  	[smem:$0x3FAA] =	sst s4  }
0xd: {  	[smem:$0x3FAB] =	sst s5  }
0xe: {  	[smem:$0x3FAC] =	sst s6  }
0xf: {  	[smem:$0x3FAD] =	sst s7  }
0x10: {  	[smem:$0x3FAE] =	sst s8  }
0x11: {  	[smem:$0x3FAF] =	sst s9;
	s0 =	simm.s32 @!p0 $0x0  }
0x12: {  	s1 =	sld [smem:$0x3F95];
	s0 =	simm.s32 @p0 $0x1  }
0x13: {  	[smem:$0x3FB0] =	sst s0;
	s0 =	simm.s32 @!p1 $0x0  }
0x14: {  	s2 =	sld [smem:$0x3F94];
	s0 =	simm.s32 @p1 $0x1  }
0x15: {  	[smem:$0x3FB1] =	sst s0;
	s0 =	simm.s32 @!p2 $0x0  }
0x16: {  	s3 =	sld [smem:$0x3FDB];
	s0 =	simm.s32 @p2 $0x1  }
0x17: {  	s4 =	simm.s32 $0x1BF5;
	[smem:$0x3FB3] =	sst s0  }
0x18: {  	s0 =	sld [smem:$0x3F96];
	_ =	swait.ge [sflag:s4], $0x0  }
0x19: {  	s7 =	sld [smem:$0x3F97]  }
0x1a: {  	s8 =	sadd.s32 $0xFFFFE003, lr  }
0x1b: {  	s9 =	sadd.s32 $0xFFFFFEF7, lr;
	s5 =	simm.s32 $0xFFFFFFFF;
	p2 =	slt.u32 s8, $0xFFFFF086  }
0x1c: {  	p1 =	slt.u32 s9, $0xF7A;
	s5 =	simm.s32 @!p2 $0x0  }
0x1d: {  	s5 =	simm.s32 @p1 $0x1;
	p0 =	seq.s32 s7, s2  }
0x1e: {  	s7 =	smul.u32 @!p0 $0xF7A, s2;
	p2 =	seq.s32 @!p0 s5, $0x0  }
0x1f: {  	s9 =	smul.u32 $0xF7A, s1;
	s8 =	simm.s32 @!p0 $0x1BF5;
	p2 =	por !p2, p0  }
0x20: {  	[sflag:s8] =	ssyncset.s32 @!p0 $0xFFFFF086;
	s6 =	sadd.s32 @!p0 s3, s7;
	s7 =	simm.s32 @!p0 $0x108  }
0x21: {  	s3 =	sadd.s32 s3, s9;
	s6 =	sadd.s32 @!p0 $0x88, s6;
	s7 =	simm.s32 @p2 $0x1082  }
0x22: {  	[simem:s7], [sflag:s8] =	dma.local @!p0 [hbm:s6], $0xF7A  }
0x23: {  	s9 =	sor.u32 $0xD0000000, s2;
	s6 =	simm.s32 $0x108;
	_ =	swait.ge @!p0 [sflag:s8], $0x0  }
0x24: {  	s3 =	sadd.s32 $0x88, s3;
	s6 =	simm.s32 @!p1 $0x1082;
	[sflag:s4] =	ssyncset.s32 $0xFFFFF086  }
0x25: {  	[simem:s6], [sflag:s4] =	dma.local [hbm:s3], $0xF7A  }
0x26: {  	[smem:$0x3F97] =	sst s1;
	(tag) =	ssettag s2;
	_ =	strace s9  }
0x27: {  	s1 =	sld [smem:$0x3FA7]  }
0x28: {  	s2 =	sld [smem:$0x3FA8]  }
0x29: {  	s4 =	sld [smem:$0x3FAA]  }
0x2a: {  	p0 =	seq.s32 s5, $0x0;
	s5 =	sld [smem:$0x3FAB]  }
0x2b: {  	s6 =	sld [smem:$0x3FAC]  }
0x2c: {  	s7 =	sld [smem:$0x3FAD]  }
0x2d: {  	s3 =	simm.s32 $0x108;
	s8 =	sld [smem:$0x3FAE]  }
0x2e: {  	s3 =	simm.s32 @!p0 $0x1082;
	s9 =	sld [smem:$0x3FAF]  }
0x2f: {  	lr =	sadd.s32 s0, s3;
	s0 =	sld [smem:$0x3FA6]  }
0x30: {  	s3 =	sld [smem:$0x3FA9]  }
0x31: {  	[smem:$0x3FB2] =	sst s10  }
0x32: {  	s10 =	sld [smem:$0x3FB0];
	_ =	sdelay $0x3  }
0x33: {  	p0 =	seq.s32 s10, $0x1;
	s10 =	sld [smem:$0x3FB2];
	_ =	sdelay $0x3  }
0x34: {  	[smem:$0x3FB2] =	sst s10  }
0x35: {  	s10 =	sld [smem:$0x3FB1];
	_ =	sdelay $0x3  }
0x36: {  	p1 =	seq.s32 s10, $0x1;
	s10 =	sld [smem:$0x3FB2];
	_ =	sdelay $0x3  }
0x37: {  	[smem:$0x3FB2] =	sst s10  }
0x38: {  	s10 =	sld [smem:$0x3FB3]  }
0x39: {  	_ = 	snop;
	(pc) =	sbr.ind lr, $3  }
0x3a: {  	_ = 	snop  }
0x3b: {  	_ = 	snop  }
0x3c: {  	p2 =	seq.s32 s10, $0x1;
	s10 =	sld [smem:$0x3FB2]  }
0x3d: {  	_ =	shalt  }
0x3e: {  	_ =	shalt  }
0x3f: {  	_ =	shalt  }
0x40: {  	_ =	shalt  }
0x41: {  	_ =	shalt  }
0x42: {  	_ =	shalt  }
0x43: {  	_ =	shalt  }
0x44: {  	_ =	shalt  }
0x45: {  	_ =	shalt  }
0x46: {  	_ =	shalt  }
0x47: {  	_ =	shalt  }
0x48: {  	_ =	shalt  }
0x49: {  	_ =	shalt  }
0x4a: {  	_ =	shalt  }
0x4b: {  	_ =	shalt  }
0x4c: {  	_ =	shalt  }
0x4d: {  	_ =	shalt  }
0x4e: {  	_ =	shalt  }
0x4f: {  	_ =	shalt  }
0x50: {  	_ =	shalt  }
0x51: {  	_ =	shalt  }
0x52: {  	_ =	shalt  }
0x53: {  	_ =	shalt  }
0x54: {  	_ =	shalt  }
0x55: {  	_ =	shalt  }
0x56: {  	_ =	shalt  }
0x57: {  	_ =	shalt  }
0x58: {  	_ =	shalt  }
0x59: {  	_ =	shalt  }
0x5a: {  	_ =	shalt  }
0x5b: {  	_ =	shalt  }
0x5c: {  	_ =	shalt  }
0x5d: {  	_ =	shalt  }
0x5e: {  	_ =	shalt  }
0x5f: {  	_ =	shalt  }
0x60: {  	_ =	shalt  }
0x61: {  	_ =	shalt  }
0x62: {  	_ =	shalt  }
0x63: {  	_ =	shalt  }
0x64: {  	_ =	shalt  }
0x65: {  	_ =	shalt  }
0x66: {  	_ =	shalt  }
0x67: {  	_ =	shalt  }
0x68: {  	_ =	shalt  }
0x69: {  	_ =	shalt  }
0x6a: {  	_ =	shalt  }
0x6b: {  	_ =	shalt  }
0x6c: {  	_ =	shalt  }
0x6d: {  	_ =	shalt  }
0x6e: {  	_ =	shalt  }
0x6f: {  	_ =	shalt  }
0x70: {  	_ =	shalt  }
0x71: {  	_ =	shalt  }
0x72: {  	_ =	shalt  }
0x73: {  	_ =	shalt  }
0x74: {  	_ =	shalt  }
0x75: {  	_ =	shalt  }
0x76: {  	_ =	shalt  }
0x77: {  	_ =	shalt  }
0x78: {  	_ =	shalt  }
0x79: {  	_ =	shalt  }
0x7a: {  	_ =	shalt  }
0x7b: {  	_ =	shalt  }
0x7c: {  	_ =	shalt  }
0x7d: {  	_ =	shalt  }
0x7e: {  	_ =	shalt  }
0x7f: {  	_ =	shalt  }
0x80: {  	_ =	shalt  }
0x81: {  	_ =	shalt  }
0x82: {  	_ =	shalt  }
0x83: {  	_ =	shalt  }
0x84: {  	_ =	shalt  }
0x85: {  	_ =	shalt  }
0x86: {  	_ =	shalt  }
0x87: {  	_ =	shalt  }
.Lfunc_end0:
.L_simem_size_0:
called_computation.1_lowered:
.L_overlay_start_0:
0x88: {  	s2 =	sld [smem:$0x3FD9]  }
0x89: {  	s3 =	sld [smem:$0x3FFE];
	_ =	sdelay $0x1  }
0x8a: {  	s1 =	srdreg.scid  }
0x8b: {  	s0 =	sand.u32 $0x1, s1  }
0x8c: {  	s17 =	sshll.u32 s0, $0xA;
	s2 =	sadd.s32 s3, s2  }
0x8d: {  	s2 =	sadd.s32 s2, s17  }
0x8e: {  	[smem:$0x3FBE] =	sst s2  }
0x8f: {  	_ = 	snop  }
0x90: {  	s2 =	sld [smem:$0x3FC1]  }
0x91: {  	s18 =	sld [smem:$0x3FD0];
	(tm) =	ssettm $0x1  }
0x92: {  	s4 =	sld [smem:$0x3FFB];
	_ =	sdelay $0x3  }
0x93: {  	_ =	strace s4  }
0x94: {  	s4 =	sld [smem:$0x3FFC];
	_ =	sdelay $0x3  }
0x95: {  	_ =	strace s4  }
0x96: {  	s4 =	sld [smem:$0x3FFD];
	_ =	sdelay $0x3  }
0x97: {  	_ =	strace s4  }
0x98: {  	_ =	strace $0x8FFFFFFF  }
0x99: {  	s19 =	sld [smem:$0x3FDB];
	_ =	sdelay $0x1  }
0x9a: {  	s5 =	simm.s32 $_scs_section_size  }
0x9b: {  	s6 =	simm.s32 $_size__tile_overlayer_lowered;
	s7 =	simm.s32 $_tile_overlayer_lowered  }
0x9c: {  	s22 =	simm.s32 $0x1BFF;
	s21 =	sshll.u32 s7, $0x1;
	s4 =	sadd.s32 s5, s19  }
0x9d: {  	s8 =	simm.s32 $0x0;
	s20 =	sshll.u32 s6, $0x1;
	s6 =	sadd.s32 s21, s4  }
0x9e: {  	[timem:s8], [sflag:s22] =	dma.local [hbm:s6], s20  }
0x9f: {  	_ =	swait.ge [sflag:s22], s20  }
0xa0: {  	s5 =	ssub.s32 $0x0, s20;
	[sflag:s22] =	ssyncset.done $0x0  }
0xa1: {  	[sflag:s22] =	ssyncadd.s32 s5;
	_ =	sdelay $0x1  }
0xa2: {  	s23 =	simm.s32 $0x1B8B  }
0xa3: {  	_ =	swait.ge [sflag:s23], $0x1  }
0xa4: {  	[sflag:s23] =	ssyncset.done $0x0  }
0xa5: {  	s25 =	simm.s32 $0x1B8E;
	s24 =	sld [smem:$0x3FFE];
	[sflag:s23] =	ssyncadd.s32 $0xFFFFFFFF  }
0xa6: {  	s26 =	simm.s32 $execute0_lowered;
	[smem:$0x3FD2] =	sst s25  }
0xa7: {  	s6 =	sshll.u32 s26, $0x1;
	_ =	strace $0x80000049;
	[dreg:$0x1] =	wrdreg $0xFFFFFFFF  }
0xa8: {  	s28 =	simm.s32 $_size_execute0_lowered;
	s4 =	sadd.s32 s4, s6;
	[dreg:$0x0] =	wrdreg $0x0  }
0xa9: {  	s6 =	sshll.u32 s28, $0x1;
	[dreg:$0x2] =	wrdreg s4  }
0xaa: {  	[dreg:$0x3] =	wrdreg s6  }
0xab: {  	[dreg:$0x4] =	wrdreg $0xC0  }
0xac: {  	_ =	task [dreg:s8], $0x5FFFF  }
0xad: {  	[dreg:$0x1] =	wrdreg $0xFFFFFFFF  }
0xae: {  	[dreg:$0x0] =	wrdreg $0x60  }
0xaf: {  	[dreg:$0x2] =	wrdreg s24  }
0xb0: {  	[dreg:$0x3] =	wrdreg s18  }
0xb1: {  	[dreg:$0x4] =	wrdreg s2  }
0xb2: {  	[dreg:$0x5] =	wrdreg $0x66000  }
0xb3: {  	[dreg:$0x6] =	wrdreg $0x9  }
0xb4: {  	_ =	task.clear_ibuf [dreg:s8], $0x7FFFF;
	_ =	strace $0x90000049  }
0xb5: {  	s29 =	simm.s32 $0x9;
	_ =	strace $0x8000004B  }
0xb6: {  	_ =	swait.ge [sflag:s29], $0x1  }
0xb7: {  	[sflag:s29] =	ssyncadd.s32 $0xFFFFFFFF  }
0xb8: {  	_ =	strace $0x9000004B  }
0xb9: {  	_ =	sfence  }
0xba: {  	s30 =	sld [smem:$0x0];
	_ =	sdelay $0x2  }
0xbb: {  	s31 =	sshll.u32 s1, $0xD;
	s1 =	sshrl.u32 s1, $0x2  }
0xbc: {  	s3 =	sand.u32 $0x4000, s31;
	s1 =	sadd.s32 s1, s30  }
0xbd: {  	s0 =	sor.u32 s3, s0;
	s1 =	sshll.u32 s1, $0x11  }
0xbe: {  	s0 =	sor.u32 s1, s0  }
0xbf: {  	s0 =	sadd.s32 $0x8F2B, s0  }
0xc0: {  	[sflag:s0] =	ssyncadd.remote.s32 $0x1  }
0xc1: {  	_ =	sfence.sel $0xFFFF  }
0xc2: {  	[dreg:$0x0] =	wrdreg $0xFFFFFFFF;
	(pc) =	sbr.abs _section_cstart, $3  }
0xc3: {  	[dreg:$0x1] =	wrdreg $0xFFFFFFFF  }
0xc4: {  	_ =	task.clear_ibuf [dreg:s8], $0x2FFFF;
	_ =	strace $0x9FFFFFFF  }
0xc5: {  	(tm) =	ssettm $0x7FFFFFFF  }
tec
execute0_lowered:
.L_overlay_start_1:
0x0: {  	(tag) =	ssettag $0x1  }
0x1: {  	s0 =	rddreg [dreg:$0x0]  }
0x2: {  	s1 =	rddreg [dreg:$0x1]  }
0x3: {  	s3 =	rddreg [dreg:$0x3];
	s18 =	simm.s32 $0x0;
	s2 =	srdreg.scid  }
0x4: {  	s11 =	stileid.u32;
	s28 =	simm.s32 $0x4;
	s31 =	simm.s32 $0x0  }
0x5: {  	[smem:$0x7FF] =	sst s18;
	s2 =	sand.u32 $0x1, s2;
	s9 =	smul.u32 $0x50000, s11  }
0x6: {  	s5 =	smul.u32 $0x14000, s11;
	s6 =	sadd.s32 $0xC400, s0;
	s7 =	sadd.s32 $0x34E00, s0  }
0x7: {  	s8 =	sadd.s32 $0x2200, s0;
	s29 =	smul.u32 $0x286, s11;
	s9 =	sshrl.u32 s9, $0x2  }
0x8: {  	s4 =	smul.u32 $0x140000, s2;
	_ =	strace $0x8000004A;
	s24 =	sadd.s32 s9, s3  }
0x9: {  	s16 =	ssub.s32 $0x2, s2;
	s20 =	sadd.s32 $0x1000, s24;
	[dreg:$0x6] =	wrdreg s24  }
0xa: {  	s19 =	sshll.u32 s2, $0xB;
	s21 =	sadd.s32 $0x2000, s24;
	[dreg:$0x7] =	wrdreg s20  }
0xb: {  	s12 =	sshll.u32 s2, $0x6;
	s22 =	sadd.s32 $0x3000, s24;
	[dreg:$0x8] =	wrdreg s21  }
0xc: {  	s10 =	sshrl.u32 s16, $0x1;
	s23 =	sadd.s32 $0x4000, s24;
	[dreg:$0x9] =	wrdreg s22  }
0xd: {  	s14 =	sor.u32 $0x20, s12;
	s25 =	sadd.s32 $0x5000, s24;
	[dreg:$0xa] =	wrdreg s23  }
0xe: {  	s11 =	sor.u32 $0x400, s19;
	s26 =	sadd.s32 $0x6000, s24;
	[dreg:$0xb] =	wrdreg s25  }
0xf: {  	s4 =	sadd.s32 s5, s4;
	s30 =	sadd.s32 $0x7000, s24;
	[dreg:$0xc] =	wrdreg s26  }
0x10: {  	s17 =	ssub.s32 s16, s10;
	s9 =	sadd.s32 $0x8000, s24;
	[dreg:$0xd] =	wrdreg s30  }
0x11: {  	s5 =	sor.u32 $0x1020, s12;
	s10 =	sadd.s32 $0x9000, s24;
	[dreg:$0xe] =	wrdreg s9  }
0x12: {  	v0 =	vmov s14;
	s14 =	simm.s32 $0x5;
	s13 =	smax.u32 s17, $0x1;
	[dreg:$0xf] =	wrdreg s10  }
0x13: {  	s4 =	sshrl.u32 s4, $0x3;
	s15 =	sadd.s32 $0xA000, s24;
	[dreg:$0x11] =	wrdreg s13  }
0x14: {  	s16 =	sadd.s32 $0xB000, s24;
	s17 =	sadd.s32 $0xC000, s24;
	[dreg:$0x12] =	wrdreg s15  }
0x15: {  	s0 =	sadd.s32 s4, s0;
	s9 =	sor.u32 $0x4020, s12;
	[dreg:$0x13] =	wrdreg s16  }
0x16: {  	[dreg:$0x14] =	wrdreg s17;
	s20 =	sadd.s32 $0xD000, s24;
	s21 =	sadd.s32 $0xE000, s24  }
0x17: {  	s22 =	sadd.s32 $0xF000, s24;
	s23 =	sadd.s32 $0x10000, s24;
	[dreg:$0x15] =	wrdreg s20  }
0x18: {  	s25 =	sadd.s32 $0x11000, s24;
	s26 =	sadd.s32 $0x12000, s24;
	[dreg:$0x16] =	wrdreg s21  }
0x19: {  	s30 =	sadd.s32 $0x13000, s24;
	s4 =	sor.u32 $0x1, s29;
	[dreg:$0x17] =	wrdreg s22  }
0x1a: {  	s10 =	sor.u32 $0x200, s19;
	s13 =	simm.s32 $0x2000;
	[dreg:$0x18] =	wrdreg s23  }
0x1b: {  	s15 =	simm.s32 $0x6400;
	s16 =	simm.s32 $0x6480;
	[dreg:$0x19] =	wrdreg s25  }
0x1c: {  	v2 =	vimm.f32 $0.0e+00;
	vm0 =	vcmask $0x300;
	vm15 =	vcmask $0x704;
	s17 =	simm.s32 $0x20;
	s0 =	sadd.s32 $0x5D800, s0;
	[dreg:$0x1a] =	wrdreg s26  }
0x1d: {  	vm1 =	vcmask $0xB08;
	vm2 =	vcmask $0xF0C;
	v5 =	vsel vm0, $0x3F800000, v2;
	[dreg:$0x1b] =	wrdreg s30;
	s20 =	simm.s32 $0x1;
	s21 =	simm.s32 $0x2  }
0x1e: {  	v6 =	vsel vm15, $0x3F800000, v2;
	v7 =	vsel vm1, $0x3F800000, v2;
	v8 =	vsel vm2, $0x3F800000, v2;
	s22 =	simm.s32 $0x6500;
	[dreg:$0x10] =	wrdreg s0;
	s0 =	sor.u32 $0x3020, s12  }
0x1f: {  	v1 =	vmov s5;
	v4 =	vmov s9;
	s23 =	simm.s32 $0x6580;
	s26 =	simm.s32 $0x3;
	s12 =	sor.u32 $0x600, s19;
	v3 =	vmov s0  }
.LBB2_1:
0x20: {  	[dreg:$0x5] =	wrdreg s18;
	s2 =	simm.s32 $0x200;
	s0 =	simm.s32 $0x0  }
.LBB2_2:
0x21: {  	p0 =	sne.s32 s2, $0x3E00;
	[tilespmem:s0+$0x2040] =	vst v2;
	s5 =	smov.u32 s2;
	s2 =	sadd.s32 $0x200, s2  }
.Ltmp0:
0x22: {  	[tilespmem:s0+$0x2030] =	vst v2;
	(pc) =	sbr.rel @p0 .LBB2_2-.Ltmp0, $4  }
0x23: {  	[tilespmem:s0+$0x2020] =	vst v2  }
0x24: {  	[tilespmem:s0+$0x2000] =	vst v2  }
0x25: {  	[tilespmem:s0+$0x2010] =	vst v2  }
0x26: {  	s0 =	sshra.s32 s5, $0x2  }
0x27: {  	[tilespmem:s0+$0x2040] =	vst v2  }
0x28: {  	[tilespmem:s0+$0x2030] =	vst v2  }
0x29: {  	[tilespmem:s0+$0x2020] =	vst v2  }
0x2a: {  	[tilespmem:s0+$0x2000] =	vst v2  }
0x2b: {  	[tilespmem:s0+$0x2010] =	vst v2  }
0x2c: {  	[spmem:s24] =	stream.linear.scatter [tilespmem:s13], [sflag:$0x5], $0x1000, $0x38;
	[tilespmem:$0x12E00] =	vst v63  }
0x2d: {  	_ =	swait.ge [sflag:s14], $0x1000  }
0x2e: {  	[sflag:s14] =	ssyncset.done $0x0  }
0x2f: {  	s5 =	rddreg [dreg:$0x7];
	[sflag:s14] =	ssyncadd.s32 $0xFFFFF000  }
0x30: {  	[spmem:s5] =	stream.linear.scatter [tilespmem:s13], [sflag:$0x5], $0x1000, $0x38;
	[tilespmem:$0x12E00] =	vst v63  }
0x31: {  	_ =	swait.ge [sflag:s14], $0x1000  }
0x32: {  	[sflag:s14] =	ssyncset.done $0x0  }
0x33: {  	s9 =	rddreg [dreg:$0x8];
	[sflag:s14] =	ssyncadd.s32 $0xFFFFF000  }
0x34: {  	[spmem:s9] =	stream.linear.scatter [tilespmem:s13], [sflag:$0x5], $0x1000, $0x38;
	[tilespmem:$0x12E00] =	vst v63  }
0x35: {  	_ =	swait.ge [sflag:s14], $0x1000  }
0x36: {  	[sflag:s14] =	ssyncset.done $0x0  }
0x37: {  	s18 =	rddreg [dreg:$0x9];
	[sflag:s14] =	ssyncadd.s32 $0xFFFFF000  }
0x38: {  	[spmem:s18] =	stream.linear.scatter [tilespmem:s13], [sflag:$0x5], $0x1000, $0x38;
	[tilespmem:$0x12E00] =	vst v63  }
0x39: {  	_ =	swait.ge [sflag:s14], $0x1000  }
0x3a: {  	[sflag:s14] =	ssyncset.done $0x0  }
0x3b: {  	s24 =	rddreg [dreg:$0xa];
	[sflag:s14] =	ssyncadd.s32 $0xFFFFF000  }
0x3c: {  	[spmem:s24] =	stream.linear.scatter [tilespmem:s13], [sflag:$0x5], $0x1000, $0x38;
	[tilespmem:$0x12E00] =	vst v63  }
0x3d: {  	_ =	swait.ge [sflag:s14], $0x1000  }
0x3e: {  	[sflag:s14] =	ssyncset.done $0x0  }
0x3f: {  	s25 =	rddreg [dreg:$0xb];
	[sflag:s14] =	ssyncadd.s32 $0xFFFFF000  }
0x40: {  	[spmem:s25] =	stream.linear.scatter [tilespmem:s13], [sflag:$0x5], $0x1000, $0x38;
	[tilespmem:$0x12E00] =	vst v63  }
0x41: {  	_ =	swait.ge [sflag:s14], $0x1000  }
0x42: {  	[sflag:s14] =	ssyncset.done $0x0  }
0x43: {  	s30 =	rddreg [dreg:$0xc];
	[sflag:s14] =	ssyncadd.s32 $0xFFFFF000  }
0x44: {  	[spmem:s30] =	stream.linear.scatter [tilespmem:s13], [sflag:$0x5], $0x1000, $0x38;
	[tilespmem:$0x12E00] =	vst v63  }
0x45: {  	_ =	swait.ge [sflag:s14], $0x1000  }
0x46: {  	[sflag:s14] =	ssyncset.done $0x0  }
0x47: {  	s2 =	rddreg [dreg:$0xd];
	[sflag:s14] =	ssyncadd.s32 $0xFFFFF000  }
0x48: {  	[spmem:s2] =	stream.linear.scatter [tilespmem:s13], [sflag:$0x5], $0x1000, $0x38;
	[tilespmem:$0x12E00] =	vst v63  }
0x49: {  	_ =	swait.ge [sflag:s14], $0x1000  }
0x4a: {  	[sflag:s14] =	ssyncset.done $0x0  }
0x4b: {  	s5 =	rddreg [dreg:$0xe];
	[sflag:s14] =	ssyncadd.s32 $0xFFFFF000  }
0x4c: {  	[spmem:s5] =	stream.linear.scatter [tilespmem:s13], [sflag:$0x5], $0x1000, $0x38;
	[tilespmem:$0x12E00] =	vst v63  }
0x4d: {  	_ =	swait.ge [sflag:s14], $0x1000  }
0x4e: {  	[sflag:s14] =	ssyncset.done $0x0  }
0x4f: {  	s9 =	rddreg [dreg:$0xf];
	[sflag:s14] =	ssyncadd.s32 $0xFFFFF000  }
0x50: {  	[spmem:s9] =	stream.linear.scatter [tilespmem:s13], [sflag:$0x5], $0x1000, $0x38;
	[tilespmem:$0x12E00] =	vst v63  }
0x51: {  	_ =	swait.ge [sflag:s14], $0x1000  }
0x52: {  	[sflag:s14] =	ssyncset.done $0x0  }
0x53: {  	s18 =	rddreg [dreg:$0x12];
	[sflag:s14] =	ssyncadd.s32 $0xFFFFF000  }
0x54: {  	[spmem:s18] =	stream.linear.scatter [tilespmem:s13], [sflag:$0x5], $0x1000, $0x38;
	[tilespmem:$0x12E00] =	vst v63  }
0x55: {  	_ =	swait.ge [sflag:s14], $0x1000  }
0x56: {  	[sflag:s14] =	ssyncset.done $0x0  }
0x57: {  	s24 =	rddreg [dreg:$0x13];
	[sflag:s14] =	ssyncadd.s32 $0xFFFFF000  }
0x58: {  	[spmem:s24] =	stream.linear.scatter [tilespmem:s13], [sflag:$0x5], $0x1000, $0x38;
	[tilespmem:$0x12E00] =	vst v63  }
0x59: {  	_ =	swait.ge [sflag:s14], $0x1000  }
0x5a: {  	[sflag:s14] =	ssyncset.done $0x0  }
0x5b: {  	s25 =	rddreg [dreg:$0x14];
	[sflag:s14] =	ssyncadd.s32 $0xFFFFF000  }
0x5c: {  	[spmem:s25] =	stream.linear.scatter [tilespmem:s13], [sflag:$0x5], $0x1000, $0x38;
	[tilespmem:$0x12E00] =	vst v63  }
0x5d: {  	_ =	swait.ge [sflag:s14], $0x1000  }
0x5e: {  	[sflag:s14] =	ssyncset.done $0x0  }
0x5f: {  	s30 =	rddreg [dreg:$0x15];
	[sflag:s14] =	ssyncadd.s32 $0xFFFFF000  }
0x60: {  	[spmem:s30] =	stream.linear.scatter [tilespmem:s13], [sflag:$0x5], $0x1000, $0x38;
	[tilespmem:$0x12E00] =	vst v63  }
0x61: {  	_ =	swait.ge [sflag:s14], $0x1000  }
0x62: {  	[sflag:s14] =	ssyncset.done $0x0  }
0x63: {  	s2 =	rddreg [dreg:$0x16];
	[sflag:s14] =	ssyncadd.s32 $0xFFFFF000  }
0x64: {  	[spmem:s2] =	stream.linear.scatter [tilespmem:s13], [sflag:$0x5], $0x1000, $0x38;
	[tilespmem:$0x12E00] =	vst v63  }
0x65: {  	_ =	swait.ge [sflag:s14], $0x1000  }
0x66: {  	[sflag:s14] =	ssyncset.done $0x0  }
0x67: {  	s5 =	rddreg [dreg:$0x17];
	[sflag:s14] =	ssyncadd.s32 $0xFFFFF000  }
0x68: {  	[spmem:s5] =	stream.linear.scatter [tilespmem:s13], [sflag:$0x5], $0x1000, $0x38;
	[tilespmem:$0x12E00] =	vst v63  }
0x69: {  	_ =	swait.ge [sflag:s14], $0x1000  }
0x6a: {  	[sflag:s14] =	ssyncset.done $0x0  }
0x6b: {  	s9 =	rddreg [dreg:$0x18];
	[sflag:s14] =	ssyncadd.s32 $0xFFFFF000  }
0x6c: {  	[spmem:s9] =	stream.linear.scatter [tilespmem:s13], [sflag:$0x5], $0x1000, $0x38;
	[tilespmem:$0x12E00] =	vst v63  }
0x6d: {  	_ =	swait.ge [sflag:s14], $0x1000  }
0x6e: {  	[sflag:s14] =	ssyncset.done $0x0  }
0x6f: {  	s18 =	rddreg [dreg:$0x19];
	[sflag:s14] =	ssyncadd.s32 $0xFFFFF000  }
0x70: {  	[spmem:s18] =	stream.linear.scatter [tilespmem:s13], [sflag:$0x5], $0x1000, $0x38;
	[tilespmem:$0x12E00] =	vst v63  }
0x71: {  	_ =	swait.ge [sflag:s14], $0x1000  }
0x72: {  	[sflag:s14] =	ssyncset.done $0x0  }
0x73: {  	s24 =	rddreg [dreg:$0x1a];
	[sflag:s14] =	ssyncadd.s32 $0xFFFFF000  }
0x74: {  	[spmem:s24] =	stream.linear.scatter [tilespmem:s13], [sflag:$0x5], $0x1000, $0x38;
	[tilespmem:$0x12E00] =	vst v63  }
0x75: {  	_ =	swait.ge [sflag:s14], $0x1000  }
0x76: {  	[sflag:s14] =	ssyncset.done $0x0  }
0x77: {  	s25 =	rddreg [dreg:$0x1b];
	[sflag:s14] =	ssyncadd.s32 $0xFFFFF000  }
0x78: {  	[spmem:s25] =	stream.linear.scatter [tilespmem:s13], [sflag:$0x5], $0x1000, $0x38;
	[tilespmem:$0x12E00] =	vst v63  }
0x79: {  	_ =	swait.ge [sflag:s14], $0x1000  }
0x7a: {  	[sflag:s14] =	ssyncset.done $0x0  }
0x7b: {  	[sflag:s14] =	ssyncadd.s32 $0xFFFFF000  }
0x7c: {  	[bflag:$0x0] =	sbarrier.arrive $0xFFFF  }
0x7d: {  	s2 =	simm.s32 $0x6000;
	s30 =	rddreg [dreg:$0x2]  }
0x7e: {  	[tilespmem:s2], [sflag:$0x5] =	stream.linear.gather [hbm4b:s30+s31], $0x400, $0x38;
	[tilespmem:$0x12E00] =	vst v63  }
0x7f: {  	_ =	swait.ge [sflag:s14], $0x400  }
0x80: {  	[sflag:s14] =	ssyncset.done $0x0  }
0x81: {  	s0 =	simm.s32 $0x0;
	[sflag:s14] =	ssyncadd.s32 $0xFFFFFC00  }
.LBB2_4:
0x82: {  	s2 =	sshll.u32 s0, $0x1  }
0x83: {  	s5 =	sadd.s32 s29, s2  }
0x84: {  	s5 =	sshll.u32 s5, $0x2  }
0x85: {  	s9 =	sadd.s32 s1, s5  }
0x86: {  	[tilespmem:s15], [sflag:$0x5] =	stream.linear.gather [hbm4b:s9+s31], $0x20, $0x38;
	[tilespmem:$0x12E00] =	vst v63  }
0x87: {  	_ =	swait.ge [sflag:s14], $0x20  }
0x88: {  	[sflag:s14] =	ssyncset.done $0x0  }
0x89: {  	s5 =	sadd.s32 s8, s5;
	[sflag:s14] =	ssyncadd.s32 $0xFFFFFFE0  }
0x8a: {  	[tilespmem:s16], [sflag:$0x5] =	stream.linear.gather [hbm4b:s5+s31], $0x20, $0x38;
	[tilespmem:$0x12E00] =	vst v63  }
0x8b: {  	_ =	swait.ge [sflag:s14], $0x20  }
0x8c: {  	[sflag:s14] =	ssyncset.done $0x0  }
0x8d: {  	[sflag:s14] =	ssyncadd.s32 $0xFFFFFFE0  }
0x8e: {  	[tilespmem:s31], [sflag:$0x1] =	stream.indirect.gather [hbm4b:s6+s17], $0x80, s15, s17, $0xb8;
	[tilespmem:$0x12E00] =	vst v63  }
0x8f: {  	s18 =	simm.s32 $0x1000  }
0x90: {  	[tilespmem:s18], [sflag:$0x2] =	stream.indirect.gather [hbm4b:s7+s17], $0x80, s16, s17, $0xb8;
	[tilespmem:$0x12E00] =	vst v63  }
0x91: {  	_ =	swait.ge [sflag:s20], $0x1000  }
0x92: {  	[sflag:s20] =	ssyncset.done $0x0  }
0x93: {  	[sflag:s20] =	ssyncadd.s32 $0xFFFFF000  }
0x94: {  	s2 =	sadd.s32 s2, s4;
	_ =	swait.ge [sflag:s21], $0x1000  }
0x95: {  	s2 =	sshll.u32 s2, $0x2;
	[sflag:s21] =	ssyncset.done $0x0  }
0x96: {  	s24 =	sadd.s32 s1, s2;
	[sflag:s21] =	ssyncadd.s32 $0xFFFFF000  }
0x97: {  	[tilespmem:s22], [sflag:$0x5] =	stream.linear.gather [hbm4b:s24+s31], $0x20, $0x38;
	[tilespmem:$0x12E00] =	vst v63  }
0x98: {  	_ =	swait.ge [sflag:s14], $0x20  }
0x99: {  	[sflag:s14] =	ssyncset.done $0x0  }
0x9a: {  	s2 =	sadd.s32 s8, s2;
	[sflag:s14] =	ssyncadd.s32 $0xFFFFFFE0  }
0x9b: {  	[tilespmem:s23], [sflag:$0x5] =	stream.linear.gather [hbm4b:s2+s31], $0x20, $0x38;
	[tilespmem:$0x12E00] =	vst v63  }
0x9c: {  	_ =	swait.ge [sflag:s14], $0x20  }
0x9d: {  	[sflag:s14] =	ssyncset.done $0x0  }
0x9e: {  	s25 =	simm.s32 $0x3000;
	[sflag:s14] =	ssyncadd.s32 $0xFFFFFFE0  }
0x9f: {  	[tilespmem:s25], [sflag:$0x3] =	stream.indirect.gather [hbm4b:s6+s17], $0x80, s22, s17, $0xb8;
	[tilespmem:$0x12E00] =	vst v63  }
0xa0: {  	s30 =	simm.s32 $0x4000;
	s24 =	simm.s32 $0x0  }
0xa1: {  	[tilespmem:s30], [sflag:$0x4] =	stream.indirect.gather [hbm4b:s7+s17], $0x80, s23, s17, $0xb8;
	[tilespmem:$0x12E00] =	vst v63  }
0xa2: {  	v9 =	vld.idx.msk [tilespmem:v0+s24+$0xFFFFFFE0 ss:$0x1], $0xffff  }
0xa3: {  	v10 =	vld.idx.msk [tilespmem:v1+s24+$0xFFFFFFE0 ss:$0x1], $0xffff;
	_ =	sdelay $0x3  }
0xa4: {  	s2 =	sshrl.u32 s19, $0x2  }
0xa5: {  	v11 =	vld [tilespmem:s2+$0x6000];
	v10 =	vadd.f32 v10, v9;
	_ =	sdelay $0x1  }
0xa6: {  	v12 =	vmul.f32 $2.000000030e-01, v10  }
0xa7: {  	vm0 =	vgt.f32 v10, $0.0e+00  }
0xa8: {  	v10 =	vsel vm0, v10, v12  }
0xa9: {  	v10 =	vmul.f32 v10, v11;
	_ =	sdelay $0x1  }
0xaa: {  	(xrf2) =	vadd.scan.msk.f32 $0xffff, v10;
	_ =	sdelay $0x9  }
0xab: {  	v10, _, _ =	vpop (xrf2)  }
0xac: {  	v10 =	vmul.f32 $1.442695020e+00, v10;
	_ =	sdelay $0x1  }
0xad: {  	v10 =	vbroadcast v10, $0xF;
	_ =	sdelay $0x1  }
0xae: {  	(erf) = vpow2.f32 v10;
	_ =	sdelay $0x8  }
0xaf: {  	v11 =	vpop (erf)  }
0xb0: {  	v9 =	vmul.f32 v11, v9;
	_ =	sdelay $0x1  }
0xb1: {  	[tilespmem:s24+$0x2000] =	vst v9  }
0xb2: {  	v9 =	vld.idx.msk [tilespmem:v0+s24+$0xFFFFFFF0 ss:$0x1], $0xffff  }
0xb3: {  	v10 =	vld.idx.msk [tilespmem:v1+s24+$0xFFFFFFF0 ss:$0x1], $0xffff;
	_ =	sdelay $0x3  }
0xb4: {  	s9 =	sshrl.u32 s10, $0x2  }
0xb5: {  	v58 =	vld [tilespmem:s9+$0x6000];
	v10 =	vadd.f32 v10, v9;
	_ =	sdelay $0x1  }
0xb6: {  	v13 =	vmul.f32 $2.000000030e-01, v10  }
0xb7: {  	vm13 =	vgt.f32 v10, $0.0e+00  }
0xb8: {  	v10 =	vsel vm13, v10, v13  }
0xb9: {  	v10 =	vmul.f32 v10, v58;
	_ =	sdelay $0x1  }
0xba: {  	(xrf2) =	vadd.scan.msk.f32 $0xffff, v10;
	_ =	sdelay $0x9  }
0xbb: {  	v10, _, _ =	vpop (xrf2)  }
0xbc: {  	v10 =	vmul.f32 $1.442695020e+00, v10;
	_ =	sdelay $0x1  }
0xbd: {  	v10 =	vbroadcast v10, $0xF;
	_ =	sdelay $0x1  }
0xbe: {  	(erf) = vpow2.f32 v10;
	_ =	sdelay $0x8  }
0xbf: {  	v59 =	vpop (erf)  }
0xc0: {  	v9 =	vmul.f32 v59, v9;
	_ =	sdelay $0x1  }
0xc1: {  	[tilespmem:s24+$0x2010] =	vst v9  }
0xc2: {  	v9 =	vld.idx.msk [tilespmem:v0+s24+$0x0 ss:$0x1], $0xffff  }
0xc3: {  	v10 =	vld.idx.msk [tilespmem:v1+s24+$0x0 ss:$0x1], $0xffff;
	_ =	sdelay $0x3  }
0xc4: {  	s5 =	sshrl.u32 s11, $0x2  }
0xc5: {  	v60 =	vld [tilespmem:s5+$0x6000];
	v10 =	vadd.f32 v10, v9;
	_ =	sdelay $0x1  }
0xc6: {  	v14 =	vmul.f32 $2.000000030e-01, v10  }
0xc7: {  	vm14 =	vgt.f32 v10, $0.0e+00  }
0xc8: {  	v10 =	vsel vm14, v10, v14  }
0xc9: {  	v10 =	vmul.f32 v10, v60;
	_ =	sdelay $0x1  }
0xca: {  	(xrf2) =	vadd.scan.msk.f32 $0xffff, v10;
	_ =	sdelay $0x9  }
0xcb: {  	v10, _, _ =	vpop (xrf2)  }
0xcc: {  	v10 =	vmul.f32 $1.442695020e+00, v10;
	_ =	sdelay $0x1  }
0xcd: {  	v10 =	vbroadcast v10, $0xF;
	_ =	sdelay $0x1  }
0xce: {  	(erf) = vpow2.f32 v10;
	_ =	sdelay $0x8  }
0xcf: {  	v61 =	vpop (erf)  }
0xd0: {  	v9 =	vmul.f32 v61, v9;
	_ =	sdelay $0x1  }
0xd1: {  	[tilespmem:s24+$0x2020] =	vst v9  }
0xd2: {  	v10 =	vld.idx.msk [tilespmem:v0+s24+$0x10 ss:$0x1], $0xffff  }
0xd3: {  	v9 =	vld.idx.msk [tilespmem:v1+s24+$0x10 ss:$0x1], $0xffff;
	_ =	sdelay $0x3  }
0xd4: {  	s18 =	sshrl.u32 s12, $0x2  }
0xd5: {  	v62 =	vld [tilespmem:s18+$0x6000];
	v9 =	vadd.f32 v9, v10;
	_ =	sdelay $0x1  }
0xd6: {  	v15 =	vmul.f32 $2.000000030e-01, v9  }
0xd7: {  	vm15 =	vgt.f32 v9, $0.0e+00  }
0xd8: {  	v9 =	vsel vm15, v9, v15  }
0xd9: {  	v9 =	vmul.f32 v9, v62;
	_ =	sdelay $0x1  }
0xda: {  	(xrf2) =	vadd.scan.msk.f32 $0xffff, v9;
	_ =	sdelay $0x9  }
0xdb: {  	v9, _, _ =	vpop (xrf2)  }
0xdc: {  	v9 =	vmul.f32 $1.442695020e+00, v9;
	_ =	sdelay $0x1  }
0xdd: {  	v9 =	vbroadcast v9, $0xF;
	_ =	sdelay $0x1  }
0xde: {  	(erf) = vpow2.f32 v9;
	_ =	sdelay $0x2  }
0xdf: {  	v9 =	vmul.f32 v5, v11;
	_ =	sdelay $0x1  }
0xe0: {  	v11 =	vmul.f32 v6, v59;
	v9 =	vadd.f32 $0.0e+00, v9;
	_ =	sdelay $0x1  }
0xe1: {  	v63 =	vmul.f32 v7, v61;
	v9 =	vadd.f32 v11, v9;
	_ =	sdelay $0x1  }
0xe2: {  	s25 =	simm.s32 $0x200;
	v9 =	vadd.f32 v63, v9;
	v11 =	vpop (erf)  }
.LBB2_5:
0xe3: {  	p0 =	sne.s32 s25, $0x3E00;
	v10 =	vmul.f32 v11, v10;
	v11 =	vmul.f32 v8, v11;
	s30 =	smov.u32 s25;
	s25 =	sadd.s32 $0x200, s25  }
0xe4: {  	_ = 	snop  }
0xe5: {  	[tilespmem:s24+$0x2030] =	vst v10;
	v9 =	vadd.f32 v11, v9;
	_ =	sdelay $0x1  }
0xe6: {  	[tilespmem:s24+$0x2040] =	vst v9;
	s24 =	sshra.s32 s30, $0x2  }
0xe7: {  	v9 =	vld.idx.msk [tilespmem:v0+s24+$0xFFFFFFE0 ss:$0x1], $0xffff  }
0xe8: {  	v10 =	vld.idx.msk [tilespmem:v1+s24+$0xFFFFFFE0 ss:$0x1], $0xffff;
	_ =	sdelay $0x4  }
0xe9: {  	v11 =	vld [tilespmem:s2+$0x6000]  }
0xea: {  	v10 =	vadd.f32 v10, v9;
	_ =	sdelay $0x1  }
0xeb: {  	vm0 =	vgt.f32 v10, $0.0e+00;
	v12 =	vmul.f32 $2.000000030e-01, v10;
	_ =	sdelay $0x1  }
0xec: {  	v10 =	vsel vm0, v10, v12  }
0xed: {  	v10 =	vmul.f32 v10, v11;
	_ =	sdelay $0x1  }
0xee: {  	(xrf2) =	vadd.scan.msk.f32 $0xffff, v10;
	_ =	sdelay $0x9  }
0xef: {  	v10, _, _ =	vpop (xrf2)  }
0xf0: {  	v10 =	vmul.f32 $1.442695020e+00, v10;
	_ =	sdelay $0x1  }
0xf1: {  	v10 =	vbroadcast v10, $0xF;
	_ =	sdelay $0x1  }
0xf2: {  	(erf) = vpow2.f32 v10;
	_ =	sdelay $0x8  }
0xf3: {  	v10 =	vpop (erf)  }
0xf4: {  	v11 =	vmul.f32 v10, v9;
	v9 =	vmul.f32 v5, v10;
	_ =	sdelay $0x1  }
0xf5: {  	[tilespmem:s24+$0x2000] =	vst v11  }
0xf6: {  	v10 =	vld.idx.msk [tilespmem:v0+s24+$0xFFFFFFF0 ss:$0x1], $0xffff  }
0xf7: {  	v11 =	vld.idx.msk [tilespmem:v1+s24+$0xFFFFFFF0 ss:$0x1], $0xffff;
	_ =	sdelay $0x3  }
0xf8: {  	v12 =	vld [tilespmem:s9+$0x6000];
	_ =	sdelay $0x1  }
0xf9: {  	v11 =	vadd.f32 v11, v10;
	_ =	sdelay $0x1  }
0xfa: {  	vm0 =	vgt.f32 v11, $0.0e+00;
	v13 =	vmul.f32 $2.000000030e-01, v11;
	_ =	sdelay $0x1  }
0xfb: {  	v11 =	vsel vm0, v11, v13  }
0xfc: {  	v11 =	vmul.f32 v11, v12;
	_ =	sdelay $0x1  }
0xfd: {  	(xrf2) =	vadd.scan.msk.f32 $0xffff, v11;
	_ =	sdelay $0x9  }
0xfe: {  	v11, _, _ =	vpop (xrf2)  }
0xff: {  	v11 =	vmul.f32 $1.442695020e+00, v11;
	_ =	sdelay $0x1  }
0x100: {  	v11 =	vbroadcast v11, $0xF;
	_ =	sdelay $0x1  }
0x101: {  	(erf) = vpow2.f32 v11;
	_ =	sdelay $0x8  }
0x102: {  	v11 =	vpop (erf)  }
0x103: {  	v10 =	vmul.f32 v11, v10;
	v11 =	vmul.f32 v6, v11;
	_ =	sdelay $0x1  }
0x104: {  	[tilespmem:s24+$0x2010] =	vst v10  }
0x105: {  	v10 =	vld.idx.msk [tilespmem:v0+s24+$0x0 ss:$0x1], $0xffff  }
0x106: {  	v12 =	vld.idx.msk [tilespmem:v1+s24+$0x0 ss:$0x1], $0xffff;
	_ =	sdelay $0x2  }
0x107: {  	v13 =	vld [tilespmem:s5+$0x6000];
	_ =	sdelay $0x2  }
0x108: {  	v12 =	vadd.f32 v12, v10;
	_ =	sdelay $0x1  }
0x109: {  	vm0 =	vgt.f32 v12, $0.0e+00;
	v14 =	vmul.f32 $2.000000030e-01, v12;
	_ =	sdelay $0x1  }
0x10a: {  	v12 =	vsel vm0, v12, v14  }
0x10b: {  	v12 =	vmul.f32 v12, v13;
	_ =	sdelay $0x1  }
0x10c: {  	(xrf2) =	vadd.scan.msk.f32 $0xffff, v12;
	_ =	sdelay $0x9  }
0x10d: {  	v12, _, _ =	vpop (xrf2)  }
0x10e: {  	v12 =	vmul.f32 $1.442695020e+00, v12;
	_ =	sdelay $0x1  }
0x10f: {  	v12 =	vbroadcast v12, $0xF;
	_ =	sdelay $0x1  }
0x110: {  	(erf) = vpow2.f32 v12;
	_ =	sdelay $0x8  }
0x111: {  	v12 =	vpop (erf)  }
0x112: {  	v10 =	vmul.f32 v12, v10;
	v12 =	vmul.f32 v7, v12;
	_ =	sdelay $0x1  }
0x113: {  	[tilespmem:s24+$0x2020] =	vst v10  }
0x114: {  	v10 =	vld.idx.msk [tilespmem:v0+s24+$0x10 ss:$0x1], $0xffff  }
0x115: {  	v13 =	vld.idx.msk [tilespmem:v1+s24+$0x10 ss:$0x1], $0xffff;
	_ =	sdelay $0x1  }
0x116: {  	v14 =	vld [tilespmem:s18+$0x6000];
	_ =	sdelay $0x3  }
0x117: {  	v13 =	vadd.f32 v13, v10;
	_ =	sdelay $0x1  }
0x118: {  	vm0 =	vgt.f32 v13, $0.0e+00;
	v15 =	vmul.f32 $2.000000030e-01, v13;
	_ =	sdelay $0x1  }
0x119: {  	v13 =	vsel vm0, v13, v15  }
0x11a: {  	v13 =	vmul.f32 v13, v14;
	_ =	sdelay $0x1  }
0x11b: {  	(xrf2) =	vadd.scan.msk.f32 $0xffff, v13;
	_ =	sdelay $0x9  }
0x11c: {  	v13, _, _ =	vpop (xrf2)  }
0x11d: {  	v13 =	vmul.f32 $1.442695020e+00, v13;
	_ =	sdelay $0x1  }
0x11e: {  	v13 =	vbroadcast v13, $0xF;
	_ =	sdelay $0x1  }
0x11f: {  	(erf) = vpow2.f32 v13;
	_ =	sdelay $0x1  }
0x120: {  	v9 =	vadd.f32 $0.0e+00, v9;
	_ =	sdelay $0x1  }
0x121: {  	v9 =	vadd.f32 v11, v9  }
.Ltmp1:
0x122: {  	(pc) =	sbr.rel @p0 .LBB2_5-.Ltmp1, $2  }
0x123: {  	v9 =	vadd.f32 v12, v9;
	_ =	sdelay $0x2  }
0x124: {  	v11 =	vpop (erf)  }
0x125: {  	v12 =	vmul.f32 v8, v11  }
0x126: {  	v10 =	vmul.f32 v11, v10  }
0x127: {  	v9 =	vadd.f32 v12, v9  }
0x128: {  	[tilespmem:s24+$0x2030] =	vst v10  }
0x129: {  	[tilespmem:s24+$0x2040] =	vst v9  }
0x12a: {  	[spmem:s3] =	stream.indirect.scatter.add.f32 [tilespmem:s13], [sflag:$0x5], $0x50, s16, s17, $0xb8;
	[tilespmem:$0x12E00] =	vst v63  }
0x12b: {  	_ =	swait.ge [sflag:s14], $0xA00  }
0x12c: {  	[sflag:s14] =	ssyncset.done $0x0  }
0x12d: {  	[sflag:s14] =	ssyncadd.s32 $0xFFFFF600  }
0x12e: {  	_ =	swait.ge [sflag:s26], $0x1000  }
0x12f: {  	[sflag:s26] =	ssyncset.done $0x0  }
0x130: {  	[sflag:s26] =	ssyncadd.s32 $0xFFFFF000  }
0x131: {  	_ =	swait.ge [sflag:s28], $0x1000  }
0x132: {  	[sflag:s28] =	ssyncset.done $0x0  }
0x133: {  	s24 =	simm.s32 $0x0;
	[sflag:s28] =	ssyncadd.s32 $0xFFFFF000  }
0x134: {  	v9 =	vld.idx.msk [tilespmem:v3+s24+$0xFFFFFFE0 ss:$0x1], $0xffff  }
0x135: {  	v10 =	vld.idx.msk [tilespmem:v4+s24+$0xFFFFFFE0 ss:$0x1], $0xffff;
	_ =	sdelay $0x4  }
0x136: {  	v11 =	vld [tilespmem:s2+$0x6000];
	v10 =	vadd.f32 v10, v9;
	_ =	sdelay $0x1  }
0x137: {  	v57 =	vmul.f32 $2.000000030e-01, v10  }
0x138: {  	vm0 =	vgt.f32 v10, $0.0e+00  }
0x139: {  	v10 =	vsel vm0, v10, v57  }
0x13a: {  	v10 =	vmul.f32 v10, v11;
	_ =	sdelay $0x1  }
0x13b: {  	(xrf2) =	vadd.scan.msk.f32 $0xffff, v10;
	_ =	sdelay $0x9  }
0x13c: {  	v10, _, _ =	vpop (xrf2)  }
0x13d: {  	v10 =	vmul.f32 $1.442695020e+00, v10;
	_ =	sdelay $0x1  }
0x13e: {  	v10 =	vbroadcast v10, $0xF;
	_ =	sdelay $0x1  }
0x13f: {  	(erf) = vpow2.f32 v10;
	_ =	sdelay $0x8  }
0x140: {  	v11 =	vpop (erf)  }
0x141: {  	v9 =	vmul.f32 v11, v9;
	_ =	sdelay $0x1  }
0x142: {  	[tilespmem:s24+$0x5000] =	vst v9  }
0x143: {  	v9 =	vld.idx.msk [tilespmem:v3+s24+$0xFFFFFFF0 ss:$0x1], $0xffff  }
0x144: {  	v10 =	vld.idx.msk [tilespmem:v4+s24+$0xFFFFFFF0 ss:$0x1], $0xffff;
	_ =	sdelay $0x4  }
0x145: {  	v58 =	vld [tilespmem:s9+$0x6000];
	v10 =	vadd.f32 v10, v9;
	_ =	sdelay $0x1  }
0x146: {  	v13 =	vmul.f32 $2.000000030e-01, v10  }
0x147: {  	vm13 =	vgt.f32 v10, $0.0e+00  }
0x148: {  	v10 =	vsel vm13, v10, v13  }
0x149: {  	v10 =	vmul.f32 v10, v58;
	_ =	sdelay $0x1  }
0x14a: {  	(xrf2) =	vadd.scan.msk.f32 $0xffff, v10;
	_ =	sdelay $0x9  }
0x14b: {  	v10, _, _ =	vpop (xrf2)  }
0x14c: {  	v10 =	vmul.f32 $1.442695020e+00, v10;
	_ =	sdelay $0x1  }
0x14d: {  	v10 =	vbroadcast v10, $0xF;
	_ =	sdelay $0x1  }
0x14e: {  	(erf) = vpow2.f32 v10;
	_ =	sdelay $0x8  }
0x14f: {  	v59 =	vpop (erf)  }
0x150: {  	v9 =	vmul.f32 v59, v9;
	_ =	sdelay $0x1  }
0x151: {  	[tilespmem:s24+$0x5010] =	vst v9  }
0x152: {  	v9 =	vld.idx.msk [tilespmem:v3+s24+$0x0 ss:$0x1], $0xffff  }
0x153: {  	v10 =	vld.idx.msk [tilespmem:v4+s24+$0x0 ss:$0x1], $0xffff;
	_ =	sdelay $0x4  }
0x154: {  	v60 =	vld [tilespmem:s5+$0x6000];
	v10 =	vadd.f32 v10, v9;
	_ =	sdelay $0x1  }
0x155: {  	v14 =	vmul.f32 $2.000000030e-01, v10  }
0x156: {  	vm14 =	vgt.f32 v10, $0.0e+00  }
0x157: {  	v10 =	vsel vm14, v10, v14  }
0x158: {  	v10 =	vmul.f32 v10, v60;
	_ =	sdelay $0x1  }
0x159: {  	(xrf2) =	vadd.scan.msk.f32 $0xffff, v10;
	_ =	sdelay $0x9  }
0x15a: {  	v10, _, _ =	vpop (xrf2)  }
0x15b: {  	v10 =	vmul.f32 $1.442695020e+00, v10;
	_ =	sdelay $0x1  }
0x15c: {  	v10 =	vbroadcast v10, $0xF;
	_ =	sdelay $0x1  }
0x15d: {  	(erf) = vpow2.f32 v10;
	_ =	sdelay $0x8  }
0x15e: {  	v61 =	vpop (erf)  }
0x15f: {  	v9 =	vmul.f32 v61, v9;
	_ =	sdelay $0x1  }
0x160: {  	[tilespmem:s24+$0x5020] =	vst v9  }
0x161: {  	v10 =	vld.idx.msk [tilespmem:v3+s24+$0x10 ss:$0x1], $0xffff  }
0x162: {  	v9 =	vld.idx.msk [tilespmem:v4+s24+$0x10 ss:$0x1], $0xffff;
	_ =	sdelay $0x4  }
0x163: {  	v62 =	vld [tilespmem:s18+$0x6000];
	v9 =	vadd.f32 v9, v10;
	_ =	sdelay $0x1  }
0x164: {  	v15 =	vmul.f32 $2.000000030e-01, v9  }
0x165: {  	vm15 =	vgt.f32 v9, $0.0e+00  }
0x166: {  	v9 =	vsel vm15, v9, v15  }
0x167: {  	v9 =	vmul.f32 v9, v62;
	_ =	sdelay $0x1  }
0x168: {  	(xrf2) =	vadd.scan.msk.f32 $0xffff, v9;
	_ =	sdelay $0x9  }
0x169: {  	v9, _, _ =	vpop (xrf2)  }
0x16a: {  	v9 =	vmul.f32 $1.442695020e+00, v9;
	_ =	sdelay $0x1  }
0x16b: {  	v9 =	vbroadcast v9, $0xF;
	_ =	sdelay $0x1  }
0x16c: {  	(erf) = vpow2.f32 v9;
	_ =	sdelay $0x2  }
0x16d: {  	v9 =	vmul.f32 v5, v11;
	_ =	sdelay $0x1  }
0x16e: {  	v11 =	vmul.f32 v6, v59;
	v9 =	vadd.f32 $0.0e+00, v9;
	_ =	sdelay $0x1  }
0x16f: {  	v63 =	vmul.f32 v7, v61;
	v9 =	vadd.f32 v11, v9;
	_ =	sdelay $0x1  }
0x170: {  	s25 =	simm.s32 $0x200;
	v9 =	vadd.f32 v63, v9;
	v11 =	vpop (erf)  }
.LBB2_7:
0x171: {  	p0 =	sne.s32 s25, $0x3E00;
	v10 =	vmul.f32 v11, v10;
	v11 =	vmul.f32 v8, v11;
	s30 =	smov.u32 s25;
	s25 =	sadd.s32 $0x200, s25  }
0x172: {  	_ = 	snop  }
0x173: {  	[tilespmem:s24+$0x5030] =	vst v10;
	v9 =	vadd.f32 v11, v9;
	_ =	sdelay $0x1  }
0x174: {  	[tilespmem:s24+$0x5040] =	vst v9;
	s24 =	sshra.s32 s30, $0x2  }
0x175: {  	v9 =	vld.idx.msk [tilespmem:v3+s24+$0xFFFFFFE0 ss:$0x1], $0xffff  }
0x176: {  	v10 =	vld.idx.msk [tilespmem:v4+s24+$0xFFFFFFE0 ss:$0x1], $0xffff;
	_ =	sdelay $0x4  }
0x177: {  	v11 =	vld [tilespmem:s2+$0x6000]  }
0x178: {  	v10 =	vadd.f32 v10, v9;
	_ =	sdelay $0x1  }
0x179: {  	vm0 =	vgt.f32 v10, $0.0e+00;
	v12 =	vmul.f32 $2.000000030e-01, v10;
	_ =	sdelay $0x1  }
0x17a: {  	v10 =	vsel vm0, v10, v12  }
0x17b: {  	v10 =	vmul.f32 v10, v11;
	_ =	sdelay $0x1  }
0x17c: {  	(xrf2) =	vadd.scan.msk.f32 $0xffff, v10;
	_ =	sdelay $0x9  }
0x17d: {  	v10, _, _ =	vpop (xrf2)  }
0x17e: {  	v10 =	vmul.f32 $1.442695020e+00, v10;
	_ =	sdelay $0x1  }
0x17f: {  	v10 =	vbroadcast v10, $0xF;
	_ =	sdelay $0x1  }
0x180: {  	(erf) = vpow2.f32 v10;
	_ =	sdelay $0x8  }
0x181: {  	v10 =	vpop (erf)  }
0x182: {  	v11 =	vmul.f32 v10, v9;
	v9 =	vmul.f32 v5, v10;
	_ =	sdelay $0x1  }
0x183: {  	[tilespmem:s24+$0x5000] =	vst v11  }
0x184: {  	v10 =	vld.idx.msk [tilespmem:v3+s24+$0xFFFFFFF0 ss:$0x1], $0xffff  }
0x185: {  	v11 =	vld.idx.msk [tilespmem:v4+s24+$0xFFFFFFF0 ss:$0x1], $0xffff;
	_ =	sdelay $0x3  }
0x186: {  	v12 =	vld [tilespmem:s9+$0x6000];
	_ =	sdelay $0x1  }
0x187: {  	v11 =	vadd.f32 v11, v10;
	_ =	sdelay $0x1  }
0x188: {  	vm0 =	vgt.f32 v11, $0.0e+00;
	v13 =	vmul.f32 $2.000000030e-01, v11;
	_ =	sdelay $0x1  }
0x189: {  	v11 =	vsel vm0, v11, v13  }
0x18a: {  	v11 =	vmul.f32 v11, v12;
	_ =	sdelay $0x1  }
0x18b: {  	(xrf2) =	vadd.scan.msk.f32 $0xffff, v11;
	_ =	sdelay $0x9  }
0x18c: {  	v11, _, _ =	vpop (xrf2)  }
0x18d: {  	v11 =	vmul.f32 $1.442695020e+00, v11;
	_ =	sdelay $0x1  }
0x18e: {  	v11 =	vbroadcast v11, $0xF;
	_ =	sdelay $0x1  }
0x18f: {  	(erf) = vpow2.f32 v11;
	_ =	sdelay $0x8  }
0x190: {  	v11 =	vpop (erf)  }
0x191: {  	v10 =	vmul.f32 v11, v10;
	v11 =	vmul.f32 v6, v11;
	_ =	sdelay $0x1  }
0x192: {  	[tilespmem:s24+$0x5010] =	vst v10  }
0x193: {  	v10 =	vld.idx.msk [tilespmem:v3+s24+$0x0 ss:$0x1], $0xffff  }
0x194: {  	v12 =	vld.idx.msk [tilespmem:v4+s24+$0x0 ss:$0x1], $0xffff;
	_ =	sdelay $0x2  }
0x195: {  	v13 =	vld [tilespmem:s5+$0x6000];
	_ =	sdelay $0x2  }
0x196: {  	v12 =	vadd.f32 v12, v10;
	_ =	sdelay $0x1  }
0x197: {  	vm0 =	vgt.f32 v12, $0.0e+00;
	v14 =	vmul.f32 $2.000000030e-01, v12;
	_ =	sdelay $0x1  }
0x198: {  	v12 =	vsel vm0, v12, v14  }
0x199: {  	v12 =	vmul.f32 v12, v13;
	_ =	sdelay $0x1  }
0x19a: {  	(xrf2) =	vadd.scan.msk.f32 $0xffff, v12;
	_ =	sdelay $0x9  }
0x19b: {  	v12, _, _ =	vpop (xrf2)  }
0x19c: {  	v12 =	vmul.f32 $1.442695020e+00, v12;
	_ =	sdelay $0x1  }
0x19d: {  	v12 =	vbroadcast v12, $0xF;
	_ =	sdelay $0x1  }
0x19e: {  	(erf) = vpow2.f32 v12;
	_ =	sdelay $0x8  }
0x19f: {  	v12 =	vpop (erf)  }
0x1a0: {  	v10 =	vmul.f32 v12, v10;
	v12 =	vmul.f32 v7, v12;
	_ =	sdelay $0x1  }
0x1a1: {  	[tilespmem:s24+$0x5020] =	vst v10  }
0x1a2: {  	v10 =	vld.idx.msk [tilespmem:v3+s24+$0x10 ss:$0x1], $0xffff  }
0x1a3: {  	v13 =	vld.idx.msk [tilespmem:v4+s24+$0x10 ss:$0x1], $0xffff;
	_ =	sdelay $0x1  }
0x1a4: {  	v14 =	vld [tilespmem:s18+$0x6000];
	_ =	sdelay $0x3  }
0x1a5: {  	v13 =	vadd.f32 v13, v10;
	_ =	sdelay $0x1  }
0x1a6: {  	vm0 =	vgt.f32 v13, $0.0e+00;
	v15 =	vmul.f32 $2.000000030e-01, v13;
	_ =	sdelay $0x1  }
0x1a7: {  	v13 =	vsel vm0, v13, v15  }
0x1a8: {  	v13 =	vmul.f32 v13, v14;
	_ =	sdelay $0x1  }
0x1a9: {  	(xrf2) =	vadd.scan.msk.f32 $0xffff, v13;
	_ =	sdelay $0x9  }
0x1aa: {  	v13, _, _ =	vpop (xrf2)  }
0x1ab: {  	v13 =	vmul.f32 $1.442695020e+00, v13;
	_ =	sdelay $0x1  }
0x1ac: {  	v13 =	vbroadcast v13, $0xF;
	_ =	sdelay $0x1  }
0x1ad: {  	(erf) = vpow2.f32 v13;
	_ =	sdelay $0x1  }
0x1ae: {  	v9 =	vadd.f32 $0.0e+00, v9;
	_ =	sdelay $0x1  }
0x1af: {  	v9 =	vadd.f32 v11, v9  }
.Ltmp2:
0x1b0: {  	(pc) =	sbr.rel @p0 .LBB2_7-.Ltmp2, $2  }
0x1b1: {  	v9 =	vadd.f32 v12, v9;
	_ =	sdelay $0x2  }
0x1b2: {  	v11 =	vpop (erf)  }
0x1b3: {  	v12 =	vmul.f32 v8, v11  }
0x1b4: {  	v10 =	vmul.f32 v11, v10  }
0x1b5: {  	s0 =	sadd.s32 $0x1, s0;
	v9 =	vadd.f32 v12, v9  }
0x1b6: {  	p0 =	sne.s32 s0, $0x143;
	[tilespmem:s24+$0x5030] =	vst v10  }
.Ltmp3:
0x1b7: {  	s2 =	simm.s32 $0x5000;
	[tilespmem:s24+$0x5040] =	vst v9;
	(pc) =	sbr.rel @p0 .LBB2_4-.Ltmp3, $4  }
0x1b8: {  	[spmem:s3] =	stream.indirect.scatter.add.f32 [tilespmem:s2], [sflag:$0x5], $0x50, s23, s17, $0xb8;
	[tilespmem:$0x12E00] =	vst v63  }
0x1b9: {  	_ =	swait.ge [sflag:s14], $0xA00  }
0x1ba: {  	[sflag:s14] =	ssyncset.done $0x0  }
0x1bb: {  	[sflag:s14] =	ssyncadd.s32 $0xFFFFF600  }
0x1bc: {  	s0 =	stileid.u32;
	[bflag:$0x0] =	sbarrier.arrive $0xFFFF  }
0x1bd: {  	s0 =	sshll.u32 s0, $0x6;
	s24 =	rddreg [dreg:$0x6]  }
0x1be: {  	s5 =	rddreg [dreg:$0x10];
	s0 =	sor.u32 $0x1C05, s0;
	s2 =	sshrl.u32 s24, $0x3  }
0x1bf: {  	[hbm:s5], [sflag:s0] =	dma.local [spmem:s2], $0x2800  }
0x1c0: {  	_ =	swait.ge [sflag:s14], $0x2800  }
0x1c1: {  	s18 =	rddreg [dreg:$0x5]  }
0x1c2: {  	s30 =	rddreg [dreg:$0x11];
	s18 =	sadd.s32 $0x1, s18  }
0x1c3: {  	p0 =	sne.s32 s18, s30  }
.Ltmp4:
0x1c4: {  	_ = 	snop;
	(pc) =	sbr.rel @p0 .LBB2_1-.Ltmp4, $3  }
0x1c5: {  	_ =	sdelay $0x1  }
0x1c6: {  	[sflag:s14] =	ssyncset.done $0x0  }
0x1c7: {  	[sflag:s14] =	ssyncadd.s32 $0xFFFFD800  }
0x1c8: {  	_ =	sfence.sel $0x180000  }
0x1c9: {  	[bflag:$0x0] =	sbarrier.arrive $0xFFFF  }
0x1ca: {  	_ =	strace $0x9000004A  }
0x1cb: {  	s0 =	stileid.u32;
	[bflag:$0x2] =	sbarrier.arrive $0xFFFF  }
0x1cc: {  	p0 =	sne.s32 s0, $0x0;
	s0 =	rddreg [dreg:$0x4]  }
0x1cd: {  	s0 =	sadd.s32 @!p0 $0x100000, s0  }
0x1ce: {  	[sflag:s0] =	ssyncadd.tile.s32 @!p0 $0x1;
	_ =	shalt  }
.Lfunc_end2:
_tile_overlayer_lowered:
.L_overlay_start_2:
0x1cf: {  	(tag) =	ssettag $0x2  }
0x1d0: {  	s0 =	rddreg [dreg:$0x0];
	s2 =	stileid.u32  }
0x1d1: {  	s1 =	rddreg [dreg:$0x1];
	p0 =	sne.s32 s2, $0x0  }
0x1d2: {  	s3 =	rddreg [dreg:$0x2];
	[bflag:$0x3] =	sbarrier.arrive $0xFFFF;
	s2 =	simm.s32 @!p0 $0x1C05  }
0x1d3: {  	[timem:s3], [sflag:s2] =	dma.local @!p0 [hbm:s0], s1  }
0x1d4: {  	s0 =	simm.s32 @!p0 $0x5  }
0x1d5: {  	_ =	swait.ge @!p0 [sflag:s0], s1  }
0x1d6: {  	s1 =	ssub.s32 @!p0 $0x0, s1;
	[sflag:s0] =	ssyncset.done @!p0 $0x0  }
0x1d7: {  	[sflag:s0] =	ssyncadd.s32 @!p0 s1  }
0x1d8: {  	[bflag:$0x3] =	sbarrier.arrive $0xFFFF  }
0x1d9: {  	_ =	shalt  }

// kernel: kernel.7.cloned.1.call-start
scs
__scs_entry_jumppad:
0x0: {  	(pc) =	sbr.rel $0x88, $3  }
0x1: {  	(tag) =	ssettag $0x0;
	lr =	simm.s32 $0x1  }
0x2: {  	[smem:$0x3F97] =	sst lr;
	_ =	strace $0xD0000000  }
0x3: {  	_ = 	snop  }
0x4: {  	_ = 	snop  }
0x5: {  	_ = 	snop  }
0x6: {  	_ = 	snop  }
0x7: {  	_ = 	snop  }
__scs_overlays_trampoline_lowered:
0x8: {  	[smem:$0x3FA6] =	sst s0  }
0x9: {  	[smem:$0x3FA7] =	sst s1  }
0xa: {  	[smem:$0x3FA8] =	sst s2  }
0xb: {  	[smem:$0x3FA9] =	sst s3  }
0xc: {  	[smem:$0x3FAA] =	sst s4  }
0xd: {  	[smem:$0x3FAB] =	sst s5  }
0xe: {  	[smem:$0x3FAC] =	sst s6  }
0xf: {  	[smem:$0x3FAD] =	sst s7  }
0x10: {  	[smem:$0x3FAE] =	sst s8  }
0x11: {  	[smem:$0x3FAF] =	sst s9;
	s0 =	simm.s32 @!p0 $0x0  }
0x12: {  	s1 =	sld [smem:$0x3F95];
	s0 =	simm.s32 @p0 $0x1  }
0x13: {  	[smem:$0x3FB0] =	sst s0;
	s0 =	simm.s32 @!p1 $0x0  }
0x14: {  	s2 =	sld [smem:$0x3F94];
	s0 =	simm.s32 @p1 $0x1  }
0x15: {  	[smem:$0x3FB1] =	sst s0;
	s0 =	simm.s32 @!p2 $0x0  }
0x16: {  	s3 =	sld [smem:$0x3FDB];
	s0 =	simm.s32 @p2 $0x1  }
0x17: {  	s4 =	simm.s32 $0x1BF5;
	[smem:$0x3FB3] =	sst s0  }
0x18: {  	s0 =	sld [smem:$0x3F96];
	_ =	swait.ge [sflag:s4], $0x0  }
0x19: {  	s7 =	sld [smem:$0x3F97]  }
0x1a: {  	s8 =	sadd.s32 $0xFFFFE003, lr  }
0x1b: {  	s9 =	sadd.s32 $0xFFFFFEF7, lr;
	s5 =	simm.s32 $0xFFFFFFFF;
	p2 =	slt.u32 s8, $0xFFFFF086  }
0x1c: {  	p1 =	slt.u32 s9, $0xF7A;
	s5 =	simm.s32 @!p2 $0x0  }
0x1d: {  	s5 =	simm.s32 @p1 $0x1;
	p0 =	seq.s32 s7, s2  }
0x1e: {  	s7 =	smul.u32 @!p0 $0xF7A, s2;
	p2 =	seq.s32 @!p0 s5, $0x0  }
0x1f: {  	s9 =	smul.u32 $0xF7A, s1;
	s8 =	simm.s32 @!p0 $0x1BF5;
	p2 =	por !p2, p0  }
0x20: {  	[sflag:s8] =	ssyncset.s32 @!p0 $0xFFFFF086;
	s6 =	sadd.s32 @!p0 s3, s7;
	s7 =	simm.s32 @!p0 $0x108  }
0x21: {  	s3 =	sadd.s32 s3, s9;
	s6 =	sadd.s32 @!p0 $0x88, s6;
	s7 =	simm.s32 @p2 $0x1082  }
0x22: {  	[simem:s7], [sflag:s8] =	dma.local @!p0 [hbm:s6], $0xF7A  }
0x23: {  	s9 =	sor.u32 $0xD0000000, s2;
	s6 =	simm.s32 $0x108;
	_ =	swait.ge @!p0 [sflag:s8], $0x0  }
0x24: {  	s3 =	sadd.s32 $0x88, s3;
	s6 =	simm.s32 @!p1 $0x1082;
	[sflag:s4] =	ssyncset.s32 $0xFFFFF086  }
0x25: {  	[simem:s6], [sflag:s4] =	dma.local [hbm:s3], $0xF7A  }
0x26: {  	[smem:$0x3F97] =	sst s1;
	(tag) =	ssettag s2;
	_ =	strace s9  }
0x27: {  	s1 =	sld [smem:$0x3FA7]  }
0x28: {  	s2 =	sld [smem:$0x3FA8]  }
0x29: {  	s4 =	sld [smem:$0x3FAA]  }
0x2a: {  	p0 =	seq.s32 s5, $0x0;
	s5 =	sld [smem:$0x3FAB]  }
0x2b: {  	s6 =	sld [smem:$0x3FAC]  }
0x2c: {  	s7 =	sld [smem:$0x3FAD]  }
0x2d: {  	s3 =	simm.s32 $0x108;
	s8 =	sld [smem:$0x3FAE]  }
0x2e: {  	s3 =	simm.s32 @!p0 $0x1082;
	s9 =	sld [smem:$0x3FAF]  }
0x2f: {  	lr =	sadd.s32 s0, s3;
	s0 =	sld [smem:$0x3FA6]  }
0x30: {  	s3 =	sld [smem:$0x3FA9]  }
0x31: {  	[smem:$0x3FB2] =	sst s10  }
0x32: {  	s10 =	sld [smem:$0x3FB0];
	_ =	sdelay $0x3  }
0x33: {  	p0 =	seq.s32 s10, $0x1;
	s10 =	sld [smem:$0x3FB2];
	_ =	sdelay $0x3  }
0x34: {  	[smem:$0x3FB2] =	sst s10  }
0x35: {  	s10 =	sld [smem:$0x3FB1];
	_ =	sdelay $0x3  }
0x36: {  	p1 =	seq.s32 s10, $0x1;
	s10 =	sld [smem:$0x3FB2];
	_ =	sdelay $0x3  }
0x37: {  	[smem:$0x3FB2] =	sst s10  }
0x38: {  	s10 =	sld [smem:$0x3FB3]  }
0x39: {  	_ = 	snop;
	(pc) =	sbr.ind lr, $3  }
0x3a: {  	_ = 	snop  }
0x3b: {  	_ = 	snop  }
0x3c: {  	p2 =	seq.s32 s10, $0x1;
	s10 =	sld [smem:$0x3FB2]  }
0x3d: {  	_ =	shalt  }
0x3e: {  	_ =	shalt  }
0x3f: {  	_ =	shalt  }
0x40: {  	_ =	shalt  }
0x41: {  	_ =	shalt  }
0x42: {  	_ =	shalt  }
0x43: {  	_ =	shalt  }
0x44: {  	_ =	shalt  }
0x45: {  	_ =	shalt  }
0x46: {  	_ =	shalt  }
0x47: {  	_ =	shalt  }
0x48: {  	_ =	shalt  }
0x49: {  	_ =	shalt  }
0x4a: {  	_ =	shalt  }
0x4b: {  	_ =	shalt  }
0x4c: {  	_ =	shalt  }
0x4d: {  	_ =	shalt  }
0x4e: {  	_ =	shalt  }
0x4f: {  	_ =	shalt  }
0x50: {  	_ =	shalt  }
0x51: {  	_ =	shalt  }
0x52: {  	_ =	shalt  }
0x53: {  	_ =	shalt  }
0x54: {  	_ =	shalt  }
0x55: {  	_ =	shalt  }
0x56: {  	_ =	shalt  }
0x57: {  	_ =	shalt  }
0x58: {  	_ =	shalt  }
0x59: {  	_ =	shalt  }
0x5a: {  	_ =	shalt  }
0x5b: {  	_ =	shalt  }
0x5c: {  	_ =	shalt  }
0x5d: {  	_ =	shalt  }
0x5e: {  	_ =	shalt  }
0x5f: {  	_ =	shalt  }
0x60: {  	_ =	shalt  }
0x61: {  	_ =	shalt  }
0x62: {  	_ =	shalt  }
0x63: {  	_ =	shalt  }
0x64: {  	_ =	shalt  }
0x65: {  	_ =	shalt  }
0x66: {  	_ =	shalt  }
0x67: {  	_ =	shalt  }
0x68: {  	_ =	shalt  }
0x69: {  	_ =	shalt  }
0x6a: {  	_ =	shalt  }
0x6b: {  	_ =	shalt  }
0x6c: {  	_ =	shalt  }
0x6d: {  	_ =	shalt  }
0x6e: {  	_ =	shalt  }
0x6f: {  	_ =	shalt  }
0x70: {  	_ =	shalt  }
0x71: {  	_ =	shalt  }
0x72: {  	_ =	shalt  }
0x73: {  	_ =	shalt  }
0x74: {  	_ =	shalt  }
0x75: {  	_ =	shalt  }
0x76: {  	_ =	shalt  }
0x77: {  	_ =	shalt  }
0x78: {  	_ =	shalt  }
0x79: {  	_ =	shalt  }
0x7a: {  	_ =	shalt  }
0x7b: {  	_ =	shalt  }
0x7c: {  	_ =	shalt  }
0x7d: {  	_ =	shalt  }
0x7e: {  	_ =	shalt  }
0x7f: {  	_ =	shalt  }
0x80: {  	_ =	shalt  }
0x81: {  	_ =	shalt  }
0x82: {  	_ =	shalt  }
0x83: {  	_ =	shalt  }
0x84: {  	_ =	shalt  }
0x85: {  	_ =	shalt  }
0x86: {  	_ =	shalt  }
0x87: {  	_ =	shalt  }
.Lfunc_end0:
.L_simem_size_0:
called_computation_lowered:
.L_overlay_start_0:
0x88: {  	s2 =	sld [smem:$0x3FD9]  }
0x89: {  	s3 =	sld [smem:$0x3FFE];
	_ =	sdelay $0x1  }
0x8a: {  	s1 =	srdreg.scid  }
0x8b: {  	s0 =	sand.u32 $0x1, s1  }
0x8c: {  	s17 =	sshll.u32 s0, $0xA;
	s2 =	sadd.s32 s3, s2  }
0x8d: {  	s2 =	sadd.s32 s2, s17  }
0x8e: {  	[smem:$0x3FBE] =	sst s2  }
0x8f: {  	_ = 	snop  }
0x90: {  	s2 =	sld [smem:$0x3FC5]  }
0x91: {  	s18 =	sld [smem:$0x3FD0];
	(tm) =	ssettm $0x1  }
0x92: {  	s4 =	sld [smem:$0x3FFB];
	_ =	sdelay $0x3  }
0x93: {  	_ =	strace s4  }
0x94: {  	s4 =	sld [smem:$0x3FFC];
	_ =	sdelay $0x3  }
0x95: {  	_ =	strace s4  }
0x96: {  	s4 =	sld [smem:$0x3FFD];
	_ =	sdelay $0x3  }
0x97: {  	_ =	strace s4  }
0x98: {  	_ =	strace $0x8FFFFFFF  }
0x99: {  	s19 =	sld [smem:$0x3FDB];
	_ =	sdelay $0x1  }
0x9a: {  	s5 =	simm.s32 $_scs_section_size  }
0x9b: {  	s6 =	simm.s32 $_size__tile_overlayer_lowered;
	s7 =	simm.s32 $_tile_overlayer_lowered  }
0x9c: {  	s22 =	simm.s32 $0x1BFF;
	s21 =	sshll.u32 s7, $0x1;
	s4 =	sadd.s32 s5, s19  }
0x9d: {  	s8 =	simm.s32 $0x0;
	s20 =	sshll.u32 s6, $0x1;
	s6 =	sadd.s32 s21, s4  }
0x9e: {  	[timem:s8], [sflag:s22] =	dma.local [hbm:s6], s20  }
0x9f: {  	_ =	swait.ge [sflag:s22], s20  }
0xa0: {  	s5 =	ssub.s32 $0x0, s20;
	[sflag:s22] =	ssyncset.done $0x0  }
0xa1: {  	[sflag:s22] =	ssyncadd.s32 s5;
	_ =	sdelay $0x1  }
0xa2: {  	s23 =	simm.s32 $0x1B8B  }
0xa3: {  	_ =	swait.ge [sflag:s23], $0x1  }
0xa4: {  	[sflag:s23] =	ssyncset.done $0x0  }
0xa5: {  	s25 =	simm.s32 $0x1B8E;
	s24 =	sld [smem:$0x3FFE];
	[sflag:s23] =	ssyncadd.s32 $0xFFFFFFFF  }
0xa6: {  	s26 =	simm.s32 $execute0_lowered;
	[smem:$0x3FD2] =	sst s25  }
0xa7: {  	s6 =	sshll.u32 s26, $0x1;
	_ =	strace $0x80000046;
	[dreg:$0x1] =	wrdreg $0xFFFFFFFF  }
0xa8: {  	s28 =	simm.s32 $_size_execute0_lowered;
	s4 =	sadd.s32 s4, s6;
	[dreg:$0x0] =	wrdreg $0x0  }
0xa9: {  	s6 =	sshll.u32 s28, $0x1;
	[dreg:$0x2] =	wrdreg s4  }
0xaa: {  	[dreg:$0x3] =	wrdreg s6  }
0xab: {  	[dreg:$0x4] =	wrdreg $0xC0  }
0xac: {  	_ =	task [dreg:s8], $0x5FFFF  }
0xad: {  	[dreg:$0x1] =	wrdreg $0xFFFFFFFF  }
0xae: {  	[dreg:$0x0] =	wrdreg $0x60  }
0xaf: {  	[dreg:$0x2] =	wrdreg s24  }
0xb0: {  	[dreg:$0x3] =	wrdreg s18  }
0xb1: {  	[dreg:$0x4] =	wrdreg s2  }
0xb2: {  	[dreg:$0x5] =	wrdreg $0x66000  }
0xb3: {  	[dreg:$0x6] =	wrdreg $0x9  }
0xb4: {  	_ =	task.clear_ibuf [dreg:s8], $0x7FFFF;
	_ =	strace $0x90000046  }
0xb5: {  	s29 =	simm.s32 $0x9;
	_ =	strace $0x80000048  }
0xb6: {  	_ =	swait.ge [sflag:s29], $0x1  }
0xb7: {  	[sflag:s29] =	ssyncadd.s32 $0xFFFFFFFF  }
0xb8: {  	_ =	strace $0x90000048  }
0xb9: {  	_ =	sfence  }
0xba: {  	s30 =	sld [smem:$0x0];
	_ =	sdelay $0x2  }
0xbb: {  	s31 =	sshll.u32 s1, $0xD;
	s1 =	sshrl.u32 s1, $0x2  }
0xbc: {  	s3 =	sand.u32 $0x4000, s31;
	s1 =	sadd.s32 s1, s30  }
0xbd: {  	s0 =	sor.u32 s3, s0;
	s1 =	sshll.u32 s1, $0x11  }
0xbe: {  	s0 =	sor.u32 s1, s0  }
0xbf: {  	s0 =	sadd.s32 $0x8F2B, s0  }
0xc0: {  	[sflag:s0] =	ssyncadd.remote.s32 $0x1  }
0xc1: {  	_ =	sfence.sel $0xFFFF  }
0xc2: {  	[dreg:$0x0] =	wrdreg $0xFFFFFFFF;
	(pc) =	sbr.abs _section_cstart, $3  }
0xc3: {  	[dreg:$0x1] =	wrdreg $0xFFFFFFFF  }
0xc4: {  	_ =	task.clear_ibuf [dreg:s8], $0x2FFFF;
	_ =	strace $0x9FFFFFFF  }
0xc5: {  	(tm) =	ssettm $0x7FFFFFFF  }
tec
execute0_lowered:
.L_overlay_start_1:
0x0: {  	(tag) =	ssettag $0x1  }
0x1: {  	s0 =	rddreg [dreg:$0x0]  }
0x2: {  	s1 =	rddreg [dreg:$0x1]  }
0x3: {  	s3 =	rddreg [dreg:$0x3];
	s18 =	simm.s32 $0x0;
	s2 =	srdreg.scid  }
0x4: {  	s11 =	stileid.u32;
	s28 =	simm.s32 $0x4;
	s31 =	simm.s32 $0x0  }
0x5: {  	[smem:$0x7FF] =	sst s18;
	s2 =	sand.u32 $0x1, s2;
	s9 =	smul.u32 $0x50000, s11  }
0x6: {  	s5 =	smul.u32 $0x14000, s11;
	s6 =	sadd.s32 $0xC400, s0;
	s7 =	sadd.s32 $0x34E00, s0  }
0x7: {  	s8 =	sadd.s32 $0x2200, s0;
	s29 =	smul.u32 $0x286, s11;
	s9 =	sshrl.u32 s9, $0x2  }
0x8: {  	s4 =	smul.u32 $0x140000, s2;
	_ =	strace $0x80000047;
	s24 =	sadd.s32 s9, s3  }
0x9: {  	s16 =	ssub.s32 $0x2, s2;
	s20 =	sadd.s32 $0x1000, s24;
	[dreg:$0x6] =	wrdreg s24  }
0xa: {  	s19 =	sshll.u32 s2, $0xB;
	s21 =	sadd.s32 $0x2000, s24;
	[dreg:$0x7] =	wrdreg s20  }
0xb: {  	s12 =	sshll.u32 s2, $0x6;
	s22 =	sadd.s32 $0x3000, s24;
	[dreg:$0x8] =	wrdreg s21  }
0xc: {  	s10 =	sshrl.u32 s16, $0x1;
	s23 =	sadd.s32 $0x4000, s24;
	[dreg:$0x9] =	wrdreg s22  }
0xd: {  	s14 =	sor.u32 $0x20, s12;
	s25 =	sadd.s32 $0x5000, s24;
	[dreg:$0xa] =	wrdreg s23  }
0xe: {  	s11 =	sor.u32 $0x400, s19;
	s26 =	sadd.s32 $0x6000, s24;
	[dreg:$0xb] =	wrdreg s25  }
0xf: {  	s4 =	sadd.s32 s5, s4;
	s30 =	sadd.s32 $0x7000, s24;
	[dreg:$0xc] =	wrdreg s26  }
0x10: {  	s17 =	ssub.s32 s16, s10;
	s9 =	sadd.s32 $0x8000, s24;
	[dreg:$0xd] =	wrdreg s30  }
0x11: {  	s5 =	sor.u32 $0x1020, s12;
	s10 =	sadd.s32 $0x9000, s24;
	[dreg:$0xe] =	wrdreg s9  }
0x12: {  	v0 =	vmov s14;
	s14 =	simm.s32 $0x5;
	s13 =	smax.u32 s17, $0x1;
	[dreg:$0xf] =	wrdreg s10  }
0x13: {  	s4 =	sshrl.u32 s4, $0x3;
	s15 =	sadd.s32 $0xA000, s24;
	[dreg:$0x11] =	wrdreg s13  }
0x14: {  	s16 =	sadd.s32 $0xB000, s24;
	s17 =	sadd.s32 $0xC000, s24;
	[dreg:$0x12] =	wrdreg s15  }
0x15: {  	s0 =	sadd.s32 s4, s0;
	s9 =	sor.u32 $0x4020, s12;
	[dreg:$0x13] =	wrdreg s16  }
0x16: {  	[dreg:$0x14] =	wrdreg s17;
	s20 =	sadd.s32 $0xD000, s24;
	s21 =	sadd.s32 $0xE000, s24  }
0x17: {  	s22 =	sadd.s32 $0xF000, s24;
	s23 =	sadd.s32 $0x10000, s24;
	[dreg:$0x15] =	wrdreg s20  }
0x18: {  	s25 =	sadd.s32 $0x11000, s24;
	s26 =	sadd.s32 $0x12000, s24;
	[dreg:$0x16] =	wrdreg s21  }
0x19: {  	s30 =	sadd.s32 $0x13000, s24;
	s4 =	sor.u32 $0x1, s29;
	[dreg:$0x17] =	wrdreg s22  }
0x1a: {  	s10 =	sor.u32 $0x200, s19;
	s13 =	simm.s32 $0x2000;
	[dreg:$0x18] =	wrdreg s23  }
0x1b: {  	s15 =	simm.s32 $0x6400;
	s16 =	simm.s32 $0x6480;
	[dreg:$0x19] =	wrdreg s25  }
0x1c: {  	v2 =	vimm.f32 $0.0e+00;
	vm0 =	vcmask $0x300;
	vm15 =	vcmask $0x704;
	s17 =	simm.s32 $0x20;
	s0 =	sadd.s32 $0x5D800, s0;
	[dreg:$0x1a] =	wrdreg s26  }
0x1d: {  	vm1 =	vcmask $0xB08;
	vm2 =	vcmask $0xF0C;
	v5 =	vsel vm0, $0x3F800000, v2;
	[dreg:$0x1b] =	wrdreg s30;
	s20 =	simm.s32 $0x1;
	s21 =	simm.s32 $0x2  }
0x1e: {  	v6 =	vsel vm15, $0x3F800000, v2;
	v7 =	vsel vm1, $0x3F800000, v2;
	v8 =	vsel vm2, $0x3F800000, v2;
	s22 =	simm.s32 $0x6500;
	[dreg:$0x10] =	wrdreg s0;
	s0 =	sor.u32 $0x3020, s12  }
0x1f: {  	v1 =	vmov s5;
	v4 =	vmov s9;
	s23 =	simm.s32 $0x6580;
	s26 =	simm.s32 $0x3;
	s12 =	sor.u32 $0x600, s19;
	v3 =	vmov s0  }
.LBB2_1:
0x20: {  	[dreg:$0x5] =	wrdreg s18;
	s2 =	simm.s32 $0x200;
	s0 =	simm.s32 $0x0  }
.LBB2_2:
0x21: {  	p0 =	sne.s32 s2, $0x3E00;
	[tilespmem:s0+$0x2040] =	vst v2;
	s5 =	smov.u32 s2;
	s2 =	sadd.s32 $0x200, s2  }
.Ltmp0:
0x22: {  	[tilespmem:s0+$0x2030] =	vst v2;
	(pc) =	sbr.rel @p0 .LBB2_2-.Ltmp0, $4  }
0x23: {  	[tilespmem:s0+$0x2020] =	vst v2  }
0x24: {  	[tilespmem:s0+$0x2000] =	vst v2  }
0x25: {  	[tilespmem:s0+$0x2010] =	vst v2  }
0x26: {  	s0 =	sshra.s32 s5, $0x2  }
0x27: {  	[tilespmem:s0+$0x2040] =	vst v2  }
0x28: {  	[tilespmem:s0+$0x2030] =	vst v2  }
0x29: {  	[tilespmem:s0+$0x2020] =	vst v2  }
0x2a: {  	[tilespmem:s0+$0x2000] =	vst v2  }
0x2b: {  	[tilespmem:s0+$0x2010] =	vst v2  }
0x2c: {  	[spmem:s24] =	stream.linear.scatter [tilespmem:s13], [sflag:$0x5], $0x1000, $0x38;
	[tilespmem:$0x12E00] =	vst v63  }
0x2d: {  	_ =	swait.ge [sflag:s14], $0x1000  }
0x2e: {  	[sflag:s14] =	ssyncset.done $0x0  }
0x2f: {  	s5 =	rddreg [dreg:$0x7];
	[sflag:s14] =	ssyncadd.s32 $0xFFFFF000  }
0x30: {  	[spmem:s5] =	stream.linear.scatter [tilespmem:s13], [sflag:$0x5], $0x1000, $0x38;
	[tilespmem:$0x12E00] =	vst v63  }
0x31: {  	_ =	swait.ge [sflag:s14], $0x1000  }
0x32: {  	[sflag:s14] =	ssyncset.done $0x0  }
0x33: {  	s9 =	rddreg [dreg:$0x8];
	[sflag:s14] =	ssyncadd.s32 $0xFFFFF000  }
0x34: {  	[spmem:s9] =	stream.linear.scatter [tilespmem:s13], [sflag:$0x5], $0x1000, $0x38;
	[tilespmem:$0x12E00] =	vst v63  }
0x35: {  	_ =	swait.ge [sflag:s14], $0x1000  }
0x36: {  	[sflag:s14] =	ssyncset.done $0x0  }
0x37: {  	s18 =	rddreg [dreg:$0x9];
	[sflag:s14] =	ssyncadd.s32 $0xFFFFF000  }
0x38: {  	[spmem:s18] =	stream.linear.scatter [tilespmem:s13], [sflag:$0x5], $0x1000, $0x38;
	[tilespmem:$0x12E00] =	vst v63  }
0x39: {  	_ =	swait.ge [sflag:s14], $0x1000  }
0x3a: {  	[sflag:s14] =	ssyncset.done $0x0  }
0x3b: {  	s24 =	rddreg [dreg:$0xa];
	[sflag:s14] =	ssyncadd.s32 $0xFFFFF000  }
0x3c: {  	[spmem:s24] =	stream.linear.scatter [tilespmem:s13], [sflag:$0x5], $0x1000, $0x38;
	[tilespmem:$0x12E00] =	vst v63  }
0x3d: {  	_ =	swait.ge [sflag:s14], $0x1000  }
0x3e: {  	[sflag:s14] =	ssyncset.done $0x0  }
0x3f: {  	s25 =	rddreg [dreg:$0xb];
	[sflag:s14] =	ssyncadd.s32 $0xFFFFF000  }
0x40: {  	[spmem:s25] =	stream.linear.scatter [tilespmem:s13], [sflag:$0x5], $0x1000, $0x38;
	[tilespmem:$0x12E00] =	vst v63  }
0x41: {  	_ =	swait.ge [sflag:s14], $0x1000  }
0x42: {  	[sflag:s14] =	ssyncset.done $0x0  }
0x43: {  	s30 =	rddreg [dreg:$0xc];
	[sflag:s14] =	ssyncadd.s32 $0xFFFFF000  }
0x44: {  	[spmem:s30] =	stream.linear.scatter [tilespmem:s13], [sflag:$0x5], $0x1000, $0x38;
	[tilespmem:$0x12E00] =	vst v63  }
0x45: {  	_ =	swait.ge [sflag:s14], $0x1000  }
0x46: {  	[sflag:s14] =	ssyncset.done $0x0  }
0x47: {  	s2 =	rddreg [dreg:$0xd];
	[sflag:s14] =	ssyncadd.s32 $0xFFFFF000  }
0x48: {  	[spmem:s2] =	stream.linear.scatter [tilespmem:s13], [sflag:$0x5], $0x1000, $0x38;
	[tilespmem:$0x12E00] =	vst v63  }
0x49: {  	_ =	swait.ge [sflag:s14], $0x1000  }
0x4a: {  	[sflag:s14] =	ssyncset.done $0x0  }
0x4b: {  	s5 =	rddreg [dreg:$0xe];
	[sflag:s14] =	ssyncadd.s32 $0xFFFFF000  }
0x4c: {  	[spmem:s5] =	stream.linear.scatter [tilespmem:s13], [sflag:$0x5], $0x1000, $0x38;
	[tilespmem:$0x12E00] =	vst v63  }
0x4d: {  	_ =	swait.ge [sflag:s14], $0x1000  }
0x4e: {  	[sflag:s14] =	ssyncset.done $0x0  }
0x4f: {  	s9 =	rddreg [dreg:$0xf];
	[sflag:s14] =	ssyncadd.s32 $0xFFFFF000  }
0x50: {  	[spmem:s9] =	stream.linear.scatter [tilespmem:s13], [sflag:$0x5], $0x1000, $0x38;
	[tilespmem:$0x12E00] =	vst v63  }
0x51: {  	_ =	swait.ge [sflag:s14], $0x1000  }
0x52: {  	[sflag:s14] =	ssyncset.done $0x0  }
0x53: {  	s18 =	rddreg [dreg:$0x12];
	[sflag:s14] =	ssyncadd.s32 $0xFFFFF000  }
0x54: {  	[spmem:s18] =	stream.linear.scatter [tilespmem:s13], [sflag:$0x5], $0x1000, $0x38;
	[tilespmem:$0x12E00] =	vst v63  }
0x55: {  	_ =	swait.ge [sflag:s14], $0x1000  }
0x56: {  	[sflag:s14] =	ssyncset.done $0x0  }
0x57: {  	s24 =	rddreg [dreg:$0x13];
	[sflag:s14] =	ssyncadd.s32 $0xFFFFF000  }
0x58: {  	[spmem:s24] =	stream.linear.scatter [tilespmem:s13], [sflag:$0x5], $0x1000, $0x38;
	[tilespmem:$0x12E00] =	vst v63  }
0x59: {  	_ =	swait.ge [sflag:s14], $0x1000  }
0x5a: {  	[sflag:s14] =	ssyncset.done $0x0  }
0x5b: {  	s25 =	rddreg [dreg:$0x14];
	[sflag:s14] =	ssyncadd.s32 $0xFFFFF000  }
0x5c: {  	[spmem:s25] =	stream.linear.scatter [tilespmem:s13], [sflag:$0x5], $0x1000, $0x38;
	[tilespmem:$0x12E00] =	vst v63  }
0x5d: {  	_ =	swait.ge [sflag:s14], $0x1000  }
0x5e: {  	[sflag:s14] =	ssyncset.done $0x0  }
0x5f: {  	s30 =	rddreg [dreg:$0x15];
	[sflag:s14] =	ssyncadd.s32 $0xFFFFF000  }
0x60: {  	[spmem:s30] =	stream.linear.scatter [tilespmem:s13], [sflag:$0x5], $0x1000, $0x38;
	[tilespmem:$0x12E00] =	vst v63  }
0x61: {  	_ =	swait.ge [sflag:s14], $0x1000  }
0x62: {  	[sflag:s14] =	ssyncset.done $0x0  }
0x63: {  	s2 =	rddreg [dreg:$0x16];
	[sflag:s14] =	ssyncadd.s32 $0xFFFFF000  }
0x64: {  	[spmem:s2] =	stream.linear.scatter [tilespmem:s13], [sflag:$0x5], $0x1000, $0x38;
	[tilespmem:$0x12E00] =	vst v63  }
0x65: {  	_ =	swait.ge [sflag:s14], $0x1000  }
0x66: {  	[sflag:s14] =	ssyncset.done $0x0  }
0x67: {  	s5 =	rddreg [dreg:$0x17];
	[sflag:s14] =	ssyncadd.s32 $0xFFFFF000  }
0x68: {  	[spmem:s5] =	stream.linear.scatter [tilespmem:s13], [sflag:$0x5], $0x1000, $0x38;
	[tilespmem:$0x12E00] =	vst v63  }
0x69: {  	_ =	swait.ge [sflag:s14], $0x1000  }
0x6a: {  	[sflag:s14] =	ssyncset.done $0x0  }
0x6b: {  	s9 =	rddreg [dreg:$0x18];
	[sflag:s14] =	ssyncadd.s32 $0xFFFFF000  }
0x6c: {  	[spmem:s9] =	stream.linear.scatter [tilespmem:s13], [sflag:$0x5], $0x1000, $0x38;
	[tilespmem:$0x12E00] =	vst v63  }
0x6d: {  	_ =	swait.ge [sflag:s14], $0x1000  }
0x6e: {  	[sflag:s14] =	ssyncset.done $0x0  }
0x6f: {  	s18 =	rddreg [dreg:$0x19];
	[sflag:s14] =	ssyncadd.s32 $0xFFFFF000  }
0x70: {  	[spmem:s18] =	stream.linear.scatter [tilespmem:s13], [sflag:$0x5], $0x1000, $0x38;
	[tilespmem:$0x12E00] =	vst v63  }
0x71: {  	_ =	swait.ge [sflag:s14], $0x1000  }
0x72: {  	[sflag:s14] =	ssyncset.done $0x0  }
0x73: {  	s24 =	rddreg [dreg:$0x1a];
	[sflag:s14] =	ssyncadd.s32 $0xFFFFF000  }
0x74: {  	[spmem:s24] =	stream.linear.scatter [tilespmem:s13], [sflag:$0x5], $0x1000, $0x38;
	[tilespmem:$0x12E00] =	vst v63  }
0x75: {  	_ =	swait.ge [sflag:s14], $0x1000  }
0x76: {  	[sflag:s14] =	ssyncset.done $0x0  }
0x77: {  	s25 =	rddreg [dreg:$0x1b];
	[sflag:s14] =	ssyncadd.s32 $0xFFFFF000  }
0x78: {  	[spmem:s25] =	stream.linear.scatter [tilespmem:s13], [sflag:$0x5], $0x1000, $0x38;
	[tilespmem:$0x12E00] =	vst v63  }
0x79: {  	_ =	swait.ge [sflag:s14], $0x1000  }
0x7a: {  	[sflag:s14] =	ssyncset.done $0x0  }
0x7b: {  	[sflag:s14] =	ssyncadd.s32 $0xFFFFF000  }
0x7c: {  	[bflag:$0x0] =	sbarrier.arrive $0xFFFF  }
0x7d: {  	s2 =	simm.s32 $0x6000;
	s30 =	rddreg [dreg:$0x2]  }
0x7e: {  	[tilespmem:s2], [sflag:$0x5] =	stream.linear.gather [hbm4b:s30+s31], $0x400, $0x38;
	[tilespmem:$0x12E00] =	vst v63  }
0x7f: {  	_ =	swait.ge [sflag:s14], $0x400  }
0x80: {  	[sflag:s14] =	ssyncset.done $0x0  }
0x81: {  	s0 =	simm.s32 $0x0;
	[sflag:s14] =	ssyncadd.s32 $0xFFFFFC00  }
.LBB2_4:
0x82: {  	s2 =	sshll.u32 s0, $0x1  }
0x83: {  	s5 =	sadd.s32 s29, s2  }
0x84: {  	s5 =	sshll.u32 s5, $0x2  }
0x85: {  	s9 =	sadd.s32 s1, s5  }
0x86: {  	[tilespmem:s15], [sflag:$0x5] =	stream.linear.gather [hbm4b:s9+s31], $0x20, $0x38;
	[tilespmem:$0x12E00] =	vst v63  }
0x87: {  	_ =	swait.ge [sflag:s14], $0x20  }
0x88: {  	[sflag:s14] =	ssyncset.done $0x0  }
0x89: {  	s5 =	sadd.s32 s8, s5;
	[sflag:s14] =	ssyncadd.s32 $0xFFFFFFE0  }
0x8a: {  	[tilespmem:s16], [sflag:$0x5] =	stream.linear.gather [hbm4b:s5+s31], $0x20, $0x38;
	[tilespmem:$0x12E00] =	vst v63  }
0x8b: {  	_ =	swait.ge [sflag:s14], $0x20  }
0x8c: {  	[sflag:s14] =	ssyncset.done $0x0  }
0x8d: {  	[sflag:s14] =	ssyncadd.s32 $0xFFFFFFE0  }
0x8e: {  	[tilespmem:s31], [sflag:$0x1] =	stream.indirect.gather [hbm4b:s6+s17], $0x80, s15, s17, $0xb8;
	[tilespmem:$0x12E00] =	vst v63  }
0x8f: {  	s18 =	simm.s32 $0x1000  }
0x90: {  	[tilespmem:s18], [sflag:$0x2] =	stream.indirect.gather [hbm4b:s7+s17], $0x80, s16, s17, $0xb8;
	[tilespmem:$0x12E00] =	vst v63  }
0x91: {  	_ =	swait.ge [sflag:s20], $0x1000  }
0x92: {  	[sflag:s20] =	ssyncset.done $0x0  }
0x93: {  	[sflag:s20] =	ssyncadd.s32 $0xFFFFF000  }
0x94: {  	s2 =	sadd.s32 s2, s4;
	_ =	swait.ge [sflag:s21], $0x1000  }
0x95: {  	s2 =	sshll.u32 s2, $0x2;
	[sflag:s21] =	ssyncset.done $0x0  }
0x96: {  	s24 =	sadd.s32 s1, s2;
	[sflag:s21] =	ssyncadd.s32 $0xFFFFF000  }
0x97: {  	[tilespmem:s22], [sflag:$0x5] =	stream.linear.gather [hbm4b:s24+s31], $0x20, $0x38;
	[tilespmem:$0x12E00] =	vst v63  }
0x98: {  	_ =	swait.ge [sflag:s14], $0x20  }
0x99: {  	[sflag:s14] =	ssyncset.done $0x0  }
0x9a: {  	s2 =	sadd.s32 s8, s2;
	[sflag:s14] =	ssyncadd.s32 $0xFFFFFFE0  }
0x9b: {  	[tilespmem:s23], [sflag:$0x5] =	stream.linear.gather [hbm4b:s2+s31], $0x20, $0x38;
	[tilespmem:$0x12E00] =	vst v63  }
0x9c: {  	_ =	swait.ge [sflag:s14], $0x20  }
0x9d: {  	[sflag:s14] =	ssyncset.done $0x0  }
0x9e: {  	s25 =	simm.s32 $0x3000;
	[sflag:s14] =	ssyncadd.s32 $0xFFFFFFE0  }
0x9f: {  	[tilespmem:s25], [sflag:$0x3] =	stream.indirect.gather [hbm4b:s6+s17], $0x80, s22, s17, $0xb8;
	[tilespmem:$0x12E00] =	vst v63  }
0xa0: {  	s30 =	simm.s32 $0x4000;
	s24 =	simm.s32 $0x0  }
0xa1: {  	[tilespmem:s30], [sflag:$0x4] =	stream.indirect.gather [hbm4b:s7+s17], $0x80, s23, s17, $0xb8;
	[tilespmem:$0x12E00] =	vst v63  }
0xa2: {  	v9 =	vld.idx.msk [tilespmem:v0+s24+$0xFFFFFFE0 ss:$0x1], $0xffff  }
0xa3: {  	v10 =	vld.idx.msk [tilespmem:v1+s24+$0xFFFFFFE0 ss:$0x1], $0xffff;
	_ =	sdelay $0x3  }
0xa4: {  	s2 =	sshrl.u32 s19, $0x2  }
0xa5: {  	v11 =	vld [tilespmem:s2+$0x6000];
	v10 =	vadd.f32 v10, v9;
	_ =	sdelay $0x1  }
0xa6: {  	v12 =	vmul.f32 $2.000000030e-01, v10  }
0xa7: {  	vm0 =	vgt.f32 v10, $0.0e+00  }
0xa8: {  	v10 =	vsel vm0, v10, v12  }
0xa9: {  	v10 =	vmul.f32 v10, v11;
	_ =	sdelay $0x1  }
0xaa: {  	(xrf2) =	vadd.scan.msk.f32 $0xffff, v10;
	_ =	sdelay $0x9  }
0xab: {  	v10, _, _ =	vpop (xrf2)  }
0xac: {  	v10 =	vmul.f32 $1.442695020e+00, v10;
	_ =	sdelay $0x1  }
0xad: {  	v10 =	vbroadcast v10, $0xF;
	_ =	sdelay $0x1  }
0xae: {  	(erf) = vpow2.f32 v10;
	_ =	sdelay $0x8  }
0xaf: {  	v11 =	vpop (erf)  }
0xb0: {  	v9 =	vmul.f32 v11, v9;
	_ =	sdelay $0x1  }
0xb1: {  	[tilespmem:s24+$0x2000] =	vst v9  }
0xb2: {  	v9 =	vld.idx.msk [tilespmem:v0+s24+$0xFFFFFFF0 ss:$0x1], $0xffff  }
0xb3: {  	v10 =	vld.idx.msk [tilespmem:v1+s24+$0xFFFFFFF0 ss:$0x1], $0xffff;
	_ =	sdelay $0x3  }
0xb4: {  	s9 =	sshrl.u32 s10, $0x2  }
0xb5: {  	v58 =	vld [tilespmem:s9+$0x6000];
	v10 =	vadd.f32 v10, v9;
	_ =	sdelay $0x1  }
0xb6: {  	v13 =	vmul.f32 $2.000000030e-01, v10  }
0xb7: {  	vm13 =	vgt.f32 v10, $0.0e+00  }
0xb8: {  	v10 =	vsel vm13, v10, v13  }
0xb9: {  	v10 =	vmul.f32 v10, v58;
	_ =	sdelay $0x1  }
0xba: {  	(xrf2) =	vadd.scan.msk.f32 $0xffff, v10;
	_ =	sdelay $0x9  }
0xbb: {  	v10, _, _ =	vpop (xrf2)  }
0xbc: {  	v10 =	vmul.f32 $1.442695020e+00, v10;
	_ =	sdelay $0x1  }
0xbd: {  	v10 =	vbroadcast v10, $0xF;
	_ =	sdelay $0x1  }
0xbe: {  	(erf) = vpow2.f32 v10;
	_ =	sdelay $0x8  }
0xbf: {  	v59 =	vpop (erf)  }
0xc0: {  	v9 =	vmul.f32 v59, v9;
	_ =	sdelay $0x1  }
0xc1: {  	[tilespmem:s24+$0x2010] =	vst v9  }
0xc2: {  	v9 =	vld.idx.msk [tilespmem:v0+s24+$0x0 ss:$0x1], $0xffff  }
0xc3: {  	v10 =	vld.idx.msk [tilespmem:v1+s24+$0x0 ss:$0x1], $0xffff;
	_ =	sdelay $0x3  }
0xc4: {  	s5 =	sshrl.u32 s11, $0x2  }
0xc5: {  	v60 =	vld [tilespmem:s5+$0x6000];
	v10 =	vadd.f32 v10, v9;
	_ =	sdelay $0x1  }
0xc6: {  	v14 =	vmul.f32 $2.000000030e-01, v10  }
0xc7: {  	vm14 =	vgt.f32 v10, $0.0e+00  }
0xc8: {  	v10 =	vsel vm14, v10, v14  }
0xc9: {  	v10 =	vmul.f32 v10, v60;
	_ =	sdelay $0x1  }
0xca: {  	(xrf2) =	vadd.scan.msk.f32 $0xffff, v10;
	_ =	sdelay $0x9  }
0xcb: {  	v10, _, _ =	vpop (xrf2)  }
0xcc: {  	v10 =	vmul.f32 $1.442695020e+00, v10;
	_ =	sdelay $0x1  }
0xcd: {  	v10 =	vbroadcast v10, $0xF;
	_ =	sdelay $0x1  }
0xce: {  	(erf) = vpow2.f32 v10;
	_ =	sdelay $0x8  }
0xcf: {  	v61 =	vpop (erf)  }
0xd0: {  	v9 =	vmul.f32 v61, v9;
	_ =	sdelay $0x1  }
0xd1: {  	[tilespmem:s24+$0x2020] =	vst v9  }
0xd2: {  	v10 =	vld.idx.msk [tilespmem:v0+s24+$0x10 ss:$0x1], $0xffff  }
0xd3: {  	v9 =	vld.idx.msk [tilespmem:v1+s24+$0x10 ss:$0x1], $0xffff;
	_ =	sdelay $0x3  }
0xd4: {  	s18 =	sshrl.u32 s12, $0x2  }
0xd5: {  	v62 =	vld [tilespmem:s18+$0x6000];
	v9 =	vadd.f32 v9, v10;
	_ =	sdelay $0x1  }
0xd6: {  	v15 =	vmul.f32 $2.000000030e-01, v9  }
0xd7: {  	vm15 =	vgt.f32 v9, $0.0e+00  }
0xd8: {  	v9 =	vsel vm15, v9, v15  }
0xd9: {  	v9 =	vmul.f32 v9, v62;
	_ =	sdelay $0x1  }
0xda: {  	(xrf2) =	vadd.scan.msk.f32 $0xffff, v9;
	_ =	sdelay $0x9  }
0xdb: {  	v9, _, _ =	vpop (xrf2)  }
0xdc: {  	v9 =	vmul.f32 $1.442695020e+00, v9;
	_ =	sdelay $0x1  }
0xdd: {  	v9 =	vbroadcast v9, $0xF;
	_ =	sdelay $0x1  }
0xde: {  	(erf) = vpow2.f32 v9;
	_ =	sdelay $0x2  }
0xdf: {  	v9 =	vmul.f32 v5, v11;
	_ =	sdelay $0x1  }
0xe0: {  	v11 =	vmul.f32 v6, v59;
	v9 =	vadd.f32 $0.0e+00, v9;
	_ =	sdelay $0x1  }
0xe1: {  	v63 =	vmul.f32 v7, v61;
	v9 =	vadd.f32 v11, v9;
	_ =	sdelay $0x1  }
0xe2: {  	s25 =	simm.s32 $0x200;
	v9 =	vadd.f32 v63, v9;
	v11 =	vpop (erf)  }
.LBB2_5:
0xe3: {  	p0 =	sne.s32 s25, $0x3E00;
	v10 =	vmul.f32 v11, v10;
	v11 =	vmul.f32 v8, v11;
	s30 =	smov.u32 s25;
	s25 =	sadd.s32 $0x200, s25  }
0xe4: {  	_ = 	snop  }
0xe5: {  	[tilespmem:s24+$0x2030] =	vst v10;
	v9 =	vadd.f32 v11, v9;
	_ =	sdelay $0x1  }
0xe6: {  	[tilespmem:s24+$0x2040] =	vst v9;
	s24 =	sshra.s32 s30, $0x2  }
0xe7: {  	v9 =	vld.idx.msk [tilespmem:v0+s24+$0xFFFFFFE0 ss:$0x1], $0xffff  }
0xe8: {  	v10 =	vld.idx.msk [tilespmem:v1+s24+$0xFFFFFFE0 ss:$0x1], $0xffff;
	_ =	sdelay $0x4  }
0xe9: {  	v11 =	vld [tilespmem:s2+$0x6000]  }
0xea: {  	v10 =	vadd.f32 v10, v9;
	_ =	sdelay $0x1  }
0xeb: {  	vm0 =	vgt.f32 v10, $0.0e+00;
	v12 =	vmul.f32 $2.000000030e-01, v10;
	_ =	sdelay $0x1  }
0xec: {  	v10 =	vsel vm0, v10, v12  }
0xed: {  	v10 =	vmul.f32 v10, v11;
	_ =	sdelay $0x1  }
0xee: {  	(xrf2) =	vadd.scan.msk.f32 $0xffff, v10;
	_ =	sdelay $0x9  }
0xef: {  	v10, _, _ =	vpop (xrf2)  }
0xf0: {  	v10 =	vmul.f32 $1.442695020e+00, v10;
	_ =	sdelay $0x1  }
0xf1: {  	v10 =	vbroadcast v10, $0xF;
	_ =	sdelay $0x1  }
0xf2: {  	(erf) = vpow2.f32 v10;
	_ =	sdelay $0x8  }
0xf3: {  	v10 =	vpop (erf)  }
0xf4: {  	v11 =	vmul.f32 v10, v9;
	v9 =	vmul.f32 v5, v10;
	_ =	sdelay $0x1  }
0xf5: {  	[tilespmem:s24+$0x2000] =	vst v11  }
0xf6: {  	v10 =	vld.idx.msk [tilespmem:v0+s24+$0xFFFFFFF0 ss:$0x1], $0xffff  }
0xf7: {  	v11 =	vld.idx.msk [tilespmem:v1+s24+$0xFFFFFFF0 ss:$0x1], $0xffff;
	_ =	sdelay $0x3  }
0xf8: {  	v12 =	vld [tilespmem:s9+$0x6000];
	_ =	sdelay $0x1  }
0xf9: {  	v11 =	vadd.f32 v11, v10;
	_ =	sdelay $0x1  }
0xfa: {  	vm0 =	vgt.f32 v11, $0.0e+00;
	v13 =	vmul.f32 $2.000000030e-01, v11;
	_ =	sdelay $0x1  }
0xfb: {  	v11 =	vsel vm0, v11, v13  }
0xfc: {  	v11 =	vmul.f32 v11, v12;
	_ =	sdelay $0x1  }
0xfd: {  	(xrf2) =	vadd.scan.msk.f32 $0xffff, v11;
	_ =	sdelay $0x9  }
0xfe: {  	v11, _, _ =	vpop (xrf2)  }
0xff: {  	v11 =	vmul.f32 $1.442695020e+00, v11;
	_ =	sdelay $0x1  }
0x100: {  	v11 =	vbroadcast v11, $0xF;
	_ =	sdelay $0x1  }
0x101: {  	(erf) = vpow2.f32 v11;
	_ =	sdelay $0x8  }
0x102: {  	v11 =	vpop (erf)  }
0x103: {  	v10 =	vmul.f32 v11, v10;
	v11 =	vmul.f32 v6, v11;
	_ =	sdelay $0x1  }
0x104: {  	[tilespmem:s24+$0x2010] =	vst v10  }
0x105: {  	v10 =	vld.idx.msk [tilespmem:v0+s24+$0x0 ss:$0x1], $0xffff  }
0x106: {  	v12 =	vld.idx.msk [tilespmem:v1+s24+$0x0 ss:$0x1], $0xffff;
	_ =	sdelay $0x2  }
0x107: {  	v13 =	vld [tilespmem:s5+$0x6000];
	_ =	sdelay $0x2  }
0x108: {  	v12 =	vadd.f32 v12, v10;
	_ =	sdelay $0x1  }
0x109: {  	vm0 =	vgt.f32 v12, $0.0e+00;
	v14 =	vmul.f32 $2.000000030e-01, v12;
	_ =	sdelay $0x1  }
0x10a: {  	v12 =	vsel vm0, v12, v14  }
0x10b: {  	v12 =	vmul.f32 v12, v13;
	_ =	sdelay $0x1  }
0x10c: {  	(xrf2) =	vadd.scan.msk.f32 $0xffff, v12;
	_ =	sdelay $0x9  }
0x10d: {  	v12, _, _ =	vpop (xrf2)  }
0x10e: {  	v12 =	vmul.f32 $1.442695020e+00, v12;
	_ =	sdelay $0x1  }
0x10f: {  	v12 =	vbroadcast v12, $0xF;
	_ =	sdelay $0x1  }
0x110: {  	(erf) = vpow2.f32 v12;
	_ =	sdelay $0x8  }
0x111: {  	v12 =	vpop (erf)  }
0x112: {  	v10 =	vmul.f32 v12, v10;
	v12 =	vmul.f32 v7, v12;
	_ =	sdelay $0x1  }
0x113: {  	[tilespmem:s24+$0x2020] =	vst v10  }
0x114: {  	v10 =	vld.idx.msk [tilespmem:v0+s24+$0x10 ss:$0x1], $0xffff  }
0x115: {  	v13 =	vld.idx.msk [tilespmem:v1+s24+$0x10 ss:$0x1], $0xffff;
	_ =	sdelay $0x1  }
0x116: {  	v14 =	vld [tilespmem:s18+$0x6000];
	_ =	sdelay $0x3  }
0x117: {  	v13 =	vadd.f32 v13, v10;
	_ =	sdelay $0x1  }
0x118: {  	vm0 =	vgt.f32 v13, $0.0e+00;
	v15 =	vmul.f32 $2.000000030e-01, v13;
	_ =	sdelay $0x1  }
0x119: {  	v13 =	vsel vm0, v13, v15  }
0x11a: {  	v13 =	vmul.f32 v13, v14;
	_ =	sdelay $0x1  }
0x11b: {  	(xrf2) =	vadd.scan.msk.f32 $0xffff, v13;
	_ =	sdelay $0x9  }
0x11c: {  	v13, _, _ =	vpop (xrf2)  }
0x11d: {  	v13 =	vmul.f32 $1.442695020e+00, v13;
	_ =	sdelay $0x1  }
0x11e: {  	v13 =	vbroadcast v13, $0xF;
	_ =	sdelay $0x1  }
0x11f: {  	(erf) = vpow2.f32 v13;
	_ =	sdelay $0x1  }
0x120: {  	v9 =	vadd.f32 $0.0e+00, v9;
	_ =	sdelay $0x1  }
0x121: {  	v9 =	vadd.f32 v11, v9  }
.Ltmp1:
0x122: {  	(pc) =	sbr.rel @p0 .LBB2_5-.Ltmp1, $2  }
0x123: {  	v9 =	vadd.f32 v12, v9;
	_ =	sdelay $0x2  }
0x124: {  	v11 =	vpop (erf)  }
0x125: {  	v12 =	vmul.f32 v8, v11  }
0x126: {  	v10 =	vmul.f32 v11, v10  }
0x127: {  	v9 =	vadd.f32 v12, v9  }
0x128: {  	[tilespmem:s24+$0x2030] =	vst v10  }
0x129: {  	[tilespmem:s24+$0x2040] =	vst v9  }
0x12a: {  	[spmem:s3] =	stream.indirect.scatter.add.f32 [tilespmem:s13], [sflag:$0x5], $0x50, s16, s17, $0xb8;
	[tilespmem:$0x12E00] =	vst v63  }
0x12b: {  	_ =	swait.ge [sflag:s14], $0xA00  }
0x12c: {  	[sflag:s14] =	ssyncset.done $0x0  }
0x12d: {  	[sflag:s14] =	ssyncadd.s32 $0xFFFFF600  }
0x12e: {  	_ =	swait.ge [sflag:s26], $0x1000  }
0x12f: {  	[sflag:s26] =	ssyncset.done $0x0  }
0x130: {  	[sflag:s26] =	ssyncadd.s32 $0xFFFFF000  }
0x131: {  	_ =	swait.ge [sflag:s28], $0x1000  }
0x132: {  	[sflag:s28] =	ssyncset.done $0x0  }
0x133: {  	s24 =	simm.s32 $0x0;
	[sflag:s28] =	ssyncadd.s32 $0xFFFFF000  }
0x134: {  	v9 =	vld.idx.msk [tilespmem:v3+s24+$0xFFFFFFE0 ss:$0x1], $0xffff  }
0x135: {  	v10 =	vld.idx.msk [tilespmem:v4+s24+$0xFFFFFFE0 ss:$0x1], $0xffff;
	_ =	sdelay $0x4  }
0x136: {  	v11 =	vld [tilespmem:s2+$0x6000];
	v10 =	vadd.f32 v10, v9;
	_ =	sdelay $0x1  }
0x137: {  	v57 =	vmul.f32 $2.000000030e-01, v10  }
0x138: {  	vm0 =	vgt.f32 v10, $0.0e+00  }
0x139: {  	v10 =	vsel vm0, v10, v57  }
0x13a: {  	v10 =	vmul.f32 v10, v11;
	_ =	sdelay $0x1  }
0x13b: {  	(xrf2) =	vadd.scan.msk.f32 $0xffff, v10;
	_ =	sdelay $0x9  }
0x13c: {  	v10, _, _ =	vpop (xrf2)  }
0x13d: {  	v10 =	vmul.f32 $1.442695020e+00, v10;
	_ =	sdelay $0x1  }
0x13e: {  	v10 =	vbroadcast v10, $0xF;
	_ =	sdelay $0x1  }
0x13f: {  	(erf) = vpow2.f32 v10;
	_ =	sdelay $0x8  }
0x140: {  	v11 =	vpop (erf)  }
0x141: {  	v9 =	vmul.f32 v11, v9;
	_ =	sdelay $0x1  }
0x142: {  	[tilespmem:s24+$0x5000] =	vst v9  }
0x143: {  	v9 =	vld.idx.msk [tilespmem:v3+s24+$0xFFFFFFF0 ss:$0x1], $0xffff  }
0x144: {  	v10 =	vld.idx.msk [tilespmem:v4+s24+$0xFFFFFFF0 ss:$0x1], $0xffff;
	_ =	sdelay $0x4  }
0x145: {  	v58 =	vld [tilespmem:s9+$0x6000];
	v10 =	vadd.f32 v10, v9;
	_ =	sdelay $0x1  }
0x146: {  	v13 =	vmul.f32 $2.000000030e-01, v10  }
0x147: {  	vm13 =	vgt.f32 v10, $0.0e+00  }
0x148: {  	v10 =	vsel vm13, v10, v13  }
0x149: {  	v10 =	vmul.f32 v10, v58;
	_ =	sdelay $0x1  }
0x14a: {  	(xrf2) =	vadd.scan.msk.f32 $0xffff, v10;
	_ =	sdelay $0x9  }
0x14b: {  	v10, _, _ =	vpop (xrf2)  }
0x14c: {  	v10 =	vmul.f32 $1.442695020e+00, v10;
	_ =	sdelay $0x1  }
0x14d: {  	v10 =	vbroadcast v10, $0xF;
	_ =	sdelay $0x1  }
0x14e: {  	(erf) = vpow2.f32 v10;
	_ =	sdelay $0x8  }
0x14f: {  	v59 =	vpop (erf)  }
0x150: {  	v9 =	vmul.f32 v59, v9;
	_ =	sdelay $0x1  }
0x151: {  	[tilespmem:s24+$0x5010] =	vst v9  }
0x152: {  	v9 =	vld.idx.msk [tilespmem:v3+s24+$0x0 ss:$0x1], $0xffff  }
0x153: {  	v10 =	vld.idx.msk [tilespmem:v4+s24+$0x0 ss:$0x1], $0xffff;
	_ =	sdelay $0x4  }
0x154: {  	v60 =	vld [tilespmem:s5+$0x6000];
	v10 =	vadd.f32 v10, v9;
	_ =	sdelay $0x1  }
0x155: {  	v14 =	vmul.f32 $2.000000030e-01, v10  }
0x156: {  	vm14 =	vgt.f32 v10, $0.0e+00  }
0x157: {  	v10 =	vsel vm14, v10, v14  }
0x158: {  	v10 =	vmul.f32 v10, v60;
	_ =	sdelay $0x1  }
0x159: {  	(xrf2) =	vadd.scan.msk.f32 $0xffff, v10;
	_ =	sdelay $0x9  }
0x15a: {  	v10, _, _ =	vpop (xrf2)  }
0x15b: {  	v10 =	vmul.f32 $1.442695020e+00, v10;
	_ =	sdelay $0x1  }
0x15c: {  	v10 =	vbroadcast v10, $0xF;
	_ =	sdelay $0x1  }
0x15d: {  	(erf) = vpow2.f32 v10;
	_ =	sdelay $0x8  }
0x15e: {  	v61 =	vpop (erf)  }
0x15f: {  	v9 =	vmul.f32 v61, v9;
	_ =	sdelay $0x1  }
0x160: {  	[tilespmem:s24+$0x5020] =	vst v9  }
0x161: {  	v10 =	vld.idx.msk [tilespmem:v3+s24+$0x10 ss:$0x1], $0xffff  }
0x162: {  	v9 =	vld.idx.msk [tilespmem:v4+s24+$0x10 ss:$0x1], $0xffff;
	_ =	sdelay $0x4  }
0x163: {  	v62 =	vld [tilespmem:s18+$0x6000];
	v9 =	vadd.f32 v9, v10;
	_ =	sdelay $0x1  }
0x164: {  	v15 =	vmul.f32 $2.000000030e-01, v9  }
0x165: {  	vm15 =	vgt.f32 v9, $0.0e+00  }
0x166: {  	v9 =	vsel vm15, v9, v15  }
0x167: {  	v9 =	vmul.f32 v9, v62;
	_ =	sdelay $0x1  }
0x168: {  	(xrf2) =	vadd.scan.msk.f32 $0xffff, v9;
	_ =	sdelay $0x9  }
0x169: {  	v9, _, _ =	vpop (xrf2)  }
0x16a: {  	v9 =	vmul.f32 $1.442695020e+00, v9;
	_ =	sdelay $0x1  }
0x16b: {  	v9 =	vbroadcast v9, $0xF;
	_ =	sdelay $0x1  }
0x16c: {  	(erf) = vpow2.f32 v9;
	_ =	sdelay $0x2  }
0x16d: {  	v9 =	vmul.f32 v5, v11;
	_ =	sdelay $0x1  }
0x16e: {  	v11 =	vmul.f32 v6, v59;
	v9 =	vadd.f32 $0.0e+00, v9;
	_ =	sdelay $0x1  }
0x16f: {  	v63 =	vmul.f32 v7, v61;
	v9 =	vadd.f32 v11, v9;
	_ =	sdelay $0x1  }
0x170: {  	s25 =	simm.s32 $0x200;
	v9 =	vadd.f32 v63, v9;
	v11 =	vpop (erf)  }
.LBB2_7:
0x171: {  	p0 =	sne.s32 s25, $0x3E00;
	v10 =	vmul.f32 v11, v10;
	v11 =	vmul.f32 v8, v11;
	s30 =	smov.u32 s25;
	s25 =	sadd.s32 $0x200, s25  }
0x172: {  	_ = 	snop  }
0x173: {  	[tilespmem:s24+$0x5030] =	vst v10;
	v9 =	vadd.f32 v11, v9;
	_ =	sdelay $0x1  }
0x174: {  	[tilespmem:s24+$0x5040] =	vst v9;
	s24 =	sshra.s32 s30, $0x2  }
0x175: {  	v9 =	vld.idx.msk [tilespmem:v3+s24+$0xFFFFFFE0 ss:$0x1], $0xffff  }
0x176: {  	v10 =	vld.idx.msk [tilespmem:v4+s24+$0xFFFFFFE0 ss:$0x1], $0xffff;
	_ =	sdelay $0x4  }
0x177: {  	v11 =	vld [tilespmem:s2+$0x6000]  }
0x178: {  	v10 =	vadd.f32 v10, v9;
	_ =	sdelay $0x1  }
0x179: {  	vm0 =	vgt.f32 v10, $0.0e+00;
	v12 =	vmul.f32 $2.000000030e-01, v10;
	_ =	sdelay $0x1  }
0x17a: {  	v10 =	vsel vm0, v10, v12  }
0x17b: {  	v10 =	vmul.f32 v10, v11;
	_ =	sdelay $0x1  }
0x17c: {  	(xrf2) =	vadd.scan.msk.f32 $0xffff, v10;
	_ =	sdelay $0x9  }
0x17d: {  	v10, _, _ =	vpop (xrf2)  }
0x17e: {  	v10 =	vmul.f32 $1.442695020e+00, v10;
	_ =	sdelay $0x1  }
0x17f: {  	v10 =	vbroadcast v10, $0xF;
	_ =	sdelay $0x1  }
0x180: {  	(erf) = vpow2.f32 v10;
	_ =	sdelay $0x8  }
0x181: {  	v10 =	vpop (erf)  }
0x182: {  	v11 =	vmul.f32 v10, v9;
	v9 =	vmul.f32 v5, v10;
	_ =	sdelay $0x1  }
0x183: {  	[tilespmem:s24+$0x5000] =	vst v11  }
0x184: {  	v10 =	vld.idx.msk [tilespmem:v3+s24+$0xFFFFFFF0 ss:$0x1], $0xffff  }
0x185: {  	v11 =	vld.idx.msk [tilespmem:v4+s24+$0xFFFFFFF0 ss:$0x1], $0xffff;
	_ =	sdelay $0x3  }
0x186: {  	v12 =	vld [tilespmem:s9+$0x6000];
	_ =	sdelay $0x1  }
0x187: {  	v11 =	vadd.f32 v11, v10;
	_ =	sdelay $0x1  }
0x188: {  	vm0 =	vgt.f32 v11, $0.0e+00;
	v13 =	vmul.f32 $2.000000030e-01, v11;
	_ =	sdelay $0x1  }
0x189: {  	v11 =	vsel vm0, v11, v13  }
0x18a: {  	v11 =	vmul.f32 v11, v12;
	_ =	sdelay $0x1  }
0x18b: {  	(xrf2) =	vadd.scan.msk.f32 $0xffff, v11;
	_ =	sdelay $0x9  }
0x18c: {  	v11, _, _ =	vpop (xrf2)  }
0x18d: {  	v11 =	vmul.f32 $1.442695020e+00, v11;
	_ =	sdelay $0x1  }
0x18e: {  	v11 =	vbroadcast v11, $0xF;
	_ =	sdelay $0x1  }
0x18f: {  	(erf) = vpow2.f32 v11;
	_ =	sdelay $0x8  }
0x190: {  	v11 =	vpop (erf)  }
0x191: {  	v10 =	vmul.f32 v11, v10;
	v11 =	vmul.f32 v6, v11;
	_ =	sdelay $0x1  }
0x192: {  	[tilespmem:s24+$0x5010] =	vst v10  }
0x193: {  	v10 =	vld.idx.msk [tilespmem:v3+s24+$0x0 ss:$0x1], $0xffff  }
0x194: {  	v12 =	vld.idx.msk [tilespmem:v4+s24+$0x0 ss:$0x1], $0xffff;
	_ =	sdelay $0x2  }
0x195: {  	v13 =	vld [tilespmem:s5+$0x6000];
	_ =	sdelay $0x2  }
0x196: {  	v12 =	vadd.f32 v12, v10;
	_ =	sdelay $0x1  }
0x197: {  	vm0 =	vgt.f32 v12, $0.0e+00;
	v14 =	vmul.f32 $2.000000030e-01, v12;
	_ =	sdelay $0x1  }
0x198: {  	v12 =	vsel vm0, v12, v14  }
0x199: {  	v12 =	vmul.f32 v12, v13;
	_ =	sdelay $0x1  }
0x19a: {  	(xrf2) =	vadd.scan.msk.f32 $0xffff, v12;
	_ =	sdelay $0x9  }
0x19b: {  	v12, _, _ =	vpop (xrf2)  }
0x19c: {  	v12 =	vmul.f32 $1.442695020e+00, v12;
	_ =	sdelay $0x1  }
0x19d: {  	v12 =	vbroadcast v12, $0xF;
	_ =	sdelay $0x1  }
0x19e: {  	(erf) = vpow2.f32 v12;
	_ =	sdelay $0x8  }
0x19f: {  	v12 =	vpop (erf)  }
0x1a0: {  	v10 =	vmul.f32 v12, v10;
	v12 =	vmul.f32 v7, v12;
	_ =	sdelay $0x1  }
0x1a1: {  	[tilespmem:s24+$0x5020] =	vst v10  }
0x1a2: {  	v10 =	vld.idx.msk [tilespmem:v3+s24+$0x10 ss:$0x1], $0xffff  }
0x1a3: {  	v13 =	vld.idx.msk [tilespmem:v4+s24+$0x10 ss:$0x1], $0xffff;
	_ =	sdelay $0x1  }
0x1a4: {  	v14 =	vld [tilespmem:s18+$0x6000];
	_ =	sdelay $0x3  }
0x1a5: {  	v13 =	vadd.f32 v13, v10;
	_ =	sdelay $0x1  }
0x1a6: {  	vm0 =	vgt.f32 v13, $0.0e+00;
	v15 =	vmul.f32 $2.000000030e-01, v13;
	_ =	sdelay $0x1  }
0x1a7: {  	v13 =	vsel vm0, v13, v15  }
0x1a8: {  	v13 =	vmul.f32 v13, v14;
	_ =	sdelay $0x1  }
0x1a9: {  	(xrf2) =	vadd.scan.msk.f32 $0xffff, v13;
	_ =	sdelay $0x9  }
0x1aa: {  	v13, _, _ =	vpop (xrf2)  }
0x1ab: {  	v13 =	vmul.f32 $1.442695020e+00, v13;
	_ =	sdelay $0x1  }
0x1ac: {  	v13 =	vbroadcast v13, $0xF;
	_ =	sdelay $0x1  }
0x1ad: {  	(erf) = vpow2.f32 v13;
	_ =	sdelay $0x1  }
0x1ae: {  	v9 =	vadd.f32 $0.0e+00, v9;
	_ =	sdelay $0x1  }
0x1af: {  	v9 =	vadd.f32 v11, v9  }
.Ltmp2:
0x1b0: {  	(pc) =	sbr.rel @p0 .LBB2_7-.Ltmp2, $2  }
0x1b1: {  	v9 =	vadd.f32 v12, v9;
	_ =	sdelay $0x2  }
0x1b2: {  	v11 =	vpop (erf)  }
0x1b3: {  	v12 =	vmul.f32 v8, v11  }
0x1b4: {  	v10 =	vmul.f32 v11, v10  }
0x1b5: {  	s0 =	sadd.s32 $0x1, s0;
	v9 =	vadd.f32 v12, v9  }
0x1b6: {  	p0 =	sne.s32 s0, $0x143;
	[tilespmem:s24+$0x5030] =	vst v10  }
.Ltmp3:
0x1b7: {  	s2 =	simm.s32 $0x5000;
	[tilespmem:s24+$0x5040] =	vst v9;
	(pc) =	sbr.rel @p0 .LBB2_4-.Ltmp3, $4  }
0x1b8: {  	[spmem:s3] =	stream.indirect.scatter.add.f32 [tilespmem:s2], [sflag:$0x5], $0x50, s23, s17, $0xb8;
	[tilespmem:$0x12E00] =	vst v63  }
0x1b9: {  	_ =	swait.ge [sflag:s14], $0xA00  }
0x1ba: {  	[sflag:s14] =	ssyncset.done $0x0  }
0x1bb: {  	[sflag:s14] =	ssyncadd.s32 $0xFFFFF600  }
0x1bc: {  	s0 =	stileid.u32;
	[bflag:$0x0] =	sbarrier.arrive $0xFFFF  }
0x1bd: {  	s0 =	sshll.u32 s0, $0x6;
	s24 =	rddreg [dreg:$0x6]  }
0x1be: {  	s5 =	rddreg [dreg:$0x10];
	s0 =	sor.u32 $0x1C05, s0;
	s2 =	sshrl.u32 s24, $0x3  }
0x1bf: {  	[hbm:s5], [sflag:s0] =	dma.local [spmem:s2], $0x2800  }
0x1c0: {  	_ =	swait.ge [sflag:s14], $0x2800  }
0x1c1: {  	s18 =	rddreg [dreg:$0x5]  }
0x1c2: {  	s30 =	rddreg [dreg:$0x11];
	s18 =	sadd.s32 $0x1, s18  }
0x1c3: {  	p0 =	sne.s32 s18, s30  }
.Ltmp4:
0x1c4: {  	_ = 	snop;
	(pc) =	sbr.rel @p0 .LBB2_1-.Ltmp4, $3  }
0x1c5: {  	_ =	sdelay $0x1  }
0x1c6: {  	[sflag:s14] =	ssyncset.done $0x0  }
0x1c7: {  	[sflag:s14] =	ssyncadd.s32 $0xFFFFD800  }
0x1c8: {  	_ =	sfence.sel $0x180000  }
0x1c9: {  	[bflag:$0x0] =	sbarrier.arrive $0xFFFF  }
0x1ca: {  	_ =	strace $0x90000047  }
0x1cb: {  	s0 =	stileid.u32;
	[bflag:$0x2] =	sbarrier.arrive $0xFFFF  }
0x1cc: {  	p0 =	sne.s32 s0, $0x0;
	s0 =	rddreg [dreg:$0x4]  }
0x1cd: {  	s0 =	sadd.s32 @!p0 $0x100000, s0  }
0x1ce: {  	[sflag:s0] =	ssyncadd.tile.s32 @!p0 $0x1;
	_ =	shalt  }
.Lfunc_end2:
_tile_overlayer_lowered:
.L_overlay_start_2:
0x1cf: {  	(tag) =	ssettag $0x2  }
0x1d0: {  	s0 =	rddreg [dreg:$0x0];
	s2 =	stileid.u32  }
0x1d1: {  	s1 =	rddreg [dreg:$0x1];
	p0 =	sne.s32 s2, $0x0  }
0x1d2: {  	s3 =	rddreg [dreg:$0x2];
	[bflag:$0x3] =	sbarrier.arrive $0xFFFF;
	s2 =	simm.s32 @!p0 $0x1C05  }
0x1d3: {  	[timem:s3], [sflag:s2] =	dma.local @!p0 [hbm:s0], s1  }
0x1d4: {  	s0 =	simm.s32 @!p0 $0x5  }
0x1d5: {  	_ =	swait.ge @!p0 [sflag:s0], s1  }
0x1d6: {  	s1 =	ssub.s32 @!p0 $0x0, s1;
	[sflag:s0] =	ssyncset.done @!p0 $0x0  }
0x1d7: {  	[sflag:s0] =	ssyncadd.s32 @!p0 s1  }
0x1d8: {  	[bflag:$0x3] =	sbarrier.arrive $0xFFFF  }
0x1d9: {  	_ =	shalt  }

</sc_bundles>
